<compile_context>
chip_gen: v7x
topology: tpu7x:2x2x1
jax: 0.10.2.dev20260603
libtpu: 0.0.44.dev20260713+nightly
codegen_flags: <defaults>
</compile_context>

<pallas_src>
import functools

import jax
import jax.numpy as jnp
from jax import lax
from jax.experimental import pallas as pl
from jax.experimental.pallas import tpu as pltpu
from jax.experimental.pallas import tpu_sc as plsc

NC = 2
NS = 16
NW = NC * NS
L = 16

D = 64
C = 160


def _make_gather(n_flat):
    bpw = n_flat // NW
    nch = bpw // C
    assert nch % 2 == 0 and nch >= 4

    mesh = plsc.VectorSubcoreMesh(core_axis_name="c", subcore_axis_name="s")

    @functools.partial(
        pl.kernel,
        mesh=mesh,
        out_type=jax.ShapeDtypeStruct((n_flat, D), jnp.float32),
        scratch_types=[
            pltpu.VMEM((C,), jnp.int32),
            pltpu.VMEM((C,), jnp.int32),
            pltpu.VMEM((C,), jnp.int32),
            pltpu.VMEM((C,), jnp.int32),
            pltpu.VMEM((C,), jnp.int32),
            pltpu.VMEM((C,), jnp.int32),
            pltpu.VMEM((C, 2 * D), jnp.float32),
            pltpu.VMEM((C, 2 * D), jnp.float32),
            pltpu.VMEM((C, D), jnp.float32),
            pltpu.VMEM((C, D), jnp.float32),
            pltpu.SemaphoreType.DMA,
            pltpu.SemaphoreType.DMA,
            pltpu.SemaphoreType.DMA,
            pltpu.SemaphoreType.DMA,
            pltpu.SemaphoreType.DMA,
            pltpu.SemaphoreType.DMA,
        ],
        compiler_params=pltpu.CompilerParams(needs_layout_passes=False),
    )
    def gat(tok_hbm, tab2_hbm, out_hbm, tc0, tc1, p0, p1, pv0, pv1,
            g0, g1, cb0, cb1, ts0, ts1, gs0, gs1, os0, os1):
        wid = lax.axis_index("s") * NC + lax.axis_index("c")
        base = wid * bpw
        TC = (tc0, tc1)
        P = (p0, p1)
        PV = (pv0, pv1)
        G = (g0, g1)
        CBF = (cb0, cb1)
        tsem = (ts0, ts1)
        gsem = (gs0, gs1)
        osem = (os0, os1)

        def start_tok(i, b):
            pltpu.async_copy(tok_hbm.at[pl.ds(base + i * C, C)], TC[b],
                             tsem[b])

        def start_gather(i, b):
            pltpu.make_async_copy(tok_hbm.at[pl.ds(base, C)], TC[b],
                                  tsem[b]).wait()

            def mk(k, carry):
                tv = TC[b][pl.ds(k * L, L)]
                P[b][pl.ds(k * L, L)] = lax.shift_right_logical(tv, 1)
                PV[b][pl.ds(k * L, L)] = lax.rem(tv, 2)
                return carry
            lax.fori_loop(0, C // L, mk, 0, unroll=4)
            pltpu.async_copy(tab2_hbm.at[P[b]], G[b], gsem[b])

        def wait_gather(b):
            pltpu.make_async_copy(tab2_hbm.at[P[b]], G[b], gsem[b]).wait()

        def compact(b):
            @plsc.parallel_loop(0, C, 1, unroll=8)
            def _(t):
                g = lax.div(t, L)
                j = lax.rem(t, L)
                parv = PV[b][pl.ds(g * L, L)]
                pred = jnp.take(parv, jnp.broadcast_to(j, (L,))) == 1
                for k in range(0, D, L):
                    lo = G[b][t, pl.ds(k, L)]
                    hi = G[b][t, pl.ds(D + k, L)]
                    CBF[b][t, pl.ds(k, L)] = jnp.where(pred, hi, lo)

        def start_out(i, b):
            pltpu.async_copy(CBF[b], out_hbm.at[pl.ds(base + i * C, C)],
                             osem[b])

        def wait_out(b):
            pltpu.make_async_copy(CBF[b],
                                  out_hbm.at[pl.ds(base, C)], osem[b]).wait()

        start_tok(0, 0)
        start_tok(1, 1)
        start_gather(0, 0)
        start_tok(2, 0)
        start_gather(1, 1)
        start_tok(3, 1)
        for b in (0, 1):
            wait_gather(b)
            compact(b)
            start_out(b, b)
            start_gather(b + 2, b)
            start_tok(b + 4, b)

        def body(i2, carry):
            for b in (0, 1):
                i = 2 * i2 + b
                wait_gather(b)
                wait_out(b)
                compact(b)
                start_out(i, b)

                @pl.when(i + 2 < nch)
                def _():
                    start_gather(i + 2, b)

                @pl.when(i + 4 < nch)
                def _():
                    start_tok(i + 4, b)
            return carry

        lax.fori_loop(1, nch // 2, body, 0)
        wait_out(0)
        wait_out(1)

    return gat


def kernel(tokens, table):
    batch, seq = tokens.shape
    n = batch * seq
    vocab = table.shape[0]
    flat = tokens.reshape(n)
    tab2 = table.reshape(vocab // 2, 2 * D)
    out = _make_gather(n)(flat, tab2)
    return out.reshape(batch, seq, D)

# --- scband reference (transcript-rebuilt; emitter-appended) ---
"""Pipeline reference for scband-speech-token-embedding-55001351192760 (READ-ONLY COPY).

The authoritative reference and input builder live on the scoring server;
editing this copy changes nothing except your own understanding.
"""

import jax, jax.numpy as jnp
import numpy as np

VOCAB = 1000000
EMBED_DIM = 64
BATCH = 4096
SEQ = 200

def setup_inputs(seed: int = 0) -> dict:
    key = jax.random.key(seed)
    k_tok, k_tab = jax.random.split(key)
    tokens = jax.random.randint(k_tok, (BATCH, SEQ), 0, VOCAB, dtype=jnp.int64 if jax.config.jax_enable_x64 else jnp.int32)
    table = jax.random.normal(k_tab, (VOCAB, EMBED_DIM), dtype=jnp.float32)
    return {"tokens": tokens, "table": table}

def reference(tokens, table):
    # nn.Embedding forward: row gather from the embedding table
    return jnp.take(table, tokens, axis=0)

if __name__ == "__main__":
    import jax
    _d = setup_inputs()
    print(jax.jit(kernel)(*tuple(_d.values())))

</pallas_src>

<mosaic_0001>
#map = affine_map<(d0, d1) -> (0)>
#map1 = affine_map<(d0, d1) -> (0, 0)>
module attributes {stable_mosaic.version = 14 : i64} {
  func.func @gat(%arg0: i32, %arg1: i32, %arg2: memref<819200xi32, #tpu.memory_space<hbm>>, %arg3: memref<500000x128xf32, #tpu.memory_space<hbm>>, %arg4: memref<819200x64xf32, #tpu.memory_space<hbm>>, %arg5: memref<160xi32, #tpu.memory_space<vmem>>, %arg6: memref<160xi32, #tpu.memory_space<vmem>>, %arg7: memref<160xi32, #tpu.memory_space<vmem>>, %arg8: memref<160xi32, #tpu.memory_space<vmem>>, %arg9: memref<160xi32, #tpu.memory_space<vmem>>, %arg10: memref<160xi32, #tpu.memory_space<vmem>>, %arg11: memref<160x128xf32, #tpu.memory_space<vmem>>, %arg12: memref<160x128xf32, #tpu.memory_space<vmem>>, %arg13: memref<160x64xf32, #tpu.memory_space<vmem>>, %arg14: memref<160x64xf32, #tpu.memory_space<vmem>>, %arg15: memref<!tpu.dma_semaphore, #tpu.memory_space<semaphore_mem>>, %arg16: memref<!tpu.dma_semaphore, #tpu.memory_space<semaphore_mem>>, %arg17: memref<!tpu.dma_semaphore, #tpu.memory_space<semaphore_mem>>, %arg18: memref<!tpu.dma_semaphore, #tpu.memory_space<semaphore_mem>>, %arg19: memref<!tpu.dma_semaphore, #tpu.memory_space<semaphore_mem>>, %arg20: memref<!tpu.dma_semaphore, #tpu.memory_space<semaphore_mem>>) attributes {dimension_semantics = [#tpu.dimension_semantics<core_parallel>, #tpu.dimension_semantics<subcore_parallel>], iteration_bounds = array<i64: 2, 16>, scalar_prefetch = 0 : i64, scratch_operands = 16 : i64, tpu.core_type = #tpu.core_type<sc_vector_subcore>, window_params = [{transform_indices = #map}, {transform_indices = #map1}, {transform_indices = #map1}]} {
    %mul3A = arith.constant 2 : i32
    %mul3A_0 = arith.muli %arg1, %mul3A : i32
    %add3A = arith.addi %mul3A_0, %arg0 : i32
    %mul3A_1 = arith.constant 25600 : i32
    %mul3A_2 = arith.muli %add3A, %mul3A_1 : i32
    %add3A_3 = arith.constant 0 : i32
    %add3A_4 = arith.addi %mul3A_2, %add3A_3 : i32
    %dma_start3A = tpu.memref_slice %arg2[%add3A_4] : memref<819200xi32, #tpu.memory_space<hbm>> -> memref<160xi32, #tpu.memory_space<hbm>>
    %dma_start3A_5 = tpu.memref_slice %arg2[%add3A_4] : memref<819200xi32, #tpu.memory_space<hbm>> -> memref<160xi32, #tpu.memory_space<hbm>>
    tpu.enqueue_dma source(%dma_start3A_5 : memref<160xi32, #tpu.memory_space<hbm>>) target(%arg5 : memref<160xi32, #tpu.memory_space<vmem>>) target_semaphore(%arg15 : memref<!tpu.dma_semaphore, #tpu.memory_space<semaphore_mem>>)
    %add3A_6 = arith.constant 160 : i32
    %add3A_7 = arith.addi %mul3A_2, %add3A_6 : i32
    %dma_start3A_8 = tpu.memref_slice %arg2[%add3A_7] : memref<819200xi32, #tpu.memory_space<hbm>> -> memref<160xi32, #tpu.memory_space<hbm>>
    %dma_start3A_9 = tpu.memref_slice %arg2[%add3A_7] : memref<819200xi32, #tpu.memory_space<hbm>> -> memref<160xi32, #tpu.memory_space<hbm>>
    tpu.enqueue_dma source(%dma_start3A_9 : memref<160xi32, #tpu.memory_space<hbm>>) target(%arg6 : memref<160xi32, #tpu.memory_space<vmem>>) target_semaphore(%arg16 : memref<!tpu.dma_semaphore, #tpu.memory_space<semaphore_mem>>)
    %dma_wait3A = tpu.memref_slice %arg2[%mul3A_2] : memref<819200xi32, #tpu.memory_space<hbm>> -> memref<160xi32, #tpu.memory_space<hbm>>
    %dma_wait3A_10 = tpu.memref_slice %arg2[%mul3A_2] : memref<819200xi32, #tpu.memory_space<hbm>> -> memref<160xi32, #tpu.memory_space<hbm>>
    tpu.wait_dma2 semaphore(%arg15 : memref<!tpu.dma_semaphore, #tpu.memory_space<semaphore_mem>>) src(%dma_wait3A_10 : memref<160xi32, #tpu.memory_space<hbm>>) dst(%arg5 : memref<160xi32, #tpu.memory_space<vmem>>)
    %scan3A = arith.constant 0 : i32
    %scan3A_11 = arith.constant 0 : i32
    %scan3A_12 = arith.constant 8 : i32
    %scan3A_13 = arith.addi %scan3A_11, %scan3A_12 : i32
    %scan3A_14 = arith.constant 4 : i32
    scf.for %scan3A_261 = %scan3A_11 to %scan3A_13 step %scan3A_14  : i32 {
      %mul3A_262 = arith.constant 16 : i32
      %mul3A_263 = arith.muli %scan3A_261, %mul3A_262 : i32
      %get3A_264 = arith.index_cast %mul3A_263 : i32 to index
      %get3A_265 = tpu.vector_load %arg5[%get3A_264] {strides = array<i32>} : memref<160xi32, #tpu.memory_space<vmem>>, vector<16xi32>,
      %shift_right_logical3A_266 = arith.constant 1 : i32
      %shift_right_logical3A_267 = vector.broadcast %shift_right_logical3A_266 : i32 to vector<16xi32>
      %shift_right_logical3A_268 = arith.shrui %get3A_265, %shift_right_logical3A_267 : vector<16xi32>
      %mul3A_269 = arith.constant 16 : i32
      %mul3A_270 = arith.muli %scan3A_261, %mul3A_269 : i32
      %swap3A_271 = arith.index_cast %mul3A_270 : i32 to index
      %swap3A_272 = tpu.vector_load %arg7[%swap3A_271] {strides = array<i32>} : memref<160xi32, #tpu.memory_space<vmem>>, vector<16xi32>,
      tpu.vector_store %arg7[%swap3A_271], %shift_right_logical3A_268 {strides = array<i32>} : memref<160xi32, #tpu.memory_space<vmem>>, vector<16xi32>,
      %rem3A_273 = arith.constant 2 : i32
      %rem3A_274 = vector.broadcast %rem3A_273 : i32 to vector<16xi32>
      %rem3A_275 = arith.remsi %get3A_265, %rem3A_274 : vector<16xi32>
      %mul3A_276 = arith.constant 16 : i32
      %mul3A_277 = arith.muli %scan3A_261, %mul3A_276 : i32
      %swap3A_278 = arith.index_cast %mul3A_277 : i32 to index
      %swap3A_279 = tpu.vector_load %arg9[%swap3A_278] {strides = array<i32>} : memref<160xi32, #tpu.memory_space<vmem>>, vector<16xi32>,
      tpu.vector_store %arg9[%swap3A_278], %rem3A_275 {strides = array<i32>} : memref<160xi32, #tpu.memory_space<vmem>>, vector<16xi32>,
      %scan3A_280 = arith.constant 1 : i32
      %scan3A_281 = arith.addi %scan3A_261, %scan3A_280 : i32
      %mul3A_282 = arith.constant 16 : i32
      %mul3A_283 = arith.muli %scan3A_281, %mul3A_282 : i32
      %get3A_284 = arith.index_cast %mul3A_283 : i32 to index
      %get3A_285 = tpu.vector_load %arg5[%get3A_284] {strides = array<i32>} : memref<160xi32, #tpu.memory_space<vmem>>, vector<16xi32>,
      %shift_right_logical3A_286 = arith.constant 1 : i32
      %shift_right_logical3A_287 = vector.broadcast %shift_right_logical3A_286 : i32 to vector<16xi32>
      %shift_right_logical3A_288 = arith.shrui %get3A_285, %shift_right_logical3A_287 : vector<16xi32>
      %mul3A_289 = arith.constant 16 : i32
      %mul3A_290 = arith.muli %scan3A_281, %mul3A_289 : i32
      %swap3A_291 = arith.index_cast %mul3A_290 : i32 to index
      %swap3A_292 = tpu.vector_load %arg7[%swap3A_291] {strides = array<i32>} : memref<160xi32, #tpu.memory_space<vmem>>, vector<16xi32>,
      tpu.vector_store %arg7[%swap3A_291], %shift_right_logical3A_288 {strides = array<i32>} : memref<160xi32, #tpu.memory_space<vmem>>, vector<16xi32>,
      %rem3A_293 = arith.constant 2 : i32
      %rem3A_294 = vector.broadcast %rem3A_293 : i32 to vector<16xi32>
      %rem3A_295 = arith.remsi %get3A_285, %rem3A_294 : vector<16xi32>
      %mul3A_296 = arith.constant 16 : i32
      %mul3A_297 = arith.muli %scan3A_281, %mul3A_296 : i32
      %swap3A_298 = arith.index_cast %mul3A_297 : i32 to index
      %swap3A_299 = tpu.vector_load %arg9[%swap3A_298] {strides = array<i32>} : memref<160xi32, #tpu.memory_space<vmem>>, vector<16xi32>,
      tpu.vector_store %arg9[%swap3A_298], %rem3A_295 {strides = array<i32>} : memref<160xi32, #tpu.memory_space<vmem>>, vector<16xi32>,
      %scan3A_300 = arith.constant 2 : i32
      %scan3A_301 = arith.addi %scan3A_261, %scan3A_300 : i32
      %mul3A_302 = arith.constant 16 : i32
      %mul3A_303 = arith.muli %scan3A_301, %mul3A_302 : i32
      %get3A_304 = arith.index_cast %mul3A_303 : i32 to index
      %get3A_305 = tpu.vector_load %arg5[%get3A_304] {strides = array<i32>} : memref<160xi32, #tpu.memory_space<vmem>>, vector<16xi32>,
      %shift_right_logical3A_306 = arith.constant 1 : i32
      %shift_right_logical3A_307 = vector.broadcast %shift_right_logical3A_306 : i32 to vector<16xi32>
      %shift_right_logical3A_308 = arith.shrui %get3A_305, %shift_right_logical3A_307 : vector<16xi32>
      %mul3A_309 = arith.constant 16 : i32
      %mul3A_310 = arith.muli %scan3A_301, %mul3A_309 : i32
      %swap3A_311 = arith.index_cast %mul3A_310 : i32 to index
      %swap3A_312 = tpu.vector_load %arg7[%swap3A_311] {strides = array<i32>} : memref<160xi32, #tpu.memory_space<vmem>>, vector<16xi32>,
      tpu.vector_store %arg7[%swap3A_311], %shift_right_logical3A_308 {strides = array<i32>} : memref<160xi32, #tpu.memory_space<vmem>>, vector<16xi32>,
      %rem3A_313 = arith.constant 2 : i32
      %rem3A_314 = vector.broadcast %rem3A_313 : i32 to vector<16xi32>
      %rem3A_315 = arith.remsi %get3A_305, %rem3A_314 : vector<16xi32>
      %mul3A_316 = arith.constant 16 : i32
      %mul3A_317 = arith.muli %scan3A_301, %mul3A_316 : i32
      %swap3A_318 = arith.index_cast %mul3A_317 : i32 to index
      %swap3A_319 = tpu.vector_load %arg9[%swap3A_318] {strides = array<i32>} : memref<160xi32, #tpu.memory_space<vmem>>, vector<16xi32>,
      tpu.vector_store %arg9[%swap3A_318], %rem3A_315 {strides = array<i32>} : memref<160xi32, #tpu.memory_space<vmem>>, vector<16xi32>,
      %scan3A_320 = arith.constant 3 : i32
      %scan3A_321 = arith.addi %scan3A_261, %scan3A_320 : i32
      %mul3A_322 = arith.constant 16 : i32
      %mul3A_323 = arith.muli %scan3A_321, %mul3A_322 : i32
      %get3A_324 = arith.index_cast %mul3A_323 : i32 to index
      %get3A_325 = tpu.vector_load %arg5[%get3A_324] {strides = array<i32>} : memref<160xi32, #tpu.memory_space<vmem>>, vector<16xi32>,
      %shift_right_logical3A_326 = arith.constant 1 : i32
      %shift_right_logical3A_327 = vector.broadcast %shift_right_logical3A_326 : i32 to vector<16xi32>
      %shift_right_logical3A_328 = arith.shrui %get3A_325, %shift_right_logical3A_327 : vector<16xi32>
      %mul3A_329 = arith.constant 16 : i32
      %mul3A_330 = arith.muli %scan3A_321, %mul3A_329 : i32
      %swap3A_331 = arith.index_cast %mul3A_330 : i32 to index
      %swap3A_332 = tpu.vector_load %arg7[%swap3A_331] {strides = array<i32>} : memref<160xi32, #tpu.memory_space<vmem>>, vector<16xi32>,
      tpu.vector_store %arg7[%swap3A_331], %shift_right_logical3A_328 {strides = array<i32>} : memref<160xi32, #tpu.memory_space<vmem>>, vector<16xi32>,
      %rem3A_333 = arith.constant 2 : i32
      %rem3A_334 = vector.broadcast %rem3A_333 : i32 to vector<16xi32>
      %rem3A_335 = arith.remsi %get3A_325, %rem3A_334 : vector<16xi32>
      %mul3A_336 = arith.constant 16 : i32
      %mul3A_337 = arith.muli %scan3A_321, %mul3A_336 : i32
      %swap3A_338 = arith.index_cast %mul3A_337 : i32 to index
      %swap3A_339 = tpu.vector_load %arg9[%swap3A_338] {strides = array<i32>} : memref<160xi32, #tpu.memory_space<vmem>>, vector<16xi32>,
      tpu.vector_store %arg9[%swap3A_338], %rem3A_335 {strides = array<i32>} : memref<160xi32, #tpu.memory_space<vmem>>, vector<16xi32>,
    }
    %scan3A_15 = arith.constant 8 : i32
    %scan3A_16 = arith.addi %scan3A_11, %scan3A_15 : i32
    %mul3A_17 = arith.constant 16 : i32
    %mul3A_18 = arith.muli %scan3A_16, %mul3A_17 : i32
    %get3A = arith.index_cast %mul3A_18 : i32 to index
    %get3A_19 = tpu.vector_load %arg5[%get3A] {strides = array<i32>} : memref<160xi32, #tpu.memory_space<vmem>>, vector<16xi32>,
    %shift_right_logical3A = arith.constant 1 : i32
    %shift_right_logical3A_20 = vector.broadcast %shift_right_logical3A : i32 to vector<16xi32>
    %shift_right_logical3A_21 = arith.shrui %get3A_19, %shift_right_logical3A_20 : vector<16xi32>
    %mul3A_22 = arith.constant 16 : i32
    %mul3A_23 = arith.muli %scan3A_16, %mul3A_22 : i32
    %swap3A = arith.index_cast %mul3A_23 : i32 to index
    %swap3A_24 = tpu.vector_load %arg7[%swap3A] {strides = array<i32>} : memref<160xi32, #tpu.memory_space<vmem>>, vector<16xi32>,
    tpu.vector_store %arg7[%swap3A], %shift_right_logical3A_21 {strides = array<i32>} : memref<160xi32, #tpu.memory_space<vmem>>, vector<16xi32>,
    %rem3A = arith.constant 2 : i32
    %rem3A_25 = vector.broadcast %rem3A : i32 to vector<16xi32>
    %rem3A_26 = arith.remsi %get3A_19, %rem3A_25 : vector<16xi32>
    %mul3A_27 = arith.constant 16 : i32
    %mul3A_28 = arith.muli %scan3A_16, %mul3A_27 : i32
    %swap3A_29 = arith.index_cast %mul3A_28 : i32 to index
    %swap3A_30 = tpu.vector_load %arg9[%swap3A_29] {strides = array<i32>} : memref<160xi32, #tpu.memory_space<vmem>>, vector<16xi32>,
    tpu.vector_store %arg9[%swap3A_29], %rem3A_26 {strides = array<i32>} : memref<160xi32, #tpu.memory_space<vmem>>, vector<16xi32>,
    %scan3A_31 = arith.constant 9 : i32
    %scan3A_32 = arith.addi %scan3A_11, %scan3A_31 : i32
    %mul3A_33 = arith.constant 16 : i32
    %mul3A_34 = arith.muli %scan3A_32, %mul3A_33 : i32
    %get3A_35 = arith.index_cast %mul3A_34 : i32 to index
    %get3A_36 = tpu.vector_load %arg5[%get3A_35] {strides = array<i32>} : memref<160xi32, #tpu.memory_space<vmem>>, vector<16xi32>,
    %shift_right_logical3A_37 = arith.constant 1 : i32
    %shift_right_logical3A_38 = vector.broadcast %shift_right_logical3A_37 : i32 to vector<16xi32>
    %shift_right_logical3A_39 = arith.shrui %get3A_36, %shift_right_logical3A_38 : vector<16xi32>
    %mul3A_40 = arith.constant 16 : i32
    %mul3A_41 = arith.muli %scan3A_32, %mul3A_40 : i32
    %swap3A_42 = arith.index_cast %mul3A_41 : i32 to index
    %swap3A_43 = tpu.vector_load %arg7[%swap3A_42] {strides = array<i32>} : memref<160xi32, #tpu.memory_space<vmem>>, vector<16xi32>,
    tpu.vector_store %arg7[%swap3A_42], %shift_right_logical3A_39 {strides = array<i32>} : memref<160xi32, #tpu.memory_space<vmem>>, vector<16xi32>,
    %rem3A_44 = arith.constant 2 : i32
    %rem3A_45 = vector.broadcast %rem3A_44 : i32 to vector<16xi32>
    %rem3A_46 = arith.remsi %get3A_36, %rem3A_45 : vector<16xi32>
    %mul3A_47 = arith.constant 16 : i32
    %mul3A_48 = arith.muli %scan3A_32, %mul3A_47 : i32
    %swap3A_49 = arith.index_cast %mul3A_48 : i32 to index
    %swap3A_50 = tpu.vector_load %arg9[%swap3A_49] {strides = array<i32>} : memref<160xi32, #tpu.memory_space<vmem>>, vector<16xi32>,
    tpu.vector_store %arg9[%swap3A_49], %rem3A_46 {strides = array<i32>} : memref<160xi32, #tpu.memory_space<vmem>>, vector<16xi32>,
    %scan3A_51 = arith.constant 10 : i32
    %dma_start3A_52 = arith.constant 0 : i32
    %dma_start3A_53 = arith.constant 0 : i32
    %dma_start3A_54 = tpu.memref_slice %arg3[%dma_start3A_52, %dma_start3A_53] : memref<500000x128xf32, #tpu.memory_space<hbm>> -> memref<500000x128xf32, #tpu.memory_space<hbm>>
    tpu.enqueue_indirect_dma source(%dma_start3A_54 : memref<500000x128xf32, #tpu.memory_space<hbm>>) target(%arg11 : memref<160x128xf32, #tpu.memory_space<vmem>>) offsets(%arg7 : memref<160xi32, #tpu.memory_space<vmem>>) semaphore(%arg17 : memref<!tpu.dma_semaphore, #tpu.memory_space<semaphore_mem>>)
    %add3A_55 = arith.constant 320 : i32
    %add3A_56 = arith.addi %mul3A_2, %add3A_55 : i32
    %dma_start3A_57 = tpu.memref_slice %arg2[%add3A_56] : memref<819200xi32, #tpu.memory_space<hbm>> -> memref<160xi32, #tpu.memory_space<hbm>>
    %dma_start3A_58 = tpu.memref_slice %arg2[%add3A_56] : memref<819200xi32, #tpu.memory_space<hbm>> -> memref<160xi32, #tpu.memory_space<hbm>>
    tpu.enqueue_dma source(%dma_start3A_58 : memref<160xi32, #tpu.memory_space<hbm>>) target(%arg5 : memref<160xi32, #tpu.memory_space<vmem>>) target_semaphore(%arg15 : memref<!tpu.dma_semaphore, #tpu.memory_space<semaphore_mem>>)
    %dma_wait3A_59 = tpu.memref_slice %arg2[%mul3A_2] : memref<819200xi32, #tpu.memory_space<hbm>> -> memref<160xi32, #tpu.memory_space<hbm>>
    %dma_wait3A_60 = tpu.memref_slice %arg2[%mul3A_2] : memref<819200xi32, #tpu.memory_space<hbm>> -> memref<160xi32, #tpu.memory_space<hbm>>
    tpu.wait_dma2 semaphore(%arg16 : memref<!tpu.dma_semaphore, #tpu.memory_space<semaphore_mem>>) src(%dma_wait3A_60 : memref<160xi32, #tpu.memory_space<hbm>>) dst(%arg6 : memref<160xi32, #tpu.memory_space<vmem>>)
    %scan3A_61 = arith.constant 0 : i32
    %scan3A_62 = arith.constant 0 : i32
    %scan3A_63 = arith.constant 8 : i32
    %scan3A_64 = arith.addi %scan3A_62, %scan3A_63 : i32
    %scan3A_65 = arith.constant 4 : i32
    scf.for %scan3A_261 = %scan3A_62 to %scan3A_64 step %scan3A_65  : i32 {
      %mul3A_262 = arith.constant 16 : i32
      %mul3A_263 = arith.muli %scan3A_261, %mul3A_262 : i32
      %get3A_264 = arith.index_cast %mul3A_263 : i32 to index
      %get3A_265 = tpu.vector_load %arg6[%get3A_264] {strides = array<i32>} : memref<160xi32, #tpu.memory_space<vmem>>, vector<16xi32>,
      %shift_right_logical3A_266 = arith.constant 1 : i32
      %shift_right_logical3A_267 = vector.broadcast %shift_right_logical3A_266 : i32 to vector<16xi32>
      %shift_right_logical3A_268 = arith.shrui %get3A_265, %shift_right_logical3A_267 : vector<16xi32>
      %mul3A_269 = arith.constant 16 : i32
      %mul3A_270 = arith.muli %scan3A_261, %mul3A_269 : i32
      %swap3A_271 = arith.index_cast %mul3A_270 : i32 to index
      %swap3A_272 = tpu.vector_load %arg8[%swap3A_271] {strides = array<i32>} : memref<160xi32, #tpu.memory_space<vmem>>, vector<16xi32>,
      tpu.vector_store %arg8[%swap3A_271], %shift_right_logical3A_268 {strides = array<i32>} : memref<160xi32, #tpu.memory_space<vmem>>, vector<16xi32>,
      %rem3A_273 = arith.constant 2 : i32
      %rem3A_274 = vector.broadcast %rem3A_273 : i32 to vector<16xi32>
      %rem3A_275 = arith.remsi %get3A_265, %rem3A_274 : vector<16xi32>
      %mul3A_276 = arith.constant 16 : i32
      %mul3A_277 = arith.muli %scan3A_261, %mul3A_276 : i32
      %swap3A_278 = arith.index_cast %mul3A_277 : i32 to index
      %swap3A_279 = tpu.vector_load %arg10[%swap3A_278] {strides = array<i32>} : memref<160xi32, #tpu.memory_space<vmem>>, vector<16xi32>,
      tpu.vector_store %arg10[%swap3A_278], %rem3A_275 {strides = array<i32>} : memref<160xi32, #tpu.memory_space<vmem>>, vector<16xi32>,
      %scan3A_280 = arith.constant 1 : i32
      %scan3A_281 = arith.addi %scan3A_261, %scan3A_280 : i32
      %mul3A_282 = arith.constant 16 : i32
      %mul3A_283 = arith.muli %scan3A_281, %mul3A_282 : i32
      %get3A_284 = arith.index_cast %mul3A_283 : i32 to index
      %get3A_285 = tpu.vector_load %arg6[%get3A_284] {strides = array<i32>} : memref<160xi32, #tpu.memory_space<vmem>>, vector<16xi32>,
      %shift_right_logical3A_286 = arith.constant 1 : i32
      %shift_right_logical3A_287 = vector.broadcast %shift_right_logical3A_286 : i32 to vector<16xi32>
      %shift_right_logical3A_288 = arith.shrui %get3A_285, %shift_right_logical3A_287 : vector<16xi32>
      %mul3A_289 = arith.constant 16 : i32
      %mul3A_290 = arith.muli %scan3A_281, %mul3A_289 : i32
      %swap3A_291 = arith.index_cast %mul3A_290 : i32 to index
      %swap3A_292 = tpu.vector_load %arg8[%swap3A_291] {strides = array<i32>} : memref<160xi32, #tpu.memory_space<vmem>>, vector<16xi32>,
      tpu.vector_store %arg8[%swap3A_291], %shift_right_logical3A_288 {strides = array<i32>} : memref<160xi32, #tpu.memory_space<vmem>>, vector<16xi32>,
      %rem3A_293 = arith.constant 2 : i32
      %rem3A_294 = vector.broadcast %rem3A_293 : i32 to vector<16xi32>
      %rem3A_295 = arith.remsi %get3A_285, %rem3A_294 : vector<16xi32>
      %mul3A_296 = arith.constant 16 : i32
      %mul3A_297 = arith.muli %scan3A_281, %mul3A_296 : i32
      %swap3A_298 = arith.index_cast %mul3A_297 : i32 to index
      %swap3A_299 = tpu.vector_load %arg10[%swap3A_298] {strides = array<i32>} : memref<160xi32, #tpu.memory_space<vmem>>, vector<16xi32>,
      tpu.vector_store %arg10[%swap3A_298], %rem3A_295 {strides = array<i32>} : memref<160xi32, #tpu.memory_space<vmem>>, vector<16xi32>,
      %scan3A_300 = arith.constant 2 : i32
      %scan3A_301 = arith.addi %scan3A_261, %scan3A_300 : i32
      %mul3A_302 = arith.constant 16 : i32
      %mul3A_303 = arith.muli %scan3A_301, %mul3A_302 : i32
      %get3A_304 = arith.index_cast %mul3A_303 : i32 to index
      %get3A_305 = tpu.vector_load %arg6[%get3A_304] {strides = array<i32>} : memref<160xi32, #tpu.memory_space<vmem>>, vector<16xi32>,
      %shift_right_logical3A_306 = arith.constant 1 : i32
      %shift_right_logical3A_307 = vector.broadcast %shift_right_logical3A_306 : i32 to vector<16xi32>
      %shift_right_logical3A_308 = arith.shrui %get3A_305, %shift_right_logical3A_307 : vector<16xi32>
      %mul3A_309 = arith.constant 16 : i32
      %mul3A_310 = arith.muli %scan3A_301, %mul3A_309 : i32
      %swap3A_311 = arith.index_cast %mul3A_310 : i32 to index
      %swap3A_312 = tpu.vector_load %arg8[%swap3A_311] {strides = array<i32>} : memref<160xi32, #tpu.memory_space<vmem>>, vector<16xi32>,
      tpu.vector_store %arg8[%swap3A_311], %shift_right_logical3A_308 {strides = array<i32>} : memref<160xi32, #tpu.memory_space<vmem>>, vector<16xi32>,
      %rem3A_313 = arith.constant 2 : i32
      %rem3A_314 = vector.broadcast %rem3A_313 : i32 to vector<16xi32>
      %rem3A_315 = arith.remsi %get3A_305, %rem3A_314 : vector<16xi32>
      %mul3A_316 = arith.constant 16 : i32
      %mul3A_317 = arith.muli %scan3A_301, %mul3A_316 : i32
      %swap3A_318 = arith.index_cast %mul3A_317 : i32 to index
      %swap3A_319 = tpu.vector_load %arg10[%swap3A_318] {strides = array<i32>} : memref<160xi32, #tpu.memory_space<vmem>>, vector<16xi32>,
      tpu.vector_store %arg10[%swap3A_318], %rem3A_315 {strides = array<i32>} : memref<160xi32, #tpu.memory_space<vmem>>, vector<16xi32>,
      %scan3A_320 = arith.constant 3 : i32
      %scan3A_321 = arith.addi %scan3A_261, %scan3A_320 : i32
      %mul3A_322 = arith.constant 16 : i32
      %mul3A_323 = arith.muli %scan3A_321, %mul3A_322 : i32
      %get3A_324 = arith.index_cast %mul3A_323 : i32 to index
      %get3A_325 = tpu.vector_load %arg6[%get3A_324] {strides = array<i32>} : memref<160xi32, #tpu.memory_space<vmem>>, vector<16xi32>,
      %shift_right_logical3A_326 = arith.constant 1 : i32
      %shift_right_logical3A_327 = vector.broadcast %shift_right_logical3A_326 : i32 to vector<16xi32>
      %shift_right_logical3A_328 = arith.shrui %get3A_325, %shift_right_logical3A_327 : vector<16xi32>
      %mul3A_329 = arith.constant 16 : i32
      %mul3A_330 = arith.muli %scan3A_321, %mul3A_329 : i32
      %swap3A_331 = arith.index_cast %mul3A_330 : i32 to index
      %swap3A_332 = tpu.vector_load %arg8[%swap3A_331] {strides = array<i32>} : memref<160xi32, #tpu.memory_space<vmem>>, vector<16xi32>,
      tpu.vector_store %arg8[%swap3A_331], %shift_right_logical3A_328 {strides = array<i32>} : memref<160xi32, #tpu.memory_space<vmem>>, vector<16xi32>,
      %rem3A_333 = arith.constant 2 : i32
      %rem3A_334 = vector.broadcast %rem3A_333 : i32 to vector<16xi32>
      %rem3A_335 = arith.remsi %get3A_325, %rem3A_334 : vector<16xi32>
      %mul3A_336 = arith.constant 16 : i32
      %mul3A_337 = arith.muli %scan3A_321, %mul3A_336 : i32
      %swap3A_338 = arith.index_cast %mul3A_337 : i32 to index
      %swap3A_339 = tpu.vector_load %arg10[%swap3A_338] {strides = array<i32>} : memref<160xi32, #tpu.memory_space<vmem>>, vector<16xi32>,
      tpu.vector_store %arg10[%swap3A_338], %rem3A_335 {strides = array<i32>} : memref<160xi32, #tpu.memory_space<vmem>>, vector<16xi32>,
    }
    %scan3A_66 = arith.constant 8 : i32
    %scan3A_67 = arith.addi %scan3A_62, %scan3A_66 : i32
    %mul3A_68 = arith.constant 16 : i32
    %mul3A_69 = arith.muli %scan3A_67, %mul3A_68 : i32
    %get3A_70 = arith.index_cast %mul3A_69 : i32 to index
    %get3A_71 = tpu.vector_load %arg6[%get3A_70] {strides = array<i32>} : memref<160xi32, #tpu.memory_space<vmem>>, vector<16xi32>,
    %shift_right_logical3A_72 = arith.constant 1 : i32
    %shift_right_logical3A_73 = vector.broadcast %shift_right_logical3A_72 : i32 to vector<16xi32>
    %shift_right_logical3A_74 = arith.shrui %get3A_71, %shift_right_logical3A_73 : vector<16xi32>
    %mul3A_75 = arith.constant 16 : i32
    %mul3A_76 = arith.muli %scan3A_67, %mul3A_75 : i32
    %swap3A_77 = arith.index_cast %mul3A_76 : i32 to index
    %swap3A_78 = tpu.vector_load %arg8[%swap3A_77] {strides = array<i32>} : memref<160xi32, #tpu.memory_space<vmem>>, vector<16xi32>,
    tpu.vector_store %arg8[%swap3A_77], %shift_right_logical3A_74 {strides = array<i32>} : memref<160xi32, #tpu.memory_space<vmem>>, vector<16xi32>,
    %rem3A_79 = arith.constant 2 : i32
    %rem3A_80 = vector.broadcast %rem3A_79 : i32 to vector<16xi32>
    %rem3A_81 = arith.remsi %get3A_71, %rem3A_80 : vector<16xi32>
    %mul3A_82 = arith.constant 16 : i32
    %mul3A_83 = arith.muli %scan3A_67, %mul3A_82 : i32
    %swap3A_84 = arith.index_cast %mul3A_83 : i32 to index
    %swap3A_85 = tpu.vector_load %arg10[%swap3A_84] {strides = array<i32>} : memref<160xi32, #tpu.memory_space<vmem>>, vector<16xi32>,
    tpu.vector_store %arg10[%swap3A_84], %rem3A_81 {strides = array<i32>} : memref<160xi32, #tpu.memory_space<vmem>>, vector<16xi32>,
    %scan3A_86 = arith.constant 9 : i32
    %scan3A_87 = arith.addi %scan3A_62, %scan3A_86 : i32
    %mul3A_88 = arith.constant 16 : i32
    %mul3A_89 = arith.muli %scan3A_87, %mul3A_88 : i32
    %get3A_90 = arith.index_cast %mul3A_89 : i32 to index
    %get3A_91 = tpu.vector_load %arg6[%get3A_90] {strides = array<i32>} : memref<160xi32, #tpu.memory_space<vmem>>, vector<16xi32>,
    %shift_right_logical3A_92 = arith.constant 1 : i32
    %shift_right_logical3A_93 = vector.broadcast %shift_right_logical3A_92 : i32 to vector<16xi32>
    %shift_right_logical3A_94 = arith.shrui %get3A_91, %shift_right_logical3A_93 : vector<16xi32>
    %mul3A_95 = arith.constant 16 : i32
    %mul3A_96 = arith.muli %scan3A_87, %mul3A_95 : i32
    %swap3A_97 = arith.index_cast %mul3A_96 : i32 to index
    %swap3A_98 = tpu.vector_load %arg8[%swap3A_97] {strides = array<i32>} : memref<160xi32, #tpu.memory_space<vmem>>, vector<16xi32>,
    tpu.vector_store %arg8[%swap3A_97], %shift_right_logical3A_94 {strides = array<i32>} : memref<160xi32, #tpu.memory_space<vmem>>, vector<16xi32>,
    %rem3A_99 = arith.constant 2 : i32
    %rem3A_100 = vector.broadcast %rem3A_99 : i32 to vector<16xi32>
    %rem3A_101 = arith.remsi %get3A_91, %rem3A_100 : vector<16xi32>
    %mul3A_102 = arith.constant 16 : i32
    %mul3A_103 = arith.muli %scan3A_87, %mul3A_102 : i32
    %swap3A_104 = arith.index_cast %mul3A_103 : i32 to index
    %swap3A_105 = tpu.vector_load %arg10[%swap3A_104] {strides = array<i32>} : memref<160xi32, #tpu.memory_space<vmem>>, vector<16xi32>,
    tpu.vector_store %arg10[%swap3A_104], %rem3A_101 {strides = array<i32>} : memref<160xi32, #tpu.memory_space<vmem>>, vector<16xi32>,
    %scan3A_106 = arith.constant 10 : i32
    %dma_start3A_107 = arith.constant 0 : i32
    %dma_start3A_108 = arith.constant 0 : i32
    %dma_start3A_109 = tpu.memref_slice %arg3[%dma_start3A_107, %dma_start3A_108] : memref<500000x128xf32, #tpu.memory_space<hbm>> -> memref<500000x128xf32, #tpu.memory_space<hbm>>
    tpu.enqueue_indirect_dma source(%dma_start3A_109 : memref<500000x128xf32, #tpu.memory_space<hbm>>) target(%arg12 : memref<160x128xf32, #tpu.memory_space<vmem>>) offsets(%arg8 : memref<160xi32, #tpu.memory_space<vmem>>) semaphore(%arg18 : memref<!tpu.dma_semaphore, #tpu.memory_space<semaphore_mem>>)
    %add3A_110 = arith.constant 480 : i32
    %add3A_111 = arith.addi %mul3A_2, %add3A_110 : i32
    %dma_start3A_112 = tpu.memref_slice %arg2[%add3A_111] : memref<819200xi32, #tpu.memory_space<hbm>> -> memref<160xi32, #tpu.memory_space<hbm>>
    %dma_start3A_113 = tpu.memref_slice %arg2[%add3A_111] : memref<819200xi32, #tpu.memory_space<hbm>> -> memref<160xi32, #tpu.memory_space<hbm>>
    tpu.enqueue_dma source(%dma_start3A_113 : memref<160xi32, #tpu.memory_space<hbm>>) target(%arg6 : memref<160xi32, #tpu.memory_space<vmem>>) target_semaphore(%arg16 : memref<!tpu.dma_semaphore, #tpu.memory_space<semaphore_mem>>)
    %dma_wait3A_114 = arith.constant 0 : i32
    %dma_wait3A_115 = arith.constant 0 : i32
    %dma_wait3A_116 = tpu.memref_slice %arg3[%dma_wait3A_114, %dma_wait3A_115] : memref<500000x128xf32, #tpu.memory_space<hbm>> -> memref<500000x128xf32, #tpu.memory_space<hbm>>
    tpu.wait_indirect_dma semaphore(%arg17 : memref<!tpu.dma_semaphore, #tpu.memory_space<semaphore_mem>>) src(%dma_wait3A_116 : memref<500000x128xf32, #tpu.memory_space<hbm>>) dst(%arg11 : memref<160x128xf32, #tpu.memory_space<vmem>>)
    %parallel_loop3A = arith.constant 0 : i32
    %parallel_loop3A_117 = arith.constant 160 : i32
    %parallel_loop3A_118 = arith.constant 1 : i32
    scf.for %parallel_loop3A_261 = %parallel_loop3A to %parallel_loop3A_117 step %parallel_loop3A_118  : i32 {
      %parallel_loop3A_262 = arith.constant 16 : i32
      %parallel_loop3A_263 = arith.divsi %parallel_loop3A_261, %parallel_loop3A_262 : i32
      %parallel_loop3A_264 = arith.constant 16 : i32
      %parallel_loop3A_265 = arith.remsi %parallel_loop3A_261, %parallel_loop3A_264 : i32
      %parallel_loop3A_266 = arith.constant 16 : i32
      %parallel_loop3A_267 = arith.muli %parallel_loop3A_263, %parallel_loop3A_266 : i32
      %parallel_loop3A_268 = arith.index_cast %parallel_loop3A_267 : i32 to index
      %parallel_loop3A_269 = tpu.vector_load %arg9[%parallel_loop3A_268] {strides = array<i32>} : memref<160xi32, #tpu.memory_space<vmem>>, vector<16xi32>,
      %parallel_loop3A_270 = vector.broadcast %parallel_loop3A_265 : i32 to vector<16xi32>
      %parallel_loop3A_271 = arith.constant 0 : i32
      %parallel_loop3A_272 = vector.broadcast %parallel_loop3A_271 : i32 to vector<16xi32>
      %parallel_loop3A_273 = arith.cmpi slt, %parallel_loop3A_270, %parallel_loop3A_272 : vector<16xi32>
      %parallel_loop3A_274 = arith.constant 16 : i32
      %parallel_loop3A_275 = vector.broadcast %parallel_loop3A_274 : i32 to vector<16xi32>
      %parallel_loop3A_276 = arith.addi %parallel_loop3A_270, %parallel_loop3A_275 : vector<16xi32>
      %parallel_loop3A_277 = arith.select %parallel_loop3A_273, %parallel_loop3A_276, %parallel_loop3A_270 : vector<16xi1>, vector<16xi32>
      %parallel_loop3A_278 = vector.shape_cast %parallel_loop3A_277 : vector<16xi32> to vector<16x1xi32>
      %parallel_loop3A_279 = vector.shape_cast %parallel_loop3A_278 : vector<16x1xi32> to vector<16xi32>
      %parallel_loop3A_280 = tpu.dynamic_gather %parallel_loop3A_269[%parallel_loop3A_279] in [0] : vector<16xi32>, vector<16xi32> -> vector<16xi32>
      %parallel_loop3A_281 = arith.constant 1 : i32
      %parallel_loop3A_282 = vector.broadcast %parallel_loop3A_281 : i32 to vector<16xi32>
      %parallel_loop3A_283 = arith.cmpi eq, %parallel_loop3A_280, %parallel_loop3A_282 : vector<16xi32>
      %parallel_loop3A_284 = arith.index_cast %parallel_loop3A_261 : i32 to index
      %parallel_loop3A_285 = arith.constant 0 : index
      %parallel_loop3A_286 = tpu.vector_load %arg11[%parallel_loop3A_284, %parallel_loop3A_285] {strides = array<i32>} : memref<160x128xf32, #tpu.memory_space<vmem>>, vector<16xf32>,
      %parallel_loop3A_287 = arith.index_cast %parallel_loop3A_261 : i32 to index
      %parallel_loop3A_288 = arith.constant 64 : index
      %parallel_loop3A_289 = tpu.vector_load %arg11[%parallel_loop3A_287, %parallel_loop3A_288] {strides = array<i32>} : memref<160x128xf32, #tpu.memory_space<vmem>>, vector<16xf32>,
      %parallel_loop3A_290 = arith.select %parallel_loop3A_283, %parallel_loop3A_289, %parallel_loop3A_286 : vector<16xi1>, vector<16xf32>
      %parallel_loop3A_291 = arith.index_cast %parallel_loop3A_261 : i32 to index
      %parallel_loop3A_292 = arith.constant 0 : index
      %parallel_loop3A_293 = tpu.vector_load %arg13[%parallel_loop3A_291, %parallel_loop3A_292] {strides = array<i32>} : memref<160x64xf32, #tpu.memory_space<vmem>>, vector<16xf32>,
      tpu.vector_store %arg13[%parallel_loop3A_291, %parallel_loop3A_292], %parallel_loop3A_290 {strides = array<i32>} : memref<160x64xf32, #tpu.memory_space<vmem>>, vector<16xf32>,
      %parallel_loop3A_294 = arith.index_cast %parallel_loop3A_261 : i32 to index
      %parallel_loop3A_295 = arith.constant 16 : index
      %parallel_loop3A_296 = tpu.vector_load %arg11[%parallel_loop3A_294, %parallel_loop3A_295] {strides = array<i32>} : memref<160x128xf32, #tpu.memory_space<vmem>>, vector<16xf32>,
      %parallel_loop3A_297 = arith.index_cast %parallel_loop3A_261 : i32 to index
      %parallel_loop3A_298 = arith.constant 80 : index
      %parallel_loop3A_299 = tpu.vector_load %arg11[%parallel_loop3A_297, %parallel_loop3A_298] {strides = array<i32>} : memref<160x128xf32, #tpu.memory_space<vmem>>, vector<16xf32>,
      %parallel_loop3A_300 = arith.select %parallel_loop3A_283, %parallel_loop3A_299, %parallel_loop3A_296 : vector<16xi1>, vector<16xf32>
      %parallel_loop3A_301 = arith.index_cast %parallel_loop3A_261 : i32 to index
      %parallel_loop3A_302 = arith.constant 16 : index
      %parallel_loop3A_303 = tpu.vector_load %arg13[%parallel_loop3A_301, %parallel_loop3A_302] {strides = array<i32>} : memref<160x64xf32, #tpu.memory_space<vmem>>, vector<16xf32>,
      tpu.vector_store %arg13[%parallel_loop3A_301, %parallel_loop3A_302], %parallel_loop3A_300 {strides = array<i32>} : memref<160x64xf32, #tpu.memory_space<vmem>>, vector<16xf32>,
      %parallel_loop3A_304 = arith.index_cast %parallel_loop3A_261 : i32 to index
      %parallel_loop3A_305 = arith.constant 32 : index
      %parallel_loop3A_306 = tpu.vector_load %arg11[%parallel_loop3A_304, %parallel_loop3A_305] {strides = array<i32>} : memref<160x128xf32, #tpu.memory_space<vmem>>, vector<16xf32>,
      %parallel_loop3A_307 = arith.index_cast %parallel_loop3A_261 : i32 to index
      %parallel_loop3A_308 = arith.constant 96 : index
      %parallel_loop3A_309 = tpu.vector_load %arg11[%parallel_loop3A_307, %parallel_loop3A_308] {strides = array<i32>} : memref<160x128xf32, #tpu.memory_space<vmem>>, vector<16xf32>,
      %parallel_loop3A_310 = arith.select %parallel_loop3A_283, %parallel_loop3A_309, %parallel_loop3A_306 : vector<16xi1>, vector<16xf32>
      %parallel_loop3A_311 = arith.index_cast %parallel_loop3A_261 : i32 to index
      %parallel_loop3A_312 = arith.constant 32 : index
      %parallel_loop3A_313 = tpu.vector_load %arg13[%parallel_loop3A_311, %parallel_loop3A_312] {strides = array<i32>} : memref<160x64xf32, #tpu.memory_space<vmem>>, vector<16xf32>,
      tpu.vector_store %arg13[%parallel_loop3A_311, %parallel_loop3A_312], %parallel_loop3A_310 {strides = array<i32>} : memref<160x64xf32, #tpu.memory_space<vmem>>, vector<16xf32>,
      %parallel_loop3A_314 = arith.index_cast %parallel_loop3A_261 : i32 to index
      %parallel_loop3A_315 = arith.constant 48 : index
      %parallel_loop3A_316 = tpu.vector_load %arg11[%parallel_loop3A_314, %parallel_loop3A_315] {strides = array<i32>} : memref<160x128xf32, #tpu.memory_space<vmem>>, vector<16xf32>,
      %parallel_loop3A_317 = arith.index_cast %parallel_loop3A_261 : i32 to index
      %parallel_loop3A_318 = arith.constant 112 : index
      %parallel_loop3A_319 = tpu.vector_load %arg11[%parallel_loop3A_317, %parallel_loop3A_318] {strides = array<i32>} : memref<160x128xf32, #tpu.memory_space<vmem>>, vector<16xf32>,
      %parallel_loop3A_320 = arith.select %parallel_loop3A_283, %parallel_loop3A_319, %parallel_loop3A_316 : vector<16xi1>, vector<16xf32>
      %parallel_loop3A_321 = arith.index_cast %parallel_loop3A_261 : i32 to index
      %parallel_loop3A_322 = arith.constant 48 : index
      %parallel_loop3A_323 = tpu.vector_load %arg13[%parallel_loop3A_321, %parallel_loop3A_322] {strides = array<i32>} : memref<160x64xf32, #tpu.memory_space<vmem>>, vector<16xf32>,
      tpu.vector_store %arg13[%parallel_loop3A_321, %parallel_loop3A_322], %parallel_loop3A_320 {strides = array<i32>} : memref<160x64xf32, #tpu.memory_space<vmem>>, vector<16xf32>,
    } {sc.loop_unroll_factor = 8 : i64, sc.parallel_access}
    %add3A_119 = arith.constant 0 : i32
    %add3A_120 = arith.addi %mul3A_2, %add3A_119 : i32
    %dma_start3A_121 = arith.constant 0 : i32
    %dma_start3A_122 = tpu.memref_slice %arg4[%add3A_120, %dma_start3A_121] : memref<819200x64xf32, #tpu.memory_space<hbm>> -> memref<160x64xf32, #tpu.memory_space<hbm>>
    %dma_start3A_123 = arith.constant 0 : i32
    %dma_start3A_124 = tpu.memref_slice %arg4[%add3A_120, %dma_start3A_123] : memref<819200x64xf32, #tpu.memory_space<hbm>> -> memref<160x64xf32, #tpu.memory_space<hbm>>
    tpu.enqueue_dma source(%arg13 : memref<160x64xf32, #tpu.memory_space<vmem>>) target(%dma_start3A_124 : memref<160x64xf32, #tpu.memory_space<hbm>>) target_semaphore(%arg19 : memref<!tpu.dma_semaphore, #tpu.memory_space<semaphore_mem>>)
    %dma_wait3A_125 = tpu.memref_slice %arg2[%mul3A_2] : memref<819200xi32, #tpu.memory_space<hbm>> -> memref<160xi32, #tpu.memory_space<hbm>>
    %dma_wait3A_126 = tpu.memref_slice %arg2[%mul3A_2] : memref<819200xi32, #tpu.memory_space<hbm>> -> memref<160xi32, #tpu.memory_space<hbm>>
    tpu.wait_dma2 semaphore(%arg15 : memref<!tpu.dma_semaphore, #tpu.memory_space<semaphore_mem>>) src(%dma_wait3A_126 : memref<160xi32, #tpu.memory_space<hbm>>) dst(%arg5 : memref<160xi32, #tpu.memory_space<vmem>>)
    %scan3A_127 = arith.constant 0 : i32
    %scan3A_128 = arith.constant 0 : i32
    %scan3A_129 = arith.constant 8 : i32
    %scan3A_130 = arith.addi %scan3A_128, %scan3A_129 : i32
    %scan3A_131 = arith.constant 4 : i32
    scf.for %scan3A_261 = %scan3A_128 to %scan3A_130 step %scan3A_131  : i32 {
      %mul3A_262 = arith.constant 16 : i32
      %mul3A_263 = arith.muli %scan3A_261, %mul3A_262 : i32
      %get3A_264 = arith.index_cast %mul3A_263 : i32 to index
      %get3A_265 = tpu.vector_load %arg5[%get3A_264] {strides = array<i32>} : memref<160xi32, #tpu.memory_space<vmem>>, vector<16xi32>,
      %shift_right_logical3A_266 = arith.constant 1 : i32
      %shift_right_logical3A_267 = vector.broadcast %shift_right_logical3A_266 : i32 to vector<16xi32>
      %shift_right_logical3A_268 = arith.shrui %get3A_265, %shift_right_logical3A_267 : vector<16xi32>
      %mul3A_269 = arith.constant 16 : i32
      %mul3A_270 = arith.muli %scan3A_261, %mul3A_269 : i32
      %swap3A_271 = arith.index_cast %mul3A_270 : i32 to index
      %swap3A_272 = tpu.vector_load %arg7[%swap3A_271] {strides = array<i32>} : memref<160xi32, #tpu.memory_space<vmem>>, vector<16xi32>,
      tpu.vector_store %arg7[%swap3A_271], %shift_right_logical3A_268 {strides = array<i32>} : memref<160xi32, #tpu.memory_space<vmem>>, vector<16xi32>,
      %rem3A_273 = arith.constant 2 : i32
      %rem3A_274 = vector.broadcast %rem3A_273 : i32 to vector<16xi32>
      %rem3A_275 = arith.remsi %get3A_265, %rem3A_274 : vector<16xi32>
      %mul3A_276 = arith.constant 16 : i32
      %mul3A_277 = arith.muli %scan3A_261, %mul3A_276 : i32
      %swap3A_278 = arith.index_cast %mul3A_277 : i32 to index
      %swap3A_279 = tpu.vector_load %arg9[%swap3A_278] {strides = array<i32>} : memref<160xi32, #tpu.memory_space<vmem>>, vector<16xi32>,
      tpu.vector_store %arg9[%swap3A_278], %rem3A_275 {strides = array<i32>} : memref<160xi32, #tpu.memory_space<vmem>>, vector<16xi32>,
      %scan3A_280 = arith.constant 1 : i32
      %scan3A_281 = arith.addi %scan3A_261, %scan3A_280 : i32
      %mul3A_282 = arith.constant 16 : i32
      %mul3A_283 = arith.muli %scan3A_281, %mul3A_282 : i32
      %get3A_284 = arith.index_cast %mul3A_283 : i32 to index
      %get3A_285 = tpu.vector_load %arg5[%get3A_284] {strides = array<i32>} : memref<160xi32, #tpu.memory_space<vmem>>, vector<16xi32>,
      %shift_right_logical3A_286 = arith.constant 1 : i32
      %shift_right_logical3A_287 = vector.broadcast %shift_right_logical3A_286 : i32 to vector<16xi32>
      %shift_right_logical3A_288 = arith.shrui %get3A_285, %shift_right_logical3A_287 : vector<16xi32>
      %mul3A_289 = arith.constant 16 : i32
      %mul3A_290 = arith.muli %scan3A_281, %mul3A_289 : i32
      %swap3A_291 = arith.index_cast %mul3A_290 : i32 to index
      %swap3A_292 = tpu.vector_load %arg7[%swap3A_291] {strides = array<i32>} : memref<160xi32, #tpu.memory_space<vmem>>, vector<16xi32>,
      tpu.vector_store %arg7[%swap3A_291], %shift_right_logical3A_288 {strides = array<i32>} : memref<160xi32, #tpu.memory_space<vmem>>, vector<16xi32>,
      %rem3A_293 = arith.constant 2 : i32
      %rem3A_294 = vector.broadcast %rem3A_293 : i32 to vector<16xi32>
      %rem3A_295 = arith.remsi %get3A_285, %rem3A_294 : vector<16xi32>
      %mul3A_296 = arith.constant 16 : i32
      %mul3A_297 = arith.muli %scan3A_281, %mul3A_296 : i32
      %swap3A_298 = arith.index_cast %mul3A_297 : i32 to index
      %swap3A_299 = tpu.vector_load %arg9[%swap3A_298] {strides = array<i32>} : memref<160xi32, #tpu.memory_space<vmem>>, vector<16xi32>,
      tpu.vector_store %arg9[%swap3A_298], %rem3A_295 {strides = array<i32>} : memref<160xi32, #tpu.memory_space<vmem>>, vector<16xi32>,
      %scan3A_300 = arith.constant 2 : i32
      %scan3A_301 = arith.addi %scan3A_261, %scan3A_300 : i32
      %mul3A_302 = arith.constant 16 : i32
      %mul3A_303 = arith.muli %scan3A_301, %mul3A_302 : i32
      %get3A_304 = arith.index_cast %mul3A_303 : i32 to index
      %get3A_305 = tpu.vector_load %arg5[%get3A_304] {strides = array<i32>} : memref<160xi32, #tpu.memory_space<vmem>>, vector<16xi32>,
      %shift_right_logical3A_306 = arith.constant 1 : i32
      %shift_right_logical3A_307 = vector.broadcast %shift_right_logical3A_306 : i32 to vector<16xi32>
      %shift_right_logical3A_308 = arith.shrui %get3A_305, %shift_right_logical3A_307 : vector<16xi32>
      %mul3A_309 = arith.constant 16 : i32
      %mul3A_310 = arith.muli %scan3A_301, %mul3A_309 : i32
      %swap3A_311 = arith.index_cast %mul3A_310 : i32 to index
      %swap3A_312 = tpu.vector_load %arg7[%swap3A_311] {strides = array<i32>} : memref<160xi32, #tpu.memory_space<vmem>>, vector<16xi32>,
      tpu.vector_store %arg7[%swap3A_311], %shift_right_logical3A_308 {strides = array<i32>} : memref<160xi32, #tpu.memory_space<vmem>>, vector<16xi32>,
      %rem3A_313 = arith.constant 2 : i32
      %rem3A_314 = vector.broadcast %rem3A_313 : i32 to vector<16xi32>
      %rem3A_315 = arith.remsi %get3A_305, %rem3A_314 : vector<16xi32>
      %mul3A_316 = arith.constant 16 : i32
      %mul3A_317 = arith.muli %scan3A_301, %mul3A_316 : i32
      %swap3A_318 = arith.index_cast %mul3A_317 : i32 to index
      %swap3A_319 = tpu.vector_load %arg9[%swap3A_318] {strides = array<i32>} : memref<160xi32, #tpu.memory_space<vmem>>, vector<16xi32>,
      tpu.vector_store %arg9[%swap3A_318], %rem3A_315 {strides = array<i32>} : memref<160xi32, #tpu.memory_space<vmem>>, vector<16xi32>,
      %scan3A_320 = arith.constant 3 : i32
      %scan3A_321 = arith.addi %scan3A_261, %scan3A_320 : i32
      %mul3A_322 = arith.constant 16 : i32
      %mul3A_323 = arith.muli %scan3A_321, %mul3A_322 : i32
      %get3A_324 = arith.index_cast %mul3A_323 : i32 to index
      %get3A_325 = tpu.vector_load %arg5[%get3A_324] {strides = array<i32>} : memref<160xi32, #tpu.memory_space<vmem>>, vector<16xi32>,
      %shift_right_logical3A_326 = arith.constant 1 : i32
      %shift_right_logical3A_327 = vector.broadcast %shift_right_logical3A_326 : i32 to vector<16xi32>
      %shift_right_logical3A_328 = arith.shrui %get3A_325, %shift_right_logical3A_327 : vector<16xi32>
      %mul3A_329 = arith.constant 16 : i32
      %mul3A_330 = arith.muli %scan3A_321, %mul3A_329 : i32
      %swap3A_331 = arith.index_cast %mul3A_330 : i32 to index
      %swap3A_332 = tpu.vector_load %arg7[%swap3A_331] {strides = array<i32>} : memref<160xi32, #tpu.memory_space<vmem>>, vector<16xi32>,
      tpu.vector_store %arg7[%swap3A_331], %shift_right_logical3A_328 {strides = array<i32>} : memref<160xi32, #tpu.memory_space<vmem>>, vector<16xi32>,
      %rem3A_333 = arith.constant 2 : i32
      %rem3A_334 = vector.broadcast %rem3A_333 : i32 to vector<16xi32>
      %rem3A_335 = arith.remsi %get3A_325, %rem3A_334 : vector<16xi32>
      %mul3A_336 = arith.constant 16 : i32
      %mul3A_337 = arith.muli %scan3A_321, %mul3A_336 : i32
      %swap3A_338 = arith.index_cast %mul3A_337 : i32 to index
      %swap3A_339 = tpu.vector_load %arg9[%swap3A_338] {strides = array<i32>} : memref<160xi32, #tpu.memory_space<vmem>>, vector<16xi32>,
      tpu.vector_store %arg9[%swap3A_338], %rem3A_335 {strides = array<i32>} : memref<160xi32, #tpu.memory_space<vmem>>, vector<16xi32>,
    }
    %scan3A_132 = arith.constant 8 : i32
    %scan3A_133 = arith.addi %scan3A_128, %scan3A_132 : i32
    %mul3A_134 = arith.constant 16 : i32
    %mul3A_135 = arith.muli %scan3A_133, %mul3A_134 : i32
    %get3A_136 = arith.index_cast %mul3A_135 : i32 to index
    %get3A_137 = tpu.vector_load %arg5[%get3A_136] {strides = array<i32>} : memref<160xi32, #tpu.memory_space<vmem>>, vector<16xi32>,
    %shift_right_logical3A_138 = arith.constant 1 : i32
    %shift_right_logical3A_139 = vector.broadcast %shift_right_logical3A_138 : i32 to vector<16xi32>
    %shift_right_logical3A_140 = arith.shrui %get3A_137, %shift_right_logical3A_139 : vector<16xi32>
    %mul3A_141 = arith.constant 16 : i32
    %mul3A_142 = arith.muli %scan3A_133, %mul3A_141 : i32
    %swap3A_143 = arith.index_cast %mul3A_142 : i32 to index
    %swap3A_144 = tpu.vector_load %arg7[%swap3A_143] {strides = array<i32>} : memref<160xi32, #tpu.memory_space<vmem>>, vector<16xi32>,
    tpu.vector_store %arg7[%swap3A_143], %shift_right_logical3A_140 {strides = array<i32>} : memref<160xi32, #tpu.memory_space<vmem>>, vector<16xi32>,
    %rem3A_145 = arith.constant 2 : i32
    %rem3A_146 = vector.broadcast %rem3A_145 : i32 to vector<16xi32>
    %rem3A_147 = arith.remsi %get3A_137, %rem3A_146 : vector<16xi32>
    %mul3A_148 = arith.constant 16 : i32
    %mul3A_149 = arith.muli %scan3A_133, %mul3A_148 : i32
    %swap3A_150 = arith.index_cast %mul3A_149 : i32 to index
    %swap3A_151 = tpu.vector_load %arg9[%swap3A_150] {strides = array<i32>} : memref<160xi32, #tpu.memory_space<vmem>>, vector<16xi32>,
    tpu.vector_store %arg9[%swap3A_150], %rem3A_147 {strides = array<i32>} : memref<160xi32, #tpu.memory_space<vmem>>, vector<16xi32>,
    %scan3A_152 = arith.constant 9 : i32
    %scan3A_153 = arith.addi %scan3A_128, %scan3A_152 : i32
    %mul3A_154 = arith.constant 16 : i32
    %mul3A_155 = arith.muli %scan3A_153, %mul3A_154 : i32
    %get3A_156 = arith.index_cast %mul3A_155 : i32 to index
    %get3A_157 = tpu.vector_load %arg5[%get3A_156] {strides = array<i32>} : memref<160xi32, #tpu.memory_space<vmem>>, vector<16xi32>,
    %shift_right_logical3A_158 = arith.constant 1 : i32
    %shift_right_logical3A_159 = vector.broadcast %shift_right_logical3A_158 : i32 to vector<16xi32>
    %shift_right_logical3A_160 = arith.shrui %get3A_157, %shift_right_logical3A_159 : vector<16xi32>
    %mul3A_161 = arith.constant 16 : i32
    %mul3A_162 = arith.muli %scan3A_153, %mul3A_161 : i32
    %swap3A_163 = arith.index_cast %mul3A_162 : i32 to index
    %swap3A_164 = tpu.vector_load %arg7[%swap3A_163] {strides = array<i32>} : memref<160xi32, #tpu.memory_space<vmem>>, vector<16xi32>,
    tpu.vector_store %arg7[%swap3A_163], %shift_right_logical3A_160 {strides = array<i32>} : memref<160xi32, #tpu.memory_space<vmem>>, vector<16xi32>,
    %rem3A_165 = arith.constant 2 : i32
    %rem3A_166 = vector.broadcast %rem3A_165 : i32 to vector<16xi32>
    %rem3A_167 = arith.remsi %get3A_157, %rem3A_166 : vector<16xi32>
    %mul3A_168 = arith.constant 16 : i32
    %mul3A_169 = arith.muli %scan3A_153, %mul3A_168 : i32
    %swap3A_170 = arith.index_cast %mul3A_169 : i32 to index
    %swap3A_171 = tpu.vector_load %arg9[%swap3A_170] {strides = array<i32>} : memref<160xi32, #tpu.memory_space<vmem>>, vector<16xi32>,
    tpu.vector_store %arg9[%swap3A_170], %rem3A_167 {strides = array<i32>} : memref<160xi32, #tpu.memory_space<vmem>>, vector<16xi32>,
    %scan3A_172 = arith.constant 10 : i32
    %dma_start3A_173 = arith.constant 0 : i32
    %dma_start3A_174 = arith.constant 0 : i32
    %dma_start3A_175 = tpu.memref_slice %arg3[%dma_start3A_173, %dma_start3A_174] : memref<500000x128xf32, #tpu.memory_space<hbm>> -> memref<500000x128xf32, #tpu.memory_space<hbm>>
    tpu.enqueue_indirect_dma source(%dma_start3A_175 : memref<500000x128xf32, #tpu.memory_space<hbm>>) target(%arg11 : memref<160x128xf32, #tpu.memory_space<vmem>>) offsets(%arg7 : memref<160xi32, #tpu.memory_space<vmem>>) semaphore(%arg17 : memref<!tpu.dma_semaphore, #tpu.memory_space<semaphore_mem>>)
    %add3A_176 = arith.constant 640 : i32
    %add3A_177 = arith.addi %mul3A_2, %add3A_176 : i32
    %dma_start3A_178 = tpu.memref_slice %arg2[%add3A_177] : memref<819200xi32, #tpu.memory_space<hbm>> -> memref<160xi32, #tpu.memory_space<hbm>>
    %dma_start3A_179 = tpu.memref_slice %arg2[%add3A_177] : memref<819200xi32, #tpu.memory_space<hbm>> -> memref<160xi32, #tpu.memory_space<hbm>>
    tpu.enqueue_dma source(%dma_start3A_179 : memref<160xi32, #tpu.memory_space<hbm>>) target(%arg5 : memref<160xi32, #tpu.memory_space<vmem>>) target_semaphore(%arg15 : memref<!tpu.dma_semaphore, #tpu.memory_space<semaphore_mem>>)
    %dma_wait3A_180 = arith.constant 0 : i32
    %dma_wait3A_181 = arith.constant 0 : i32
    %dma_wait3A_182 = tpu.memref_slice %arg3[%dma_wait3A_180, %dma_wait3A_181] : memref<500000x128xf32, #tpu.memory_space<hbm>> -> memref<500000x128xf32, #tpu.memory_space<hbm>>
    tpu.wait_indirect_dma semaphore(%arg18 : memref<!tpu.dma_semaphore, #tpu.memory_space<semaphore_mem>>) src(%dma_wait3A_182 : memref<500000x128xf32, #tpu.memory_space<hbm>>) dst(%arg12 : memref<160x128xf32, #tpu.memory_space<vmem>>)
    %parallel_loop3A_183 = arith.constant 0 : i32
    %parallel_loop3A_184 = arith.constant 160 : i32
    %parallel_loop3A_185 = arith.constant 1 : i32
    scf.for %parallel_loop3A_261 = %parallel_loop3A_183 to %parallel_loop3A_184 step %parallel_loop3A_185  : i32 {
      %parallel_loop3A_262 = arith.constant 16 : i32
      %parallel_loop3A_263 = arith.divsi %parallel_loop3A_261, %parallel_loop3A_262 : i32
      %parallel_loop3A_264 = arith.constant 16 : i32
      %parallel_loop3A_265 = arith.remsi %parallel_loop3A_261, %parallel_loop3A_264 : i32
      %parallel_loop3A_266 = arith.constant 16 : i32
      %parallel_loop3A_267 = arith.muli %parallel_loop3A_263, %parallel_loop3A_266 : i32
      %parallel_loop3A_268 = arith.index_cast %parallel_loop3A_267 : i32 to index
      %parallel_loop3A_269 = tpu.vector_load %arg10[%parallel_loop3A_268] {strides = array<i32>} : memref<160xi32, #tpu.memory_space<vmem>>, vector<16xi32>,
      %parallel_loop3A_270 = vector.broadcast %parallel_loop3A_265 : i32 to vector<16xi32>
      %parallel_loop3A_271 = arith.constant 0 : i32
      %parallel_loop3A_272 = vector.broadcast %parallel_loop3A_271 : i32 to vector<16xi32>
      %parallel_loop3A_273 = arith.cmpi slt, %parallel_loop3A_270, %parallel_loop3A_272 : vector<16xi32>
      %parallel_loop3A_274 = arith.constant 16 : i32
      %parallel_loop3A_275 = vector.broadcast %parallel_loop3A_274 : i32 to vector<16xi32>
      %parallel_loop3A_276 = arith.addi %parallel_loop3A_270, %parallel_loop3A_275 : vector<16xi32>
      %parallel_loop3A_277 = arith.select %parallel_loop3A_273, %parallel_loop3A_276, %parallel_loop3A_270 : vector<16xi1>, vector<16xi32>
      %parallel_loop3A_278 = vector.shape_cast %parallel_loop3A_277 : vector<16xi32> to vector<16x1xi32>
      %parallel_loop3A_279 = vector.shape_cast %parallel_loop3A_278 : vector<16x1xi32> to vector<16xi32>
      %parallel_loop3A_280 = tpu.dynamic_gather %parallel_loop3A_269[%parallel_loop3A_279] in [0] : vector<16xi32>, vector<16xi32> -> vector<16xi32>
      %parallel_loop3A_281 = arith.constant 1 : i32
      %parallel_loop3A_282 = vector.broadcast %parallel_loop3A_281 : i32 to vector<16xi32>
      %parallel_loop3A_283 = arith.cmpi eq, %parallel_loop3A_280, %parallel_loop3A_282 : vector<16xi32>
      %parallel_loop3A_284 = arith.index_cast %parallel_loop3A_261 : i32 to index
      %parallel_loop3A_285 = arith.constant 0 : index
      %parallel_loop3A_286 = tpu.vector_load %arg12[%parallel_loop3A_284, %parallel_loop3A_285] {strides = array<i32>} : memref<160x128xf32, #tpu.memory_space<vmem>>, vector<16xf32>,
      %parallel_loop3A_287 = arith.index_cast %parallel_loop3A_261 : i32 to index
      %parallel_loop3A_288 = arith.constant 64 : index
      %parallel_loop3A_289 = tpu.vector_load %arg12[%parallel_loop3A_287, %parallel_loop3A_288] {strides = array<i32>} : memref<160x128xf32, #tpu.memory_space<vmem>>, vector<16xf32>,
      %parallel_loop3A_290 = arith.select %parallel_loop3A_283, %parallel_loop3A_289, %parallel_loop3A_286 : vector<16xi1>, vector<16xf32>
      %parallel_loop3A_291 = arith.index_cast %parallel_loop3A_261 : i32 to index
      %parallel_loop3A_292 = arith.constant 0 : index
      %parallel_loop3A_293 = tpu.vector_load %arg14[%parallel_loop3A_291, %parallel_loop3A_292] {strides = array<i32>} : memref<160x64xf32, #tpu.memory_space<vmem>>, vector<16xf32>,
      tpu.vector_store %arg14[%parallel_loop3A_291, %parallel_loop3A_292], %parallel_loop3A_290 {strides = array<i32>} : memref<160x64xf32, #tpu.memory_space<vmem>>, vector<16xf32>,
      %parallel_loop3A_294 = arith.index_cast %parallel_loop3A_261 : i32 to index
      %parallel_loop3A_295 = arith.constant 16 : index
      %parallel_loop3A_296 = tpu.vector_load %arg12[%parallel_loop3A_294, %parallel_loop3A_295] {strides = array<i32>} : memref<160x128xf32, #tpu.memory_space<vmem>>, vector<16xf32>,
      %parallel_loop3A_297 = arith.index_cast %parallel_loop3A_261 : i32 to index
      %parallel_loop3A_298 = arith.constant 80 : index
      %parallel_loop3A_299 = tpu.vector_load %arg12[%parallel_loop3A_297, %parallel_loop3A_298] {strides = array<i32>} : memref<160x128xf32, #tpu.memory_space<vmem>>, vector<16xf32>,
      %parallel_loop3A_300 = arith.select %parallel_loop3A_283, %parallel_loop3A_299, %parallel_loop3A_296 : vector<16xi1>, vector<16xf32>
      %parallel_loop3A_301 = arith.index_cast %parallel_loop3A_261 : i32 to index
      %parallel_loop3A_302 = arith.constant 16 : index
      %parallel_loop3A_303 = tpu.vector_load %arg14[%parallel_loop3A_301, %parallel_loop3A_302] {strides = array<i32>} : memref<160x64xf32, #tpu.memory_space<vmem>>, vector<16xf32>,
      tpu.vector_store %arg14[%parallel_loop3A_301, %parallel_loop3A_302], %parallel_loop3A_300 {strides = array<i32>} : memref<160x64xf32, #tpu.memory_space<vmem>>, vector<16xf32>,
      %parallel_loop3A_304 = arith.index_cast %parallel_loop3A_261 : i32 to index
      %parallel_loop3A_305 = arith.constant 32 : index
      %parallel_loop3A_306 = tpu.vector_load %arg12[%parallel_loop3A_304, %parallel_loop3A_305] {strides = array<i32>} : memref<160x128xf32, #tpu.memory_space<vmem>>, vector<16xf32>,
      %parallel_loop3A_307 = arith.index_cast %parallel_loop3A_261 : i32 to index
      %parallel_loop3A_308 = arith.constant 96 : index
      %parallel_loop3A_309 = tpu.vector_load %arg12[%parallel_loop3A_307, %parallel_loop3A_308] {strides = array<i32>} : memref<160x128xf32, #tpu.memory_space<vmem>>, vector<16xf32>,
      %parallel_loop3A_310 = arith.select %parallel_loop3A_283, %parallel_loop3A_309, %parallel_loop3A_306 : vector<16xi1>, vector<16xf32>
      %parallel_loop3A_311 = arith.index_cast %parallel_loop3A_261 : i32 to index
      %parallel_loop3A_312 = arith.constant 32 : index
      %parallel_loop3A_313 = tpu.vector_load %arg14[%parallel_loop3A_311, %parallel_loop3A_312] {strides = array<i32>} : memref<160x64xf32, #tpu.memory_space<vmem>>, vector<16xf32>,
      tpu.vector_store %arg14[%parallel_loop3A_311, %parallel_loop3A_312], %parallel_loop3A_310 {strides = array<i32>} : memref<160x64xf32, #tpu.memory_space<vmem>>, vector<16xf32>,
      %parallel_loop3A_314 = arith.index_cast %parallel_loop3A_261 : i32 to index
      %parallel_loop3A_315 = arith.constant 48 : index
      %parallel_loop3A_316 = tpu.vector_load %arg12[%parallel_loop3A_314, %parallel_loop3A_315] {strides = array<i32>} : memref<160x128xf32, #tpu.memory_space<vmem>>, vector<16xf32>,
      %parallel_loop3A_317 = arith.index_cast %parallel_loop3A_261 : i32 to index
      %parallel_loop3A_318 = arith.constant 112 : index
      %parallel_loop3A_319 = tpu.vector_load %arg12[%parallel_loop3A_317, %parallel_loop3A_318] {strides = array<i32>} : memref<160x128xf32, #tpu.memory_space<vmem>>, vector<16xf32>,
      %parallel_loop3A_320 = arith.select %parallel_loop3A_283, %parallel_loop3A_319, %parallel_loop3A_316 : vector<16xi1>, vector<16xf32>
      %parallel_loop3A_321 = arith.index_cast %parallel_loop3A_261 : i32 to index
      %parallel_loop3A_322 = arith.constant 48 : index
      %parallel_loop3A_323 = tpu.vector_load %arg14[%parallel_loop3A_321, %parallel_loop3A_322] {strides = array<i32>} : memref<160x64xf32, #tpu.memory_space<vmem>>, vector<16xf32>,
      tpu.vector_store %arg14[%parallel_loop3A_321, %parallel_loop3A_322], %parallel_loop3A_320 {strides = array<i32>} : memref<160x64xf32, #tpu.memory_space<vmem>>, vector<16xf32>,
    } {sc.loop_unroll_factor = 8 : i64, sc.parallel_access}
    %add3A_186 = arith.constant 160 : i32
    %add3A_187 = arith.addi %mul3A_2, %add3A_186 : i32
    %dma_start3A_188 = arith.constant 0 : i32
    %dma_start3A_189 = tpu.memref_slice %arg4[%add3A_187, %dma_start3A_188] : memref<819200x64xf32, #tpu.memory_space<hbm>> -> memref<160x64xf32, #tpu.memory_space<hbm>>
    %dma_start3A_190 = arith.constant 0 : i32
    %dma_start3A_191 = tpu.memref_slice %arg4[%add3A_187, %dma_start3A_190] : memref<819200x64xf32, #tpu.memory_space<hbm>> -> memref<160x64xf32, #tpu.memory_space<hbm>>
    tpu.enqueue_dma source(%arg14 : memref<160x64xf32, #tpu.memory_space<vmem>>) target(%dma_start3A_191 : memref<160x64xf32, #tpu.memory_space<hbm>>) target_semaphore(%arg20 : memref<!tpu.dma_semaphore, #tpu.memory_space<semaphore_mem>>)
    %dma_wait3A_192 = tpu.memref_slice %arg2[%mul3A_2] : memref<819200xi32, #tpu.memory_space<hbm>> -> memref<160xi32, #tpu.memory_space<hbm>>
    %dma_wait3A_193 = tpu.memref_slice %arg2[%mul3A_2] : memref<819200xi32, #tpu.memory_space<hbm>> -> memref<160xi32, #tpu.memory_space<hbm>>
    tpu.wait_dma2 semaphore(%arg16 : memref<!tpu.dma_semaphore, #tpu.memory_space<semaphore_mem>>) src(%dma_wait3A_193 : memref<160xi32, #tpu.memory_space<hbm>>) dst(%arg6 : memref<160xi32, #tpu.memory_space<vmem>>)
    %scan3A_194 = arith.constant 0 : i32
    %scan3A_195 = arith.constant 0 : i32
    %scan3A_196 = arith.constant 8 : i32
    %scan3A_197 = arith.addi %scan3A_195, %scan3A_196 : i32
    %scan3A_198 = arith.constant 4 : i32
    scf.for %scan3A_261 = %scan3A_195 to %scan3A_197 step %scan3A_198  : i32 {
      %mul3A_262 = arith.constant 16 : i32
      %mul3A_263 = arith.muli %scan3A_261, %mul3A_262 : i32
      %get3A_264 = arith.index_cast %mul3A_263 : i32 to index
      %get3A_265 = tpu.vector_load %arg6[%get3A_264] {strides = array<i32>} : memref<160xi32, #tpu.memory_space<vmem>>, vector<16xi32>,
      %shift_right_logical3A_266 = arith.constant 1 : i32
      %shift_right_logical3A_267 = vector.broadcast %shift_right_logical3A_266 : i32 to vector<16xi32>
      %shift_right_logical3A_268 = arith.shrui %get3A_265, %shift_right_logical3A_267 : vector<16xi32>
      %mul3A_269 = arith.constant 16 : i32
      %mul3A_270 = arith.muli %scan3A_261, %mul3A_269 : i32
      %swap3A_271 = arith.index_cast %mul3A_270 : i32 to index
      %swap3A_272 = tpu.vector_load %arg8[%swap3A_271] {strides = array<i32>} : memref<160xi32, #tpu.memory_space<vmem>>, vector<16xi32>,
      tpu.vector_store %arg8[%swap3A_271], %shift_right_logical3A_268 {strides = array<i32>} : memref<160xi32, #tpu.memory_space<vmem>>, vector<16xi32>,
      %rem3A_273 = arith.constant 2 : i32
      %rem3A_274 = vector.broadcast %rem3A_273 : i32 to vector<16xi32>
      %rem3A_275 = arith.remsi %get3A_265, %rem3A_274 : vector<16xi32>
      %mul3A_276 = arith.constant 16 : i32
      %mul3A_277 = arith.muli %scan3A_261, %mul3A_276 : i32
      %swap3A_278 = arith.index_cast %mul3A_277 : i32 to index
      %swap3A_279 = tpu.vector_load %arg10[%swap3A_278] {strides = array<i32>} : memref<160xi32, #tpu.memory_space<vmem>>, vector<16xi32>,
      tpu.vector_store %arg10[%swap3A_278], %rem3A_275 {strides = array<i32>} : memref<160xi32, #tpu.memory_space<vmem>>, vector<16xi32>,
      %scan3A_280 = arith.constant 1 : i32
      %scan3A_281 = arith.addi %scan3A_261, %scan3A_280 : i32
      %mul3A_282 = arith.constant 16 : i32
      %mul3A_283 = arith.muli %scan3A_281, %mul3A_282 : i32
      %get3A_284 = arith.index_cast %mul3A_283 : i32 to index
      %get3A_285 = tpu.vector_load %arg6[%get3A_284] {strides = array<i32>} : memref<160xi32, #tpu.memory_space<vmem>>, vector<16xi32>,
      %shift_right_logical3A_286 = arith.constant 1 : i32
      %shift_right_logical3A_287 = vector.broadcast %shift_right_logical3A_286 : i32 to vector<16xi32>
      %shift_right_logical3A_288 = arith.shrui %get3A_285, %shift_right_logical3A_287 : vector<16xi32>
      %mul3A_289 = arith.constant 16 : i32
      %mul3A_290 = arith.muli %scan3A_281, %mul3A_289 : i32
      %swap3A_291 = arith.index_cast %mul3A_290 : i32 to index
      %swap3A_292 = tpu.vector_load %arg8[%swap3A_291] {strides = array<i32>} : memref<160xi32, #tpu.memory_space<vmem>>, vector<16xi32>,
      tpu.vector_store %arg8[%swap3A_291], %shift_right_logical3A_288 {strides = array<i32>} : memref<160xi32, #tpu.memory_space<vmem>>, vector<16xi32>,
      %rem3A_293 = arith.constant 2 : i32
      %rem3A_294 = vector.broadcast %rem3A_293 : i32 to vector<16xi32>
      %rem3A_295 = arith.remsi %get3A_285, %rem3A_294 : vector<16xi32>
      %mul3A_296 = arith.constant 16 : i32
      %mul3A_297 = arith.muli %scan3A_281, %mul3A_296 : i32
      %swap3A_298 = arith.index_cast %mul3A_297 : i32 to index
      %swap3A_299 = tpu.vector_load %arg10[%swap3A_298] {strides = array<i32>} : memref<160xi32, #tpu.memory_space<vmem>>, vector<16xi32>,
      tpu.vector_store %arg10[%swap3A_298], %rem3A_295 {strides = array<i32>} : memref<160xi32, #tpu.memory_space<vmem>>, vector<16xi32>,
      %scan3A_300 = arith.constant 2 : i32
      %scan3A_301 = arith.addi %scan3A_261, %scan3A_300 : i32
      %mul3A_302 = arith.constant 16 : i32
      %mul3A_303 = arith.muli %scan3A_301, %mul3A_302 : i32
      %get3A_304 = arith.index_cast %mul3A_303 : i32 to index
      %get3A_305 = tpu.vector_load %arg6[%get3A_304] {strides = array<i32>} : memref<160xi32, #tpu.memory_space<vmem>>, vector<16xi32>,
      %shift_right_logical3A_306 = arith.constant 1 : i32
      %shift_right_logical3A_307 = vector.broadcast %shift_right_logical3A_306 : i32 to vector<16xi32>
      %shift_right_logical3A_308 = arith.shrui %get3A_305, %shift_right_logical3A_307 : vector<16xi32>
      %mul3A_309 = arith.constant 16 : i32
      %mul3A_310 = arith.muli %scan3A_301, %mul3A_309 : i32
      %swap3A_311 = arith.index_cast %mul3A_310 : i32 to index
      %swap3A_312 = tpu.vector_load %arg8[%swap3A_311] {strides = array<i32>} : memref<160xi32, #tpu.memory_space<vmem>>, vector<16xi32>,
      tpu.vector_store %arg8[%swap3A_311], %shift_right_logical3A_308 {strides = array<i32>} : memref<160xi32, #tpu.memory_space<vmem>>, vector<16xi32>,
      %rem3A_313 = arith.constant 2 : i32
      %rem3A_314 = vector.broadcast %rem3A_313 : i32 to vector<16xi32>
      %rem3A_315 = arith.remsi %get3A_305, %rem3A_314 : vector<16xi32>
      %mul3A_316 = arith.constant 16 : i32
      %mul3A_317 = arith.muli %scan3A_301, %mul3A_316 : i32
      %swap3A_318 = arith.index_cast %mul3A_317 : i32 to index
      %swap3A_319 = tpu.vector_load %arg10[%swap3A_318] {strides = array<i32>} : memref<160xi32, #tpu.memory_space<vmem>>, vector<16xi32>,
      tpu.vector_store %arg10[%swap3A_318], %rem3A_315 {strides = array<i32>} : memref<160xi32, #tpu.memory_space<vmem>>, vector<16xi32>,
      %scan3A_320 = arith.constant 3 : i32
      %scan3A_321 = arith.addi %scan3A_261, %scan3A_320 : i32
      %mul3A_322 = arith.constant 16 : i32
      %mul3A_323 = arith.muli %scan3A_321, %mul3A_322 : i32
      %get3A_324 = arith.index_cast %mul3A_323 : i32 to index
      %get3A_325 = tpu.vector_load %arg6[%get3A_324] {strides = array<i32>} : memref<160xi32, #tpu.memory_space<vmem>>, vector<16xi32>,
      %shift_right_logical3A_326 = arith.constant 1 : i32
      %shift_right_logical3A_327 = vector.broadcast %shift_right_logical3A_326 : i32 to vector<16xi32>
      %shift_right_logical3A_328 = arith.shrui %get3A_325, %shift_right_logical3A_327 : vector<16xi32>
      %mul3A_329 = arith.constant 16 : i32
      %mul3A_330 = arith.muli %scan3A_321, %mul3A_329 : i32
      %swap3A_331 = arith.index_cast %mul3A_330 : i32 to index
      %swap3A_332 = tpu.vector_load %arg8[%swap3A_331] {strides = array<i32>} : memref<160xi32, #tpu.memory_space<vmem>>, vector<16xi32>,
      tpu.vector_store %arg8[%swap3A_331], %shift_right_logical3A_328 {strides = array<i32>} : memref<160xi32, #tpu.memory_space<vmem>>, vector<16xi32>,
      %rem3A_333 = arith.constant 2 : i32
      %rem3A_334 = vector.broadcast %rem3A_333 : i32 to vector<16xi32>
      %rem3A_335 = arith.remsi %get3A_325, %rem3A_334 : vector<16xi32>
      %mul3A_336 = arith.constant 16 : i32
      %mul3A_337 = arith.muli %scan3A_321, %mul3A_336 : i32
      %swap3A_338 = arith.index_cast %mul3A_337 : i32 to index
      %swap3A_339 = tpu.vector_load %arg10[%swap3A_338] {strides = array<i32>} : memref<160xi32, #tpu.memory_space<vmem>>, vector<16xi32>,
      tpu.vector_store %arg10[%swap3A_338], %rem3A_335 {strides = array<i32>} : memref<160xi32, #tpu.memory_space<vmem>>, vector<16xi32>,
    }
    %scan3A_199 = arith.constant 8 : i32
    %scan3A_200 = arith.addi %scan3A_195, %scan3A_199 : i32
    %mul3A_201 = arith.constant 16 : i32
    %mul3A_202 = arith.muli %scan3A_200, %mul3A_201 : i32
    %get3A_203 = arith.index_cast %mul3A_202 : i32 to index
    %get3A_204 = tpu.vector_load %arg6[%get3A_203] {strides = array<i32>} : memref<160xi32, #tpu.memory_space<vmem>>, vector<16xi32>,
    %shift_right_logical3A_205 = arith.constant 1 : i32
    %shift_right_logical3A_206 = vector.broadcast %shift_right_logical3A_205 : i32 to vector<16xi32>
    %shift_right_logical3A_207 = arith.shrui %get3A_204, %shift_right_logical3A_206 : vector<16xi32>
    %mul3A_208 = arith.constant 16 : i32
    %mul3A_209 = arith.muli %scan3A_200, %mul3A_208 : i32
    %swap3A_210 = arith.index_cast %mul3A_209 : i32 to index
    %swap3A_211 = tpu.vector_load %arg8[%swap3A_210] {strides = array<i32>} : memref<160xi32, #tpu.memory_space<vmem>>, vector<16xi32>,
    tpu.vector_store %arg8[%swap3A_210], %shift_right_logical3A_207 {strides = array<i32>} : memref<160xi32, #tpu.memory_space<vmem>>, vector<16xi32>,
    %rem3A_212 = arith.constant 2 : i32
    %rem3A_213 = vector.broadcast %rem3A_212 : i32 to vector<16xi32>
    %rem3A_214 = arith.remsi %get3A_204, %rem3A_213 : vector<16xi32>
    %mul3A_215 = arith.constant 16 : i32
    %mul3A_216 = arith.muli %scan3A_200, %mul3A_215 : i32
    %swap3A_217 = arith.index_cast %mul3A_216 : i32 to index
    %swap3A_218 = tpu.vector_load %arg10[%swap3A_217] {strides = array<i32>} : memref<160xi32, #tpu.memory_space<vmem>>, vector<16xi32>,
    tpu.vector_store %arg10[%swap3A_217], %rem3A_214 {strides = array<i32>} : memref<160xi32, #tpu.memory_space<vmem>>, vector<16xi32>,
    %scan3A_219 = arith.constant 9 : i32
    %scan3A_220 = arith.addi %scan3A_195, %scan3A_219 : i32
    %mul3A_221 = arith.constant 16 : i32
    %mul3A_222 = arith.muli %scan3A_220, %mul3A_221 : i32
    %get3A_223 = arith.index_cast %mul3A_222 : i32 to index
    %get3A_224 = tpu.vector_load %arg6[%get3A_223] {strides = array<i32>} : memref<160xi32, #tpu.memory_space<vmem>>, vector<16xi32>,
    %shift_right_logical3A_225 = arith.constant 1 : i32
    %shift_right_logical3A_226 = vector.broadcast %shift_right_logical3A_225 : i32 to vector<16xi32>
    %shift_right_logical3A_227 = arith.shrui %get3A_224, %shift_right_logical3A_226 : vector<16xi32>
    %mul3A_228 = arith.constant 16 : i32
    %mul3A_229 = arith.muli %scan3A_220, %mul3A_228 : i32
    %swap3A_230 = arith.index_cast %mul3A_229 : i32 to index
    %swap3A_231 = tpu.vector_load %arg8[%swap3A_230] {strides = array<i32>} : memref<160xi32, #tpu.memory_space<vmem>>, vector<16xi32>,
    tpu.vector_store %arg8[%swap3A_230], %shift_right_logical3A_227 {strides = array<i32>} : memref<160xi32, #tpu.memory_space<vmem>>, vector<16xi32>,
    %rem3A_232 = arith.constant 2 : i32
    %rem3A_233 = vector.broadcast %rem3A_232 : i32 to vector<16xi32>
    %rem3A_234 = arith.remsi %get3A_224, %rem3A_233 : vector<16xi32>
    %mul3A_235 = arith.constant 16 : i32
    %mul3A_236 = arith.muli %scan3A_220, %mul3A_235 : i32
    %swap3A_237 = arith.index_cast %mul3A_236 : i32 to index
    %swap3A_238 = tpu.vector_load %arg10[%swap3A_237] {strides = array<i32>} : memref<160xi32, #tpu.memory_space<vmem>>, vector<16xi32>,
    tpu.vector_store %arg10[%swap3A_237], %rem3A_234 {strides = array<i32>} : memref<160xi32, #tpu.memory_space<vmem>>, vector<16xi32>,
    %scan3A_239 = arith.constant 10 : i32
    %dma_start3A_240 = arith.constant 0 : i32
    %dma_start3A_241 = arith.constant 0 : i32
    %dma_start3A_242 = tpu.memref_slice %arg3[%dma_start3A_240, %dma_start3A_241] : memref<500000x128xf32, #tpu.memory_space<hbm>> -> memref<500000x128xf32, #tpu.memory_space<hbm>>
    tpu.enqueue_indirect_dma source(%dma_start3A_242 : memref<500000x128xf32, #tpu.memory_space<hbm>>) target(%arg12 : memref<160x128xf32, #tpu.memory_space<vmem>>) offsets(%arg8 : memref<160xi32, #tpu.memory_space<vmem>>) semaphore(%arg18 : memref<!tpu.dma_semaphore, #tpu.memory_space<semaphore_mem>>)
    %add3A_243 = arith.constant 800 : i32
    %add3A_244 = arith.addi %mul3A_2, %add3A_243 : i32
    %dma_start3A_245 = tpu.memref_slice %arg2[%add3A_244] : memref<819200xi32, #tpu.memory_space<hbm>> -> memref<160xi32, #tpu.memory_space<hbm>>
    %dma_start3A_246 = tpu.memref_slice %arg2[%add3A_244] : memref<819200xi32, #tpu.memory_space<hbm>> -> memref<160xi32, #tpu.memory_space<hbm>>
    tpu.enqueue_dma source(%dma_start3A_246 : memref<160xi32, #tpu.memory_space<hbm>>) target(%arg6 : memref<160xi32, #tpu.memory_space<vmem>>) target_semaphore(%arg16 : memref<!tpu.dma_semaphore, #tpu.memory_space<semaphore_mem>>)
    %scan3A_247 = arith.constant 0 : i32
    %scan3A_248 = arith.constant 1 : i32
    %scan3A_249 = arith.constant 79 : i32
    %scan3A_250 = arith.addi %scan3A_248, %scan3A_249 : i32
    %scan3A_251 = arith.constant 1 : i32
    scf.for %scan3A_261 = %scan3A_248 to %scan3A_250 step %scan3A_251  : i32 {
      %mul3A_262 = arith.constant 2 : i32
      %mul3A_263 = arith.muli %mul3A_262, %scan3A_261 : i32
      %add3A_264 = arith.constant 0 : i32
      %add3A_265 = arith.addi %mul3A_263, %add3A_264 : i32
      %dma_wait3A_266 = arith.constant 0 : i32
      %dma_wait3A_267 = arith.constant 0 : i32
      %dma_wait3A_268 = tpu.memref_slice %arg3[%dma_wait3A_266, %dma_wait3A_267] : memref<500000x128xf32, #tpu.memory_space<hbm>> -> memref<500000x128xf32, #tpu.memory_space<hbm>>
      tpu.wait_indirect_dma semaphore(%arg17 : memref<!tpu.dma_semaphore, #tpu.memory_space<semaphore_mem>>) src(%dma_wait3A_268 : memref<500000x128xf32, #tpu.memory_space<hbm>>) dst(%arg11 : memref<160x128xf32, #tpu.memory_space<vmem>>)
      %dma_wait3A_269 = arith.constant 0 : i32
      %dma_wait3A_270 = tpu.memref_slice %arg4[%mul3A_2, %dma_wait3A_269] : memref<819200x64xf32, #tpu.memory_space<hbm>> -> memref<160x64xf32, #tpu.memory_space<hbm>>
      %dma_wait3A_271 = arith.constant 0 : i32
      %dma_wait3A_272 = tpu.memref_slice %arg4[%mul3A_2, %dma_wait3A_271] : memref<819200x64xf32, #tpu.memory_space<hbm>> -> memref<160x64xf32, #tpu.memory_space<hbm>>
      tpu.wait_dma2 semaphore(%arg19 : memref<!tpu.dma_semaphore, #tpu.memory_space<semaphore_mem>>) src(%arg13 : memref<160x64xf32, #tpu.memory_space<vmem>>) dst(%dma_wait3A_272 : memref<160x64xf32, #tpu.memory_space<hbm>>)
      %parallel_loop3A_273 = arith.constant 0 : i32
      %parallel_loop3A_274 = arith.constant 160 : i32
      %parallel_loop3A_275 = arith.constant 1 : i32
      scf.for %parallel_loop3A_329 = %parallel_loop3A_273 to %parallel_loop3A_274 step %parallel_loop3A_275  : i32 {
        %parallel_loop3A_330 = arith.constant 16 : i32
        %parallel_loop3A_331 = arith.divsi %parallel_loop3A_329, %parallel_loop3A_330 : i32
        %parallel_loop3A_332 = arith.constant 16 : i32
        %parallel_loop3A_333 = arith.remsi %parallel_loop3A_329, %parallel_loop3A_332 : i32
        %parallel_loop3A_334 = arith.constant 16 : i32
        %parallel_loop3A_335 = arith.muli %parallel_loop3A_331, %parallel_loop3A_334 : i32
        %parallel_loop3A_336 = arith.index_cast %parallel_loop3A_335 : i32 to index
        %parallel_loop3A_337 = tpu.vector_load %arg9[%parallel_loop3A_336] {strides = array<i32>} : memref<160xi32, #tpu.memory_space<vmem>>, vector<16xi32>,
        %parallel_loop3A_338 = vector.broadcast %parallel_loop3A_333 : i32 to vector<16xi32>
        %parallel_loop3A_339 = arith.constant 0 : i32
        %parallel_loop3A_340 = vector.broadcast %parallel_loop3A_339 : i32 to vector<16xi32>
        %parallel_loop3A_341 = arith.cmpi slt, %parallel_loop3A_338, %parallel_loop3A_340 : vector<16xi32>
        %parallel_loop3A_342 = arith.constant 16 : i32
        %parallel_loop3A_343 = vector.broadcast %parallel_loop3A_342 : i32 to vector<16xi32>
        %parallel_loop3A_344 = arith.addi %parallel_loop3A_338, %parallel_loop3A_343 : vector<16xi32>
        %parallel_loop3A_345 = arith.select %parallel_loop3A_341, %parallel_loop3A_344, %parallel_loop3A_338 : vector<16xi1>, vector<16xi32>
        %parallel_loop3A_346 = vector.shape_cast %parallel_loop3A_345 : vector<16xi32> to vector<16x1xi32>
        %parallel_loop3A_347 = vector.shape_cast %parallel_loop3A_346 : vector<16x1xi32> to vector<16xi32>
        %parallel_loop3A_348 = tpu.dynamic_gather %parallel_loop3A_337[%parallel_loop3A_347] in [0] : vector<16xi32>, vector<16xi32> -> vector<16xi32>
        %parallel_loop3A_349 = arith.constant 1 : i32
        %parallel_loop3A_350 = vector.broadcast %parallel_loop3A_349 : i32 to vector<16xi32>
        %parallel_loop3A_351 = arith.cmpi eq, %parallel_loop3A_348, %parallel_loop3A_350 : vector<16xi32>
        %parallel_loop3A_352 = arith.index_cast %parallel_loop3A_329 : i32 to index
        %parallel_loop3A_353 = arith.constant 0 : index
        %parallel_loop3A_354 = tpu.vector_load %arg11[%parallel_loop3A_352, %parallel_loop3A_353] {strides = array<i32>} : memref<160x128xf32, #tpu.memory_space<vmem>>, vector<16xf32>,
        %parallel_loop3A_355 = arith.index_cast %parallel_loop3A_329 : i32 to index
        %parallel_loop3A_356 = arith.constant 64 : index
        %parallel_loop3A_357 = tpu.vector_load %arg11[%parallel_loop3A_355, %parallel_loop3A_356] {strides = array<i32>} : memref<160x128xf32, #tpu.memory_space<vmem>>, vector<16xf32>,
        %parallel_loop3A_358 = arith.select %parallel_loop3A_351, %parallel_loop3A_357, %parallel_loop3A_354 : vector<16xi1>, vector<16xf32>
        %parallel_loop3A_359 = arith.index_cast %parallel_loop3A_329 : i32 to index
        %parallel_loop3A_360 = arith.constant 0 : index
        %parallel_loop3A_361 = tpu.vector_load %arg13[%parallel_loop3A_359, %parallel_loop3A_360] {strides = array<i32>} : memref<160x64xf32, #tpu.memory_space<vmem>>, vector<16xf32>,
        tpu.vector_store %arg13[%parallel_loop3A_359, %parallel_loop3A_360], %parallel_loop3A_358 {strides = array<i32>} : memref<160x64xf32, #tpu.memory_space<vmem>>, vector<16xf32>,
        %parallel_loop3A_362 = arith.index_cast %parallel_loop3A_329 : i32 to index
        %parallel_loop3A_363 = arith.constant 16 : index
        %parallel_loop3A_364 = tpu.vector_load %arg11[%parallel_loop3A_362, %parallel_loop3A_363] {strides = array<i32>} : memref<160x128xf32, #tpu.memory_space<vmem>>, vector<16xf32>,
        %parallel_loop3A_365 = arith.index_cast %parallel_loop3A_329 : i32 to index
        %parallel_loop3A_366 = arith.constant 80 : index
        %parallel_loop3A_367 = tpu.vector_load %arg11[%parallel_loop3A_365, %parallel_loop3A_366] {strides = array<i32>} : memref<160x128xf32, #tpu.memory_space<vmem>>, vector<16xf32>,
        %parallel_loop3A_368 = arith.select %parallel_loop3A_351, %parallel_loop3A_367, %parallel_loop3A_364 : vector<16xi1>, vector<16xf32>
        %parallel_loop3A_369 = arith.index_cast %parallel_loop3A_329 : i32 to index
        %parallel_loop3A_370 = arith.constant 16 : index
        %parallel_loop3A_371 = tpu.vector_load %arg13[%parallel_loop3A_369, %parallel_loop3A_370] {strides = array<i32>} : memref<160x64xf32, #tpu.memory_space<vmem>>, vector<16xf32>,
        tpu.vector_store %arg13[%parallel_loop3A_369, %parallel_loop3A_370], %parallel_loop3A_368 {strides = array<i32>} : memref<160x64xf32, #tpu.memory_space<vmem>>, vector<16xf32>,
        %parallel_loop3A_372 = arith.index_cast %parallel_loop3A_329 : i32 to index
        %parallel_loop3A_373 = arith.constant 32 : index
        %parallel_loop3A_374 = tpu.vector_load %arg11[%parallel_loop3A_372, %parallel_loop3A_373] {strides = array<i32>} : memref<160x128xf32, #tpu.memory_space<vmem>>, vector<16xf32>,
        %parallel_loop3A_375 = arith.index_cast %parallel_loop3A_329 : i32 to index
        %parallel_loop3A_376 = arith.constant 96 : index
        %parallel_loop3A_377 = tpu.vector_load %arg11[%parallel_loop3A_375, %parallel_loop3A_376] {strides = array<i32>} : memref<160x128xf32, #tpu.memory_space<vmem>>, vector<16xf32>,
        %parallel_loop3A_378 = arith.select %parallel_loop3A_351, %parallel_loop3A_377, %parallel_loop3A_374 : vector<16xi1>, vector<16xf32>
        %parallel_loop3A_379 = arith.index_cast %parallel_loop3A_329 : i32 to index
        %parallel_loop3A_380 = arith.constant 32 : index
        %parallel_loop3A_381 = tpu.vector_load %arg13[%parallel_loop3A_379, %parallel_loop3A_380] {strides = array<i32>} : memref<160x64xf32, #tpu.memory_space<vmem>>, vector<16xf32>,
        tpu.vector_store %arg13[%parallel_loop3A_379, %parallel_loop3A_380], %parallel_loop3A_378 {strides = array<i32>} : memref<160x64xf32, #tpu.memory_space<vmem>>, vector<16xf32>,
        %parallel_loop3A_382 = arith.index_cast %parallel_loop3A_329 : i32 to index
        %parallel_loop3A_383 = arith.constant 48 : index
        %parallel_loop3A_384 = tpu.vector_load %arg11[%parallel_loop3A_382, %parallel_loop3A_383] {strides = array<i32>} : memref<160x128xf32, #tpu.memory_space<vmem>>, vector<16xf32>,
        %parallel_loop3A_385 = arith.index_cast %parallel_loop3A_329 : i32 to index
        %parallel_loop3A_386 = arith.constant 112 : index
        %parallel_loop3A_387 = tpu.vector_load %arg11[%parallel_loop3A_385, %parallel_loop3A_386] {strides = array<i32>} : memref<160x128xf32, #tpu.memory_space<vmem>>, vector<16xf32>,
        %parallel_loop3A_388 = arith.select %parallel_loop3A_351, %parallel_loop3A_387, %parallel_loop3A_384 : vector<16xi1>, vector<16xf32>
        %parallel_loop3A_389 = arith.index_cast %parallel_loop3A_329 : i32 to index
        %parallel_loop3A_390 = arith.constant 48 : index
        %parallel_loop3A_391 = tpu.vector_load %arg13[%parallel_loop3A_389, %parallel_loop3A_390] {strides = array<i32>} : memref<160x64xf32, #tpu.memory_space<vmem>>, vector<16xf32>,
        tpu.vector_store %arg13[%parallel_loop3A_389, %parallel_loop3A_390], %parallel_loop3A_388 {strides = array<i32>} : memref<160x64xf32, #tpu.memory_space<vmem>>, vector<16xf32>,
      } {sc.loop_unroll_factor = 8 : i64, sc.parallel_access}
      %mul3A_276 = arith.constant 160 : i32
      %mul3A_277 = arith.muli %add3A_265, %mul3A_276 : i32
      %add3A_278 = arith.addi %mul3A_2, %mul3A_277 : i32
      %dma_start3A_279 = arith.constant 0 : i32
      %dma_start3A_280 = tpu.memref_slice %arg4[%add3A_278, %dma_start3A_279] : memref<819200x64xf32, #tpu.memory_space<hbm>> -> memref<160x64xf32, #tpu.memory_space<hbm>>
      %dma_start3A_281 = arith.constant 0 : i32
      %dma_start3A_282 = tpu.memref_slice %arg4[%add3A_278, %dma_start3A_281] : memref<819200x64xf32, #tpu.memory_space<hbm>> -> memref<160x64xf32, #tpu.memory_space<hbm>>
      tpu.enqueue_dma source(%arg13 : memref<160x64xf32, #tpu.memory_space<vmem>>) target(%dma_start3A_282 : memref<160x64xf32, #tpu.memory_space<hbm>>) target_semaphore(%arg19 : memref<!tpu.dma_semaphore, #tpu.memory_space<semaphore_mem>>)
      %add3A_283 = arith.constant 2 : i32
      %add3A_284 = arith.addi %add3A_265, %add3A_283 : i32
      %lt3A = arith.constant 160 : i32
      %lt3A_285 = arith.cmpi slt, %add3A_284, %lt3A : i32
      %convert_element_type3A = arith.extui %lt3A_285 : i1 to i32
      %cond3A = arith.constant 0 : i32
      %cond3A_286 = arith.cmpi ne, %convert_element_type3A, %cond3A : i32
      scf.if %cond3A_286 {
        %add3A_329 = arith.constant 2 : i32
        %add3A_330 = arith.addi %add3A_265, %add3A_329 : i32
        %dma_wait3A_331 = tpu.memref_slice %arg2[%mul3A_2] : memref<819200xi32, #tpu.memory_space<hbm>> -> memref<160xi32, #tpu.memory_space<hbm>>
        %dma_wait3A_332 = tpu.memref_slice %arg2[%mul3A_2] : memref<819200xi32, #tpu.memory_space<hbm>> -> memref<160xi32, #tpu.memory_space<hbm>>
        tpu.wait_dma2 semaphore(%arg15 : memref<!tpu.dma_semaphore, #tpu.memory_space<semaphore_mem>>) src(%dma_wait3A_332 : memref<160xi32, #tpu.memory_space<hbm>>) dst(%arg5 : memref<160xi32, #tpu.memory_space<vmem>>)
        %scan3A_333 = arith.constant 0 : i32
        %scan3A_334 = arith.constant 0 : i32
        %scan3A_335 = arith.constant 8 : i32
        %scan3A_336 = arith.addi %scan3A_334, %scan3A_335 : i32
        %scan3A_337 = arith.constant 4 : i32
        scf.for %scan3A_382 = %scan3A_334 to %scan3A_336 step %scan3A_337  : i32 {
          %mul3A_383 = arith.constant 16 : i32
          %mul3A_384 = arith.muli %scan3A_382, %mul3A_383 : i32
          %get3A_385 = arith.index_cast %mul3A_384 : i32 to index
          %get3A_386 = tpu.vector_load %arg5[%get3A_385] {strides = array<i32>} : memref<160xi32, #tpu.memory_space<vmem>>, vector<16xi32>,
          %shift_right_logical3A_387 = arith.constant 1 : i32
          %shift_right_logical3A_388 = vector.broadcast %shift_right_logical3A_387 : i32 to vector<16xi32>
          %shift_right_logical3A_389 = arith.shrui %get3A_386, %shift_right_logical3A_388 : vector<16xi32>
          %mul3A_390 = arith.constant 16 : i32
          %mul3A_391 = arith.muli %scan3A_382, %mul3A_390 : i32
          %swap3A_392 = arith.index_cast %mul3A_391 : i32 to index
          %swap3A_393 = tpu.vector_load %arg7[%swap3A_392] {strides = array<i32>} : memref<160xi32, #tpu.memory_space<vmem>>, vector<16xi32>,
          tpu.vector_store %arg7[%swap3A_392], %shift_right_logical3A_389 {strides = array<i32>} : memref<160xi32, #tpu.memory_space<vmem>>, vector<16xi32>,
          %rem3A_394 = arith.constant 2 : i32
          %rem3A_395 = vector.broadcast %rem3A_394 : i32 to vector<16xi32>
          %rem3A_396 = arith.remsi %get3A_386, %rem3A_395 : vector<16xi32>
          %mul3A_397 = arith.constant 16 : i32
          %mul3A_398 = arith.muli %scan3A_382, %mul3A_397 : i32
          %swap3A_399 = arith.index_cast %mul3A_398 : i32 to index
          %swap3A_400 = tpu.vector_load %arg9[%swap3A_399] {strides = array<i32>} : memref<160xi32, #tpu.memory_space<vmem>>, vector<16xi32>,
          tpu.vector_store %arg9[%swap3A_399], %rem3A_396 {strides = array<i32>} : memref<160xi32, #tpu.memory_space<vmem>>, vector<16xi32>,
          %scan3A_401 = arith.constant 1 : i32
          %scan3A_402 = arith.addi %scan3A_382, %scan3A_401 : i32
          %mul3A_403 = arith.constant 16 : i32
          %mul3A_404 = arith.muli %scan3A_402, %mul3A_403 : i32
          %get3A_405 = arith.index_cast %mul3A_404 : i32 to index
          %get3A_406 = tpu.vector_load %arg5[%get3A_405] {strides = array<i32>} : memref<160xi32, #tpu.memory_space<vmem>>, vector<16xi32>,
          %shift_right_logical3A_407 = arith.constant 1 : i32
          %shift_right_logical3A_408 = vector.broadcast %shift_right_logical3A_407 : i32 to vector<16xi32>
          %shift_right_logical3A_409 = arith.shrui %get3A_406, %shift_right_logical3A_408 : vector<16xi32>
          %mul3A_410 = arith.constant 16 : i32
          %mul3A_411 = arith.muli %scan3A_402, %mul3A_410 : i32
          %swap3A_412 = arith.index_cast %mul3A_411 : i32 to index
          %swap3A_413 = tpu.vector_load %arg7[%swap3A_412] {strides = array<i32>} : memref<160xi32, #tpu.memory_space<vmem>>, vector<16xi32>,
          tpu.vector_store %arg7[%swap3A_412], %shift_right_logical3A_409 {strides = array<i32>} : memref<160xi32, #tpu.memory_space<vmem>>, vector<16xi32>,
          %rem3A_414 = arith.constant 2 : i32
          %rem3A_415 = vector.broadcast %rem3A_414 : i32 to vector<16xi32>
          %rem3A_416 = arith.remsi %get3A_406, %rem3A_415 : vector<16xi32>
          %mul3A_417 = arith.constant 16 : i32
          %mul3A_418 = arith.muli %scan3A_402, %mul3A_417 : i32
          %swap3A_419 = arith.index_cast %mul3A_418 : i32 to index
          %swap3A_420 = tpu.vector_load %arg9[%swap3A_419] {strides = array<i32>} : memref<160xi32, #tpu.memory_space<vmem>>, vector<16xi32>,
          tpu.vector_store %arg9[%swap3A_419], %rem3A_416 {strides = array<i32>} : memref<160xi32, #tpu.memory_space<vmem>>, vector<16xi32>,
          %scan3A_421 = arith.constant 2 : i32
          %scan3A_422 = arith.addi %scan3A_382, %scan3A_421 : i32
          %mul3A_423 = arith.constant 16 : i32
          %mul3A_424 = arith.muli %scan3A_422, %mul3A_423 : i32
          %get3A_425 = arith.index_cast %mul3A_424 : i32 to index
          %get3A_426 = tpu.vector_load %arg5[%get3A_425] {strides = array<i32>} : memref<160xi32, #tpu.memory_space<vmem>>, vector<16xi32>,
          %shift_right_logical3A_427 = arith.constant 1 : i32
          %shift_right_logical3A_428 = vector.broadcast %shift_right_logical3A_427 : i32 to vector<16xi32>
          %shift_right_logical3A_429 = arith.shrui %get3A_426, %shift_right_logical3A_428 : vector<16xi32>
          %mul3A_430 = arith.constant 16 : i32
          %mul3A_431 = arith.muli %scan3A_422, %mul3A_430 : i32
          %swap3A_432 = arith.index_cast %mul3A_431 : i32 to index
          %swap3A_433 = tpu.vector_load %arg7[%swap3A_432] {strides = array<i32>} : memref<160xi32, #tpu.memory_space<vmem>>, vector<16xi32>,
          tpu.vector_store %arg7[%swap3A_432], %shift_right_logical3A_429 {strides = array<i32>} : memref<160xi32, #tpu.memory_space<vmem>>, vector<16xi32>,
          %rem3A_434 = arith.constant 2 : i32
          %rem3A_435 = vector.broadcast %rem3A_434 : i32 to vector<16xi32>
          %rem3A_436 = arith.remsi %get3A_426, %rem3A_435 : vector<16xi32>
          %mul3A_437 = arith.constant 16 : i32
          %mul3A_438 = arith.muli %scan3A_422, %mul3A_437 : i32
          %swap3A_439 = arith.index_cast %mul3A_438 : i32 to index
          %swap3A_440 = tpu.vector_load %arg9[%swap3A_439] {strides = array<i32>} : memref<160xi32, #tpu.memory_space<vmem>>, vector<16xi32>,
          tpu.vector_store %arg9[%swap3A_439], %rem3A_436 {strides = array<i32>} : memref<160xi32, #tpu.memory_space<vmem>>, vector<16xi32>,
          %scan3A_441 = arith.constant 3 : i32
          %scan3A_442 = arith.addi %scan3A_382, %scan3A_441 : i32
          %mul3A_443 = arith.constant 16 : i32
          %mul3A_444 = arith.muli %scan3A_442, %mul3A_443 : i32
          %get3A_445 = arith.index_cast %mul3A_444 : i32 to index
          %get3A_446 = tpu.vector_load %arg5[%get3A_445] {strides = array<i32>} : memref<160xi32, #tpu.memory_space<vmem>>, vector<16xi32>,
          %shift_right_logical3A_447 = arith.constant 1 : i32
          %shift_right_logical3A_448 = vector.broadcast %shift_right_logical3A_447 : i32 to vector<16xi32>
          %shift_right_logical3A_449 = arith.shrui %get3A_446, %shift_right_logical3A_448 : vector<16xi32>
          %mul3A_450 = arith.constant 16 : i32
          %mul3A_451 = arith.muli %scan3A_442, %mul3A_450 : i32
          %swap3A_452 = arith.index_cast %mul3A_451 : i32 to index
          %swap3A_453 = tpu.vector_load %arg7[%swap3A_452] {strides = array<i32>} : memref<160xi32, #tpu.memory_space<vmem>>, vector<16xi32>,
          tpu.vector_store %arg7[%swap3A_452], %shift_right_logical3A_449 {strides = array<i32>} : memref<160xi32, #tpu.memory_space<vmem>>, vector<16xi32>,
          %rem3A_454 = arith.constant 2 : i32
          %rem3A_455 = vector.broadcast %rem3A_454 : i32 to vector<16xi32>
          %rem3A_456 = arith.remsi %get3A_446, %rem3A_455 : vector<16xi32>
          %mul3A_457 = arith.constant 16 : i32
          %mul3A_458 = arith.muli %scan3A_442, %mul3A_457 : i32
          %swap3A_459 = arith.index_cast %mul3A_458 : i32 to index
          %swap3A_460 = tpu.vector_load %arg9[%swap3A_459] {strides = array<i32>} : memref<160xi32, #tpu.memory_space<vmem>>, vector<16xi32>,
          tpu.vector_store %arg9[%swap3A_459], %rem3A_456 {strides = array<i32>} : memref<160xi32, #tpu.memory_space<vmem>>, vector<16xi32>,
        }
        %scan3A_338 = arith.constant 8 : i32
        %scan3A_339 = arith.addi %scan3A_334, %scan3A_338 : i32
        %mul3A_340 = arith.constant 16 : i32
        %mul3A_341 = arith.muli %scan3A_339, %mul3A_340 : i32
        %get3A_342 = arith.index_cast %mul3A_341 : i32 to index
        %get3A_343 = tpu.vector_load %arg5[%get3A_342] {strides = array<i32>} : memref<160xi32, #tpu.memory_space<vmem>>, vector<16xi32>,
        %shift_right_logical3A_344 = arith.constant 1 : i32
        %shift_right_logical3A_345 = vector.broadcast %shift_right_logical3A_344 : i32 to vector<16xi32>
        %shift_right_logical3A_346 = arith.shrui %get3A_343, %shift_right_logical3A_345 : vector<16xi32>
        %mul3A_347 = arith.constant 16 : i32
        %mul3A_348 = arith.muli %scan3A_339, %mul3A_347 : i32
        %swap3A_349 = arith.index_cast %mul3A_348 : i32 to index
        %swap3A_350 = tpu.vector_load %arg7[%swap3A_349] {strides = array<i32>} : memref<160xi32, #tpu.memory_space<vmem>>, vector<16xi32>,
        tpu.vector_store %arg7[%swap3A_349], %shift_right_logical3A_346 {strides = array<i32>} : memref<160xi32, #tpu.memory_space<vmem>>, vector<16xi32>,
        %rem3A_351 = arith.constant 2 : i32
        %rem3A_352 = vector.broadcast %rem3A_351 : i32 to vector<16xi32>
        %rem3A_353 = arith.remsi %get3A_343, %rem3A_352 : vector<16xi32>
        %mul3A_354 = arith.constant 16 : i32
        %mul3A_355 = arith.muli %scan3A_339, %mul3A_354 : i32
        %swap3A_356 = arith.index_cast %mul3A_355 : i32 to index
        %swap3A_357 = tpu.vector_load %arg9[%swap3A_356] {strides = array<i32>} : memref<160xi32, #tpu.memory_space<vmem>>, vector<16xi32>,
        tpu.vector_store %arg9[%swap3A_356], %rem3A_353 {strides = array<i32>} : memref<160xi32, #tpu.memory_space<vmem>>, vector<16xi32>,
        %scan3A_358 = arith.constant 9 : i32
        %scan3A_359 = arith.addi %scan3A_334, %scan3A_358 : i32
        %mul3A_360 = arith.constant 16 : i32
        %mul3A_361 = arith.muli %scan3A_359, %mul3A_360 : i32
        %get3A_362 = arith.index_cast %mul3A_361 : i32 to index
        %get3A_363 = tpu.vector_load %arg5[%get3A_362] {strides = array<i32>} : memref<160xi32, #tpu.memory_space<vmem>>, vector<16xi32>,
        %shift_right_logical3A_364 = arith.constant 1 : i32
        %shift_right_logical3A_365 = vector.broadcast %shift_right_logical3A_364 : i32 to vector<16xi32>
        %shift_right_logical3A_366 = arith.shrui %get3A_363, %shift_right_logical3A_365 : vector<16xi32>
        %mul3A_367 = arith.constant 16 : i32
        %mul3A_368 = arith.muli %scan3A_359, %mul3A_367 : i32
        %swap3A_369 = arith.index_cast %mul3A_368 : i32 to index
        %swap3A_370 = tpu.vector_load %arg7[%swap3A_369] {strides = array<i32>} : memref<160xi32, #tpu.memory_space<vmem>>, vector<16xi32>,
        tpu.vector_store %arg7[%swap3A_369], %shift_right_logical3A_366 {strides = array<i32>} : memref<160xi32, #tpu.memory_space<vmem>>, vector<16xi32>,
        %rem3A_371 = arith.constant 2 : i32
        %rem3A_372 = vector.broadcast %rem3A_371 : i32 to vector<16xi32>
        %rem3A_373 = arith.remsi %get3A_363, %rem3A_372 : vector<16xi32>
        %mul3A_374 = arith.constant 16 : i32
        %mul3A_375 = arith.muli %scan3A_359, %mul3A_374 : i32
        %swap3A_376 = arith.index_cast %mul3A_375 : i32 to index
        %swap3A_377 = tpu.vector_load %arg9[%swap3A_376] {strides = array<i32>} : memref<160xi32, #tpu.memory_space<vmem>>, vector<16xi32>,
        tpu.vector_store %arg9[%swap3A_376], %rem3A_373 {strides = array<i32>} : memref<160xi32, #tpu.memory_space<vmem>>, vector<16xi32>,
        %scan3A_378 = arith.constant 10 : i32
        %dma_start3A_379 = arith.constant 0 : i32
        %dma_start3A_380 = arith.constant 0 : i32
        %dma_start3A_381 = tpu.memref_slice %arg3[%dma_start3A_379, %dma_start3A_380] : memref<500000x128xf32, #tpu.memory_space<hbm>> -> memref<500000x128xf32, #tpu.memory_space<hbm>>
        tpu.enqueue_indirect_dma source(%dma_start3A_381 : memref<500000x128xf32, #tpu.memory_space<hbm>>) target(%arg11 : memref<160x128xf32, #tpu.memory_space<vmem>>) offsets(%arg7 : memref<160xi32, #tpu.memory_space<vmem>>) semaphore(%arg17 : memref<!tpu.dma_semaphore, #tpu.memory_space<semaphore_mem>>)
      } else {
      }
      %add3A_287 = arith.constant 4 : i32
      %add3A_288 = arith.addi %add3A_265, %add3A_287 : i32
      %lt3A_289 = arith.constant 160 : i32
      %lt3A_290 = arith.cmpi slt, %add3A_288, %lt3A_289 : i32
      %convert_element_type3A_291 = arith.extui %lt3A_290 : i1 to i32
      %cond3A_292 = arith.constant 0 : i32
      %cond3A_293 = arith.cmpi ne, %convert_element_type3A_291, %cond3A_292 : i32
      scf.if %cond3A_293 {
        %add3A_329 = arith.constant 4 : i32
        %add3A_330 = arith.addi %add3A_265, %add3A_329 : i32
        %mul3A_331 = arith.constant 160 : i32
        %mul3A_332 = arith.muli %add3A_330, %mul3A_331 : i32
        %add3A_333 = arith.addi %mul3A_2, %mul3A_332 : i32
        %dma_start3A_334 = tpu.memref_slice %arg2[%add3A_333] : memref<819200xi32, #tpu.memory_space<hbm>> -> memref<160xi32, #tpu.memory_space<hbm>>
        %dma_start3A_335 = tpu.memref_slice %arg2[%add3A_333] : memref<819200xi32, #tpu.memory_space<hbm>> -> memref<160xi32, #tpu.memory_space<hbm>>
        tpu.enqueue_dma source(%dma_start3A_335 : memref<160xi32, #tpu.memory_space<hbm>>) target(%arg5 : memref<160xi32, #tpu.memory_space<vmem>>) target_semaphore(%arg15 : memref<!tpu.dma_semaphore, #tpu.memory_space<semaphore_mem>>)
      } else {
      }
      %mul3A_294 = arith.constant 2 : i32
      %mul3A_295 = arith.muli %mul3A_294, %scan3A_261 : i32
      %add3A_296 = arith.constant 1 : i32
      %add3A_297 = arith.addi %mul3A_295, %add3A_296 : i32
      %dma_wait3A_298 = arith.constant 0 : i32
      %dma_wait3A_299 = arith.constant 0 : i32
      %dma_wait3A_300 = tpu.memref_slice %arg3[%dma_wait3A_298, %dma_wait3A_299] : memref<500000x128xf32, #tpu.memory_space<hbm>> -> memref<500000x128xf32, #tpu.memory_space<hbm>>
      tpu.wait_indirect_dma semaphore(%arg18 : memref<!tpu.dma_semaphore, #tpu.memory_space<semaphore_mem>>) src(%dma_wait3A_300 : memref<500000x128xf32, #tpu.memory_space<hbm>>) dst(%arg12 : memref<160x128xf32, #tpu.memory_space<vmem>>)
      %dma_wait3A_301 = arith.constant 0 : i32
      %dma_wait3A_302 = tpu.memref_slice %arg4[%mul3A_2, %dma_wait3A_301] : memref<819200x64xf32, #tpu.memory_space<hbm>> -> memref<160x64xf32, #tpu.memory_space<hbm>>
      %dma_wait3A_303 = arith.constant 0 : i32
      %dma_wait3A_304 = tpu.memref_slice %arg4[%mul3A_2, %dma_wait3A_303] : memref<819200x64xf32, #tpu.memory_space<hbm>> -> memref<160x64xf32, #tpu.memory_space<hbm>>
      tpu.wait_dma2 semaphore(%arg20 : memref<!tpu.dma_semaphore, #tpu.memory_space<semaphore_mem>>) src(%arg14 : memref<160x64xf32, #tpu.memory_space<vmem>>) dst(%dma_wait3A_304 : memref<160x64xf32, #tpu.memory_space<hbm>>)
      %parallel_loop3A_305 = arith.constant 0 : i32
      %parallel_loop3A_306 = arith.constant 160 : i32
      %parallel_loop3A_307 = arith.constant 1 : i32
      scf.for %parallel_loop3A_329 = %parallel_loop3A_305 to %parallel_loop3A_306 step %parallel_loop3A_307  : i32 {
        %parallel_loop3A_330 = arith.constant 16 : i32
        %parallel_loop3A_331 = arith.divsi %parallel_loop3A_329, %parallel_loop3A_330 : i32
        %parallel_loop3A_332 = arith.constant 16 : i32
        %parallel_loop3A_333 = arith.remsi %parallel_loop3A_329, %parallel_loop3A_332 : i32
        %parallel_loop3A_334 = arith.constant 16 : i32
        %parallel_loop3A_335 = arith.muli %parallel_loop3A_331, %parallel_loop3A_334 : i32
        %parallel_loop3A_336 = arith.index_cast %parallel_loop3A_335 : i32 to index
        %parallel_loop3A_337 = tpu.vector_load %arg10[%parallel_loop3A_336] {strides = array<i32>} : memref<160xi32, #tpu.memory_space<vmem>>, vector<16xi32>,
        %parallel_loop3A_338 = vector.broadcast %parallel_loop3A_333 : i32 to vector<16xi32>
        %parallel_loop3A_339 = arith.constant 0 : i32
        %parallel_loop3A_340 = vector.broadcast %parallel_loop3A_339 : i32 to vector<16xi32>
        %parallel_loop3A_341 = arith.cmpi slt, %parallel_loop3A_338, %parallel_loop3A_340 : vector<16xi32>
        %parallel_loop3A_342 = arith.constant 16 : i32
        %parallel_loop3A_343 = vector.broadcast %parallel_loop3A_342 : i32 to vector<16xi32>
        %parallel_loop3A_344 = arith.addi %parallel_loop3A_338, %parallel_loop3A_343 : vector<16xi32>
        %parallel_loop3A_345 = arith.select %parallel_loop3A_341, %parallel_loop3A_344, %parallel_loop3A_338 : vector<16xi1>, vector<16xi32>
        %parallel_loop3A_346 = vector.shape_cast %parallel_loop3A_345 : vector<16xi32> to vector<16x1xi32>
        %parallel_loop3A_347 = vector.shape_cast %parallel_loop3A_346 : vector<16x1xi32> to vector<16xi32>
        %parallel_loop3A_348 = tpu.dynamic_gather %parallel_loop3A_337[%parallel_loop3A_347] in [0] : vector<16xi32>, vector<16xi32> -> vector<16xi32>
        %parallel_loop3A_349 = arith.constant 1 : i32
        %parallel_loop3A_350 = vector.broadcast %parallel_loop3A_349 : i32 to vector<16xi32>
        %parallel_loop3A_351 = arith.cmpi eq, %parallel_loop3A_348, %parallel_loop3A_350 : vector<16xi32>
        %parallel_loop3A_352 = arith.index_cast %parallel_loop3A_329 : i32 to index
        %parallel_loop3A_353 = arith.constant 0 : index
        %parallel_loop3A_354 = tpu.vector_load %arg12[%parallel_loop3A_352, %parallel_loop3A_353] {strides = array<i32>} : memref<160x128xf32, #tpu.memory_space<vmem>>, vector<16xf32>,
        %parallel_loop3A_355 = arith.index_cast %parallel_loop3A_329 : i32 to index
        %parallel_loop3A_356 = arith.constant 64 : index
        %parallel_loop3A_357 = tpu.vector_load %arg12[%parallel_loop3A_355, %parallel_loop3A_356] {strides = array<i32>} : memref<160x128xf32, #tpu.memory_space<vmem>>, vector<16xf32>,
        %parallel_loop3A_358 = arith.select %parallel_loop3A_351, %parallel_loop3A_357, %parallel_loop3A_354 : vector<16xi1>, vector<16xf32>
        %parallel_loop3A_359 = arith.index_cast %parallel_loop3A_329 : i32 to index
        %parallel_loop3A_360 = arith.constant 0 : index
        %parallel_loop3A_361 = tpu.vector_load %arg14[%parallel_loop3A_359, %parallel_loop3A_360] {strides = array<i32>} : memref<160x64xf32, #tpu.memory_space<vmem>>, vector<16xf32>,
        tpu.vector_store %arg14[%parallel_loop3A_359, %parallel_loop3A_360], %parallel_loop3A_358 {strides = array<i32>} : memref<160x64xf32, #tpu.memory_space<vmem>>, vector<16xf32>,
        %parallel_loop3A_362 = arith.index_cast %parallel_loop3A_329 : i32 to index
        %parallel_loop3A_363 = arith.constant 16 : index
        %parallel_loop3A_364 = tpu.vector_load %arg12[%parallel_loop3A_362, %parallel_loop3A_363] {strides = array<i32>} : memref<160x128xf32, #tpu.memory_space<vmem>>, vector<16xf32>,
        %parallel_loop3A_365 = arith.index_cast %parallel_loop3A_329 : i32 to index
        %parallel_loop3A_366 = arith.constant 80 : index
        %parallel_loop3A_367 = tpu.vector_load %arg12[%parallel_loop3A_365, %parallel_loop3A_366] {strides = array<i32>} : memref<160x128xf32, #tpu.memory_space<vmem>>, vector<16xf32>,
        %parallel_loop3A_368 = arith.select %parallel_loop3A_351, %parallel_loop3A_367, %parallel_loop3A_364 : vector<16xi1>, vector<16xf32>
        %parallel_loop3A_369 = arith.index_cast %parallel_loop3A_329 : i32 to index
        %parallel_loop3A_370 = arith.constant 16 : index
        %parallel_loop3A_371 = tpu.vector_load %arg14[%parallel_loop3A_369, %parallel_loop3A_370] {strides = array<i32>} : memref<160x64xf32, #tpu.memory_space<vmem>>, vector<16xf32>,
        tpu.vector_store %arg14[%parallel_loop3A_369, %parallel_loop3A_370], %parallel_loop3A_368 {strides = array<i32>} : memref<160x64xf32, #tpu.memory_space<vmem>>, vector<16xf32>,
        %parallel_loop3A_372 = arith.index_cast %parallel_loop3A_329 : i32 to index
        %parallel_loop3A_373 = arith.constant 32 : index
        %parallel_loop3A_374 = tpu.vector_load %arg12[%parallel_loop3A_372, %parallel_loop3A_373] {strides = array<i32>} : memref<160x128xf32, #tpu.memory_space<vmem>>, vector<16xf32>,
        %parallel_loop3A_375 = arith.index_cast %parallel_loop3A_329 : i32 to index
        %parallel_loop3A_376 = arith.constant 96 : index
        %parallel_loop3A_377 = tpu.vector_load %arg12[%parallel_loop3A_375, %parallel_loop3A_376] {strides = array<i32>} : memref<160x128xf32, #tpu.memory_space<vmem>>, vector<16xf32>,
        %parallel_loop3A_378 = arith.select %parallel_loop3A_351, %parallel_loop3A_377, %parallel_loop3A_374 : vector<16xi1>, vector<16xf32>
        %parallel_loop3A_379 = arith.index_cast %parallel_loop3A_329 : i32 to index
        %parallel_loop3A_380 = arith.constant 32 : index
        %parallel_loop3A_381 = tpu.vector_load %arg14[%parallel_loop3A_379, %parallel_loop3A_380] {strides = array<i32>} : memref<160x64xf32, #tpu.memory_space<vmem>>, vector<16xf32>,
        tpu.vector_store %arg14[%parallel_loop3A_379, %parallel_loop3A_380], %parallel_loop3A_378 {strides = array<i32>} : memref<160x64xf32, #tpu.memory_space<vmem>>, vector<16xf32>,
        %parallel_loop3A_382 = arith.index_cast %parallel_loop3A_329 : i32 to index
        %parallel_loop3A_383 = arith.constant 48 : index
        %parallel_loop3A_384 = tpu.vector_load %arg12[%parallel_loop3A_382, %parallel_loop3A_383] {strides = array<i32>} : memref<160x128xf32, #tpu.memory_space<vmem>>, vector<16xf32>,
        %parallel_loop3A_385 = arith.index_cast %parallel_loop3A_329 : i32 to index
        %parallel_loop3A_386 = arith.constant 112 : index
        %parallel_loop3A_387 = tpu.vector_load %arg12[%parallel_loop3A_385, %parallel_loop3A_386] {strides = array<i32>} : memref<160x128xf32, #tpu.memory_space<vmem>>, vector<16xf32>,
        %parallel_loop3A_388 = arith.select %parallel_loop3A_351, %parallel_loop3A_387, %parallel_loop3A_384 : vector<16xi1>, vector<16xf32>
        %parallel_loop3A_389 = arith.index_cast %parallel_loop3A_329 : i32 to index
        %parallel_loop3A_390 = arith.constant 48 : index
        %parallel_loop3A_391 = tpu.vector_load %arg14[%parallel_loop3A_389, %parallel_loop3A_390] {strides = array<i32>} : memref<160x64xf32, #tpu.memory_space<vmem>>, vector<16xf32>,
        tpu.vector_store %arg14[%parallel_loop3A_389, %parallel_loop3A_390], %parallel_loop3A_388 {strides = array<i32>} : memref<160x64xf32, #tpu.memory_space<vmem>>, vector<16xf32>,
      } {sc.loop_unroll_factor = 8 : i64, sc.parallel_access}
      %mul3A_308 = arith.constant 160 : i32
      %mul3A_309 = arith.muli %add3A_297, %mul3A_308 : i32
      %add3A_310 = arith.addi %mul3A_2, %mul3A_309 : i32
      %dma_start3A_311 = arith.constant 0 : i32
      %dma_start3A_312 = tpu.memref_slice %arg4[%add3A_310, %dma_start3A_311] : memref<819200x64xf32, #tpu.memory_space<hbm>> -> memref<160x64xf32, #tpu.memory_space<hbm>>
      %dma_start3A_313 = arith.constant 0 : i32
      %dma_start3A_314 = tpu.memref_slice %arg4[%add3A_310, %dma_start3A_313] : memref<819200x64xf32, #tpu.memory_space<hbm>> -> memref<160x64xf32, #tpu.memory_space<hbm>>
      tpu.enqueue_dma source(%arg14 : memref<160x64xf32, #tpu.memory_space<vmem>>) target(%dma_start3A_314 : memref<160x64xf32, #tpu.memory_space<hbm>>) target_semaphore(%arg20 : memref<!tpu.dma_semaphore, #tpu.memory_space<semaphore_mem>>)
      %add3A_315 = arith.constant 2 : i32
      %add3A_316 = arith.addi %add3A_297, %add3A_315 : i32
      %lt3A_317 = arith.constant 160 : i32
      %lt3A_318 = arith.cmpi slt, %add3A_316, %lt3A_317 : i32
      %convert_element_type3A_319 = arith.extui %lt3A_318 : i1 to i32
      %cond3A_320 = arith.constant 0 : i32
      %cond3A_321 = arith.cmpi ne, %convert_element_type3A_319, %cond3A_320 : i32
      scf.if %cond3A_321 {
        %add3A_329 = arith.constant 2 : i32
        %add3A_330 = arith.addi %add3A_297, %add3A_329 : i32
        %dma_wait3A_331 = tpu.memref_slice %arg2[%mul3A_2] : memref<819200xi32, #tpu.memory_space<hbm>> -> memref<160xi32, #tpu.memory_space<hbm>>
        %dma_wait3A_332 = tpu.memref_slice %arg2[%mul3A_2] : memref<819200xi32, #tpu.memory_space<hbm>> -> memref<160xi32, #tpu.memory_space<hbm>>
        tpu.wait_dma2 semaphore(%arg16 : memref<!tpu.dma_semaphore, #tpu.memory_space<semaphore_mem>>) src(%dma_wait3A_332 : memref<160xi32, #tpu.memory_space<hbm>>) dst(%arg6 : memref<160xi32, #tpu.memory_space<vmem>>)
        %scan3A_333 = arith.constant 0 : i32
        %scan3A_334 = arith.constant 0 : i32
        %scan3A_335 = arith.constant 8 : i32
        %scan3A_336 = arith.addi %scan3A_334, %scan3A_335 : i32
        %scan3A_337 = arith.constant 4 : i32
        scf.for %scan3A_382 = %scan3A_334 to %scan3A_336 step %scan3A_337  : i32 {
          %mul3A_383 = arith.constant 16 : i32
          %mul3A_384 = arith.muli %scan3A_382, %mul3A_383 : i32
          %get3A_385 = arith.index_cast %mul3A_384 : i32 to index
          %get3A_386 = tpu.vector_load %arg6[%get3A_385] {strides = array<i32>} : memref<160xi32, #tpu.memory_space<vmem>>, vector<16xi32>,
          %shift_right_logical3A_387 = arith.constant 1 : i32
          %shift_right_logical3A_388 = vector.broadcast %shift_right_logical3A_387 : i32 to vector<16xi32>
          %shift_right_logical3A_389 = arith.shrui %get3A_386, %shift_right_logical3A_388 : vector<16xi32>
          %mul3A_390 = arith.constant 16 : i32
          %mul3A_391 = arith.muli %scan3A_382, %mul3A_390 : i32
          %swap3A_392 = arith.index_cast %mul3A_391 : i32 to index
          %swap3A_393 = tpu.vector_load %arg8[%swap3A_392] {strides = array<i32>} : memref<160xi32, #tpu.memory_space<vmem>>, vector<16xi32>,
          tpu.vector_store %arg8[%swap3A_392], %shift_right_logical3A_389 {strides = array<i32>} : memref<160xi32, #tpu.memory_space<vmem>>, vector<16xi32>,
          %rem3A_394 = arith.constant 2 : i32
          %rem3A_395 = vector.broadcast %rem3A_394 : i32 to vector<16xi32>
          %rem3A_396 = arith.remsi %get3A_386, %rem3A_395 : vector<16xi32>
          %mul3A_397 = arith.constant 16 : i32
          %mul3A_398 = arith.muli %scan3A_382, %mul3A_397 : i32
          %swap3A_399 = arith.index_cast %mul3A_398 : i32 to index
          %swap3A_400 = tpu.vector_load %arg10[%swap3A_399] {strides = array<i32>} : memref<160xi32, #tpu.memory_space<vmem>>, vector<16xi32>,
          tpu.vector_store %arg10[%swap3A_399], %rem3A_396 {strides = array<i32>} : memref<160xi32, #tpu.memory_space<vmem>>, vector<16xi32>,
          %scan3A_401 = arith.constant 1 : i32
          %scan3A_402 = arith.addi %scan3A_382, %scan3A_401 : i32
          %mul3A_403 = arith.constant 16 : i32
          %mul3A_404 = arith.muli %scan3A_402, %mul3A_403 : i32
          %get3A_405 = arith.index_cast %mul3A_404 : i32 to index
          %get3A_406 = tpu.vector_load %arg6[%get3A_405] {strides = array<i32>} : memref<160xi32, #tpu.memory_space<vmem>>, vector<16xi32>,
          %shift_right_logical3A_407 = arith.constant 1 : i32
          %shift_right_logical3A_408 = vector.broadcast %shift_right_logical3A_407 : i32 to vector<16xi32>
          %shift_right_logical3A_409 = arith.shrui %get3A_406, %shift_right_logical3A_408 : vector<16xi32>
          %mul3A_410 = arith.constant 16 : i32
          %mul3A_411 = arith.muli %scan3A_402, %mul3A_410 : i32
          %swap3A_412 = arith.index_cast %mul3A_411 : i32 to index
          %swap3A_413 = tpu.vector_load %arg8[%swap3A_412] {strides = array<i32>} : memref<160xi32, #tpu.memory_space<vmem>>, vector<16xi32>,
          tpu.vector_store %arg8[%swap3A_412], %shift_right_logical3A_409 {strides = array<i32>} : memref<160xi32, #tpu.memory_space<vmem>>, vector<16xi32>,
          %rem3A_414 = arith.constant 2 : i32
          %rem3A_415 = vector.broadcast %rem3A_414 : i32 to vector<16xi32>
          %rem3A_416 = arith.remsi %get3A_406, %rem3A_415 : vector<16xi32>
          %mul3A_417 = arith.constant 16 : i32
          %mul3A_418 = arith.muli %scan3A_402, %mul3A_417 : i32
          %swap3A_419 = arith.index_cast %mul3A_418 : i32 to index
          %swap3A_420 = tpu.vector_load %arg10[%swap3A_419] {strides = array<i32>} : memref<160xi32, #tpu.memory_space<vmem>>, vector<16xi32>,
          tpu.vector_store %arg10[%swap3A_419], %rem3A_416 {strides = array<i32>} : memref<160xi32, #tpu.memory_space<vmem>>, vector<16xi32>,
          %scan3A_421 = arith.constant 2 : i32
          %scan3A_422 = arith.addi %scan3A_382, %scan3A_421 : i32
          %mul3A_423 = arith.constant 16 : i32
          %mul3A_424 = arith.muli %scan3A_422, %mul3A_423 : i32
          %get3A_425 = arith.index_cast %mul3A_424 : i32 to index
          %get3A_426 = tpu.vector_load %arg6[%get3A_425] {strides = array<i32>} : memref<160xi32, #tpu.memory_space<vmem>>, vector<16xi32>,
          %shift_right_logical3A_427 = arith.constant 1 : i32
          %shift_right_logical3A_428 = vector.broadcast %shift_right_logical3A_427 : i32 to vector<16xi32>
          %shift_right_logical3A_429 = arith.shrui %get3A_426, %shift_right_logical3A_428 : vector<16xi32>
          %mul3A_430 = arith.constant 16 : i32
          %mul3A_431 = arith.muli %scan3A_422, %mul3A_430 : i32
          %swap3A_432 = arith.index_cast %mul3A_431 : i32 to index
          %swap3A_433 = tpu.vector_load %arg8[%swap3A_432] {strides = array<i32>} : memref<160xi32, #tpu.memory_space<vmem>>, vector<16xi32>,
          tpu.vector_store %arg8[%swap3A_432], %shift_right_logical3A_429 {strides = array<i32>} : memref<160xi32, #tpu.memory_space<vmem>>, vector<16xi32>,
          %rem3A_434 = arith.constant 2 : i32
          %rem3A_435 = vector.broadcast %rem3A_434 : i32 to vector<16xi32>
          %rem3A_436 = arith.remsi %get3A_426, %rem3A_435 : vector<16xi32>
          %mul3A_437 = arith.constant 16 : i32
          %mul3A_438 = arith.muli %scan3A_422, %mul3A_437 : i32
          %swap3A_439 = arith.index_cast %mul3A_438 : i32 to index
          %swap3A_440 = tpu.vector_load %arg10[%swap3A_439] {strides = array<i32>} : memref<160xi32, #tpu.memory_space<vmem>>, vector<16xi32>,
          tpu.vector_store %arg10[%swap3A_439], %rem3A_436 {strides = array<i32>} : memref<160xi32, #tpu.memory_space<vmem>>, vector<16xi32>,
          %scan3A_441 = arith.constant 3 : i32
          %scan3A_442 = arith.addi %scan3A_382, %scan3A_441 : i32
          %mul3A_443 = arith.constant 16 : i32
          %mul3A_444 = arith.muli %scan3A_442, %mul3A_443 : i32
          %get3A_445 = arith.index_cast %mul3A_444 : i32 to index
          %get3A_446 = tpu.vector_load %arg6[%get3A_445] {strides = array<i32>} : memref<160xi32, #tpu.memory_space<vmem>>, vector<16xi32>,
          %shift_right_logical3A_447 = arith.constant 1 : i32
          %shift_right_logical3A_448 = vector.broadcast %shift_right_logical3A_447 : i32 to vector<16xi32>
          %shift_right_logical3A_449 = arith.shrui %get3A_446, %shift_right_logical3A_448 : vector<16xi32>
          %mul3A_450 = arith.constant 16 : i32
          %mul3A_451 = arith.muli %scan3A_442, %mul3A_450 : i32
          %swap3A_452 = arith.index_cast %mul3A_451 : i32 to index
          %swap3A_453 = tpu.vector_load %arg8[%swap3A_452] {strides = array<i32>} : memref<160xi32, #tpu.memory_space<vmem>>, vector<16xi32>,
          tpu.vector_store %arg8[%swap3A_452], %shift_right_logical3A_449 {strides = array<i32>} : memref<160xi32, #tpu.memory_space<vmem>>, vector<16xi32>,
          %rem3A_454 = arith.constant 2 : i32
          %rem3A_455 = vector.broadcast %rem3A_454 : i32 to vector<16xi32>
          %rem3A_456 = arith.remsi %get3A_446, %rem3A_455 : vector<16xi32>
          %mul3A_457 = arith.constant 16 : i32
          %mul3A_458 = arith.muli %scan3A_442, %mul3A_457 : i32
          %swap3A_459 = arith.index_cast %mul3A_458 : i32 to index
          %swap3A_460 = tpu.vector_load %arg10[%swap3A_459] {strides = array<i32>} : memref<160xi32, #tpu.memory_space<vmem>>, vector<16xi32>,
          tpu.vector_store %arg10[%swap3A_459], %rem3A_456 {strides = array<i32>} : memref<160xi32, #tpu.memory_space<vmem>>, vector<16xi32>,
        }
        %scan3A_338 = arith.constant 8 : i32
        %scan3A_339 = arith.addi %scan3A_334, %scan3A_338 : i32
        %mul3A_340 = arith.constant 16 : i32
        %mul3A_341 = arith.muli %scan3A_339, %mul3A_340 : i32
        %get3A_342 = arith.index_cast %mul3A_341 : i32 to index
        %get3A_343 = tpu.vector_load %arg6[%get3A_342] {strides = array<i32>} : memref<160xi32, #tpu.memory_space<vmem>>, vector<16xi32>,
        %shift_right_logical3A_344 = arith.constant 1 : i32
        %shift_right_logical3A_345 = vector.broadcast %shift_right_logical3A_344 : i32 to vector<16xi32>
        %shift_right_logical3A_346 = arith.shrui %get3A_343, %shift_right_logical3A_345 : vector<16xi32>
        %mul3A_347 = arith.constant 16 : i32
        %mul3A_348 = arith.muli %scan3A_339, %mul3A_347 : i32
        %swap3A_349 = arith.index_cast %mul3A_348 : i32 to index
        %swap3A_350 = tpu.vector_load %arg8[%swap3A_349] {strides = array<i32>} : memref<160xi32, #tpu.memory_space<vmem>>, vector<16xi32>,
        tpu.vector_store %arg8[%swap3A_349], %shift_right_logical3A_346 {strides = array<i32>} : memref<160xi32, #tpu.memory_space<vmem>>, vector<16xi32>,
        %rem3A_351 = arith.constant 2 : i32
        %rem3A_352 = vector.broadcast %rem3A_351 : i32 to vector<16xi32>
        %rem3A_353 = arith.remsi %get3A_343, %rem3A_352 : vector<16xi32>
        %mul3A_354 = arith.constant 16 : i32
        %mul3A_355 = arith.muli %scan3A_339, %mul3A_354 : i32
        %swap3A_356 = arith.index_cast %mul3A_355 : i32 to index
        %swap3A_357 = tpu.vector_load %arg10[%swap3A_356] {strides = array<i32>} : memref<160xi32, #tpu.memory_space<vmem>>, vector<16xi32>,
        tpu.vector_store %arg10[%swap3A_356], %rem3A_353 {strides = array<i32>} : memref<160xi32, #tpu.memory_space<vmem>>, vector<16xi32>,
        %scan3A_358 = arith.constant 9 : i32
        %scan3A_359 = arith.addi %scan3A_334, %scan3A_358 : i32
        %mul3A_360 = arith.constant 16 : i32
        %mul3A_361 = arith.muli %scan3A_359, %mul3A_360 : i32
        %get3A_362 = arith.index_cast %mul3A_361 : i32 to index
        %get3A_363 = tpu.vector_load %arg6[%get3A_362] {strides = array<i32>} : memref<160xi32, #tpu.memory_space<vmem>>, vector<16xi32>,
        %shift_right_logical3A_364 = arith.constant 1 : i32
        %shift_right_logical3A_365 = vector.broadcast %shift_right_logical3A_364 : i32 to vector<16xi32>
        %shift_right_logical3A_366 = arith.shrui %get3A_363, %shift_right_logical3A_365 : vector<16xi32>
        %mul3A_367 = arith.constant 16 : i32
        %mul3A_368 = arith.muli %scan3A_359, %mul3A_367 : i32
        %swap3A_369 = arith.index_cast %mul3A_368 : i32 to index
        %swap3A_370 = tpu.vector_load %arg8[%swap3A_369] {strides = array<i32>} : memref<160xi32, #tpu.memory_space<vmem>>, vector<16xi32>,
        tpu.vector_store %arg8[%swap3A_369], %shift_right_logical3A_366 {strides = array<i32>} : memref<160xi32, #tpu.memory_space<vmem>>, vector<16xi32>,
        %rem3A_371 = arith.constant 2 : i32
        %rem3A_372 = vector.broadcast %rem3A_371 : i32 to vector<16xi32>
        %rem3A_373 = arith.remsi %get3A_363, %rem3A_372 : vector<16xi32>
        %mul3A_374 = arith.constant 16 : i32
        %mul3A_375 = arith.muli %scan3A_359, %mul3A_374 : i32
        %swap3A_376 = arith.index_cast %mul3A_375 : i32 to index
        %swap3A_377 = tpu.vector_load %arg10[%swap3A_376] {strides = array<i32>} : memref<160xi32, #tpu.memory_space<vmem>>, vector<16xi32>,
        tpu.vector_store %arg10[%swap3A_376], %rem3A_373 {strides = array<i32>} : memref<160xi32, #tpu.memory_space<vmem>>, vector<16xi32>,
        %scan3A_378 = arith.constant 10 : i32
        %dma_start3A_379 = arith.constant 0 : i32
        %dma_start3A_380 = arith.constant 0 : i32
        %dma_start3A_381 = tpu.memref_slice %arg3[%dma_start3A_379, %dma_start3A_380] : memref<500000x128xf32, #tpu.memory_space<hbm>> -> memref<500000x128xf32, #tpu.memory_space<hbm>>
        tpu.enqueue_indirect_dma source(%dma_start3A_381 : memref<500000x128xf32, #tpu.memory_space<hbm>>) target(%arg12 : memref<160x128xf32, #tpu.memory_space<vmem>>) offsets(%arg8 : memref<160xi32, #tpu.memory_space<vmem>>) semaphore(%arg18 : memref<!tpu.dma_semaphore, #tpu.memory_space<semaphore_mem>>)
      } else {
      }
      %add3A_322 = arith.constant 4 : i32
      %add3A_323 = arith.addi %add3A_297, %add3A_322 : i32
      %lt3A_324 = arith.constant 160 : i32
      %lt3A_325 = arith.cmpi slt, %add3A_323, %lt3A_324 : i32
      %convert_element_type3A_326 = arith.extui %lt3A_325 : i1 to i32
      %cond3A_327 = arith.constant 0 : i32
      %cond3A_328 = arith.cmpi ne, %convert_element_type3A_326, %cond3A_327 : i32
      scf.if %cond3A_328 {
        %add3A_329 = arith.constant 4 : i32
        %add3A_330 = arith.addi %add3A_297, %add3A_329 : i32
        %mul3A_331 = arith.constant 160 : i32
        %mul3A_332 = arith.muli %add3A_330, %mul3A_331 : i32
        %add3A_333 = arith.addi %mul3A_2, %mul3A_332 : i32
        %dma_start3A_334 = tpu.memref_slice %arg2[%add3A_333] : memref<819200xi32, #tpu.memory_space<hbm>> -> memref<160xi32, #tpu.memory_space<hbm>>
        %dma_start3A_335 = tpu.memref_slice %arg2[%add3A_333] : memref<819200xi32, #tpu.memory_space<hbm>> -> memref<160xi32, #tpu.memory_space<hbm>>
        tpu.enqueue_dma source(%dma_start3A_335 : memref<160xi32, #tpu.memory_space<hbm>>) target(%arg6 : memref<160xi32, #tpu.memory_space<vmem>>) target_semaphore(%arg16 : memref<!tpu.dma_semaphore, #tpu.memory_space<semaphore_mem>>)
      } else {
      }
    }
    %scan3A_252 = arith.constant 79 : i32
    %dma_wait3A_253 = arith.constant 0 : i32
    %dma_wait3A_254 = tpu.memref_slice %arg4[%mul3A_2, %dma_wait3A_253] : memref<819200x64xf32, #tpu.memory_space<hbm>> -> memref<160x64xf32, #tpu.memory_space<hbm>>
    %dma_wait3A_255 = arith.constant 0 : i32
    %dma_wait3A_256 = tpu.memref_slice %arg4[%mul3A_2, %dma_wait3A_255] : memref<819200x64xf32, #tpu.memory_space<hbm>> -> memref<160x64xf32, #tpu.memory_space<hbm>>
    tpu.wait_dma2 semaphore(%arg19 : memref<!tpu.dma_semaphore, #tpu.memory_space<semaphore_mem>>) src(%arg13 : memref<160x64xf32, #tpu.memory_space<vmem>>) dst(%dma_wait3A_256 : memref<160x64xf32, #tpu.memory_space<hbm>>)
    %dma_wait3A_257 = arith.constant 0 : i32
    %dma_wait3A_258 = tpu.memref_slice %arg4[%mul3A_2, %dma_wait3A_257] : memref<819200x64xf32, #tpu.memory_space<hbm>> -> memref<160x64xf32, #tpu.memory_space<hbm>>
    %dma_wait3A_259 = arith.constant 0 : i32
    %dma_wait3A_260 = tpu.memref_slice %arg4[%mul3A_2, %dma_wait3A_259] : memref<819200x64xf32, #tpu.memory_space<hbm>> -> memref<160x64xf32, #tpu.memory_space<hbm>>
    tpu.wait_dma2 semaphore(%arg20 : memref<!tpu.dma_semaphore, #tpu.memory_space<semaphore_mem>>) src(%arg14 : memref<160x64xf32, #tpu.memory_space<vmem>>) dst(%dma_wait3A_260 : memref<160x64xf32, #tpu.memory_space<hbm>>)
    return
  }
}

</mosaic_0001>

<sc_bundles>
// kernel: kernel.3.cloned.1.call-start
scs
__scs_entry_jumppad:
0x0: {  	(pc) =	sbr.rel $0x88, $3  }
0x1: {  	(tag) =	ssettag $0x0;
	lr =	simm.s32 $0x1  }
0x2: {  	[smem:$0x3F9F] =	sst lr;
	_ =	strace $0xD0000000  }
0x3: {  	_ = 	snop  }
0x4: {  	_ = 	snop  }
0x5: {  	_ = 	snop  }
0x6: {  	_ = 	snop  }
0x7: {  	_ = 	snop  }
__scs_overlays_trampoline_lowered:
0x8: {  	[smem:$0x3FAE] =	sst s0  }
0x9: {  	[smem:$0x3FAF] =	sst s1  }
0xa: {  	[smem:$0x3FB0] =	sst s2  }
0xb: {  	[smem:$0x3FB1] =	sst s3  }
0xc: {  	[smem:$0x3FB2] =	sst s4  }
0xd: {  	[smem:$0x3FB3] =	sst s5  }
0xe: {  	[smem:$0x3FB4] =	sst s6  }
0xf: {  	[smem:$0x3FB5] =	sst s7  }
0x10: {  	[smem:$0x3FB6] =	sst s8  }
0x11: {  	[smem:$0x3FB7] =	sst s9;
	s0 =	simm.s32 @!p0 $0x0  }
0x12: {  	s1 =	sld [smem:$0x3F9D];
	s0 =	simm.s32 @p0 $0x1  }
0x13: {  	[smem:$0x3FB8] =	sst s0;
	s0 =	simm.s32 @!p1 $0x0  }
0x14: {  	s2 =	sld [smem:$0x3F9C];
	s0 =	simm.s32 @p1 $0x1  }
0x15: {  	[smem:$0x3FB9] =	sst s0;
	s0 =	simm.s32 @!p2 $0x0  }
0x16: {  	s3 =	sld [smem:$0x3FDB];
	s0 =	simm.s32 @p2 $0x1  }
0x17: {  	s4 =	simm.s32 $0x1BF5;
	[smem:$0x3FBB] =	sst s0  }
0x18: {  	s0 =	sld [smem:$0x3F9E];
	_ =	swait.ge [sflag:s4], $0x0  }
0x19: {  	s7 =	sld [smem:$0x3F9F]  }
0x1a: {  	s8 =	sadd.s32 $0xFFFFE003, lr  }
0x1b: {  	s9 =	sadd.s32 $0xFFFFFEF7, lr;
	s5 =	simm.s32 $0xFFFFFFFF;
	p2 =	slt.u32 s8, $0xFFFFF086  }
0x1c: {  	p1 =	slt.u32 s9, $0xF7A;
	s5 =	simm.s32 @!p2 $0x0  }
0x1d: {  	s5 =	simm.s32 @p1 $0x1;
	p0 =	seq.s32 s7, s2  }
0x1e: {  	s7 =	smul.u32 @!p0 $0xF7A, s2;
	p2 =	seq.s32 @!p0 s5, $0x0  }
0x1f: {  	s9 =	smul.u32 $0xF7A, s1;
	s8 =	simm.s32 @!p0 $0x1BF5;
	p2 =	por !p2, p0  }
0x20: {  	[sflag:s8] =	ssyncset.s32 @!p0 $0xFFFFF086;
	s6 =	sadd.s32 @!p0 s3, s7;
	s7 =	simm.s32 @!p0 $0x108  }
0x21: {  	s3 =	sadd.s32 s3, s9;
	s6 =	sadd.s32 @!p0 $0x88, s6;
	s7 =	simm.s32 @p2 $0x1082  }
0x22: {  	[simem:s7], [sflag:s8] =	dma.local @!p0 [hbm:s6], $0xF7A  }
0x23: {  	s9 =	sor.u32 $0xD0000000, s2;
	s6 =	simm.s32 $0x108;
	_ =	swait.ge @!p0 [sflag:s8], $0x0  }
0x24: {  	s3 =	sadd.s32 $0x88, s3;
	s6 =	simm.s32 @!p1 $0x1082;
	[sflag:s4] =	ssyncset.s32 $0xFFFFF086  }
0x25: {  	[simem:s6], [sflag:s4] =	dma.local [hbm:s3], $0xF7A  }
0x26: {  	[smem:$0x3F9F] =	sst s1;
	(tag) =	ssettag s2;
	_ =	strace s9  }
0x27: {  	s1 =	sld [smem:$0x3FAF]  }
0x28: {  	s2 =	sld [smem:$0x3FB0]  }
0x29: {  	s4 =	sld [smem:$0x3FB2]  }
0x2a: {  	p0 =	seq.s32 s5, $0x0;
	s5 =	sld [smem:$0x3FB3]  }
0x2b: {  	s6 =	sld [smem:$0x3FB4]  }
0x2c: {  	s7 =	sld [smem:$0x3FB5]  }
0x2d: {  	s3 =	simm.s32 $0x108;
	s8 =	sld [smem:$0x3FB6]  }
0x2e: {  	s3 =	simm.s32 @!p0 $0x1082;
	s9 =	sld [smem:$0x3FB7]  }
0x2f: {  	lr =	sadd.s32 s0, s3;
	s0 =	sld [smem:$0x3FAE]  }
0x30: {  	s3 =	sld [smem:$0x3FB1]  }
0x31: {  	[smem:$0x3FBA] =	sst s10  }
0x32: {  	s10 =	sld [smem:$0x3FB8];
	_ =	sdelay $0x3  }
0x33: {  	p0 =	seq.s32 s10, $0x1;
	s10 =	sld [smem:$0x3FBA];
	_ =	sdelay $0x3  }
0x34: {  	[smem:$0x3FBA] =	sst s10  }
0x35: {  	s10 =	sld [smem:$0x3FB9];
	_ =	sdelay $0x3  }
0x36: {  	p1 =	seq.s32 s10, $0x1;
	s10 =	sld [smem:$0x3FBA];
	_ =	sdelay $0x3  }
0x37: {  	[smem:$0x3FBA] =	sst s10  }
0x38: {  	s10 =	sld [smem:$0x3FBB]  }
0x39: {  	_ = 	snop;
	(pc) =	sbr.ind lr, $3  }
0x3a: {  	_ = 	snop  }
0x3b: {  	_ = 	snop  }
0x3c: {  	p2 =	seq.s32 s10, $0x1;
	s10 =	sld [smem:$0x3FBA]  }
0x3d: {  	_ =	shalt  }
0x3e: {  	_ =	shalt  }
0x3f: {  	_ =	shalt  }
0x40: {  	_ =	shalt  }
0x41: {  	_ =	shalt  }
0x42: {  	_ =	shalt  }
0x43: {  	_ =	shalt  }
0x44: {  	_ =	shalt  }
0x45: {  	_ =	shalt  }
0x46: {  	_ =	shalt  }
0x47: {  	_ =	shalt  }
0x48: {  	_ =	shalt  }
0x49: {  	_ =	shalt  }
0x4a: {  	_ =	shalt  }
0x4b: {  	_ =	shalt  }
0x4c: {  	_ =	shalt  }
0x4d: {  	_ =	shalt  }
0x4e: {  	_ =	shalt  }
0x4f: {  	_ =	shalt  }
0x50: {  	_ =	shalt  }
0x51: {  	_ =	shalt  }
0x52: {  	_ =	shalt  }
0x53: {  	_ =	shalt  }
0x54: {  	_ =	shalt  }
0x55: {  	_ =	shalt  }
0x56: {  	_ =	shalt  }
0x57: {  	_ =	shalt  }
0x58: {  	_ =	shalt  }
0x59: {  	_ =	shalt  }
0x5a: {  	_ =	shalt  }
0x5b: {  	_ =	shalt  }
0x5c: {  	_ =	shalt  }
0x5d: {  	_ =	shalt  }
0x5e: {  	_ =	shalt  }
0x5f: {  	_ =	shalt  }
0x60: {  	_ =	shalt  }
0x61: {  	_ =	shalt  }
0x62: {  	_ =	shalt  }
0x63: {  	_ =	shalt  }
0x64: {  	_ =	shalt  }
0x65: {  	_ =	shalt  }
0x66: {  	_ =	shalt  }
0x67: {  	_ =	shalt  }
0x68: {  	_ =	shalt  }
0x69: {  	_ =	shalt  }
0x6a: {  	_ =	shalt  }
0x6b: {  	_ =	shalt  }
0x6c: {  	_ =	shalt  }
0x6d: {  	_ =	shalt  }
0x6e: {  	_ =	shalt  }
0x6f: {  	_ =	shalt  }
0x70: {  	_ =	shalt  }
0x71: {  	_ =	shalt  }
0x72: {  	_ =	shalt  }
0x73: {  	_ =	shalt  }
0x74: {  	_ =	shalt  }
0x75: {  	_ =	shalt  }
0x76: {  	_ =	shalt  }
0x77: {  	_ =	shalt  }
0x78: {  	_ =	shalt  }
0x79: {  	_ =	shalt  }
0x7a: {  	_ =	shalt  }
0x7b: {  	_ =	shalt  }
0x7c: {  	_ =	shalt  }
0x7d: {  	_ =	shalt  }
0x7e: {  	_ =	shalt  }
0x7f: {  	_ =	shalt  }
0x80: {  	_ =	shalt  }
0x81: {  	_ =	shalt  }
0x82: {  	_ =	shalt  }
0x83: {  	_ =	shalt  }
0x84: {  	_ =	shalt  }
0x85: {  	_ =	shalt  }
0x86: {  	_ =	shalt  }
0x87: {  	_ =	shalt  }
.Lfunc_end0:
.L_simem_size_0:
called_computation.1_lowered:
.L_overlay_start_0:
0x88: {  	s2 =	sld [smem:$0x3FD9]  }
0x89: {  	s3 =	sld [smem:$0x3FFE];
	_ =	sdelay $0x1  }
0x8a: {  	s1 =	srdreg.scid  }
0x8b: {  	s0 =	sand.u32 $0x1, s1  }
0x8c: {  	s17 =	sshll.u32 s0, $0xA;
	s2 =	sadd.s32 s3, s2  }
0x8d: {  	s2 =	sadd.s32 s2, s17  }
0x8e: {  	[smem:$0x3FC6] =	sst s2  }
0x8f: {  	_ = 	snop  }
0x90: {  	s2 =	sld [smem:$0x3FD0];
	(tm) =	ssettm $0x1  }
0x91: {  	s18 =	sld [smem:$0x3FFB];
	_ =	sdelay $0x3  }
0x92: {  	_ =	strace s18  }
0x93: {  	s3 =	sld [smem:$0x3FFC];
	_ =	sdelay $0x3  }
0x94: {  	_ =	strace s3  }
0x95: {  	s3 =	sld [smem:$0x3FFD];
	_ =	sdelay $0x3  }
0x96: {  	_ =	strace s3  }
0x97: {  	_ =	strace $0x8FFFFFFF  }
0x98: {  	s19 =	sld [smem:$0x3FDB];
	_ =	sdelay $0x1  }
0x99: {  	s4 =	simm.s32 $_scs_section_size  }
0x9a: {  	s5 =	simm.s32 $_size__tile_overlayer_lowered;
	s6 =	simm.s32 $_tile_overlayer_lowered  }
0x9b: {  	s22 =	simm.s32 $0x1BFF;
	s21 =	sshll.u32 s6, $0x1;
	s3 =	sadd.s32 s4, s19  }
0x9c: {  	s7 =	simm.s32 $0x0;
	s20 =	sshll.u32 s5, $0x1;
	s5 =	sadd.s32 s21, s3  }
0x9d: {  	[timem:s7], [sflag:s22] =	dma.local [hbm:s5], s20  }
0x9e: {  	_ =	swait.ge [sflag:s22], s20  }
0x9f: {  	s4 =	ssub.s32 $0x0, s20;
	[sflag:s22] =	ssyncset.done $0x0  }
0xa0: {  	[sflag:s22] =	ssyncadd.s32 s4;
	_ =	sdelay $0x1  }
0xa1: {  	s23 =	simm.s32 $0x1B8B  }
0xa2: {  	_ =	swait.ge [sflag:s23], $0x1  }
0xa3: {  	[sflag:s23] =	ssyncset.done $0x0  }
0xa4: {  	s25 =	simm.s32 $0x1B8E;
	s24 =	sld [smem:$0x3FFE];
	[sflag:s23] =	ssyncadd.s32 $0xFFFFFFFF  }
0xa5: {  	s26 =	simm.s32 $execute0_lowered;
	[smem:$0x3FD2] =	sst s25  }
0xa6: {  	s5 =	sshll.u32 s26, $0x1;
	_ =	strace $0x80000046;
	[dreg:$0x1] =	wrdreg $0xFFFFFFFF  }
0xa7: {  	s28 =	simm.s32 $_size_execute0_lowered;
	s3 =	sadd.s32 s3, s5;
	[dreg:$0x0] =	wrdreg $0x0  }
0xa8: {  	s5 =	sshll.u32 s28, $0x1;
	[dreg:$0x2] =	wrdreg s3  }
0xa9: {  	[dreg:$0x3] =	wrdreg s5  }
0xaa: {  	[dreg:$0x4] =	wrdreg $0xC0  }
0xab: {  	_ =	task [dreg:s7], $0x5FFFF  }
0xac: {  	[dreg:$0x1] =	wrdreg $0xFFFFFFFF  }
0xad: {  	[dreg:$0x0] =	wrdreg $0x60  }
0xae: {  	[dreg:$0x2] =	wrdreg s2  }
0xaf: {  	[dreg:$0x3] =	wrdreg s24  }
0xb0: {  	[dreg:$0x4] =	wrdreg $0x9  }
0xb1: {  	_ =	task.clear_ibuf [dreg:s7], $0x5FFFF;
	_ =	strace $0x90000046  }
0xb2: {  	s29 =	simm.s32 $0x9;
	_ =	strace $0x80000048  }
0xb3: {  	_ =	swait.ge [sflag:s29], $0x1  }
0xb4: {  	[sflag:s29] =	ssyncadd.s32 $0xFFFFFFFF  }
0xb5: {  	_ =	strace $0x90000048  }
0xb6: {  	_ =	sfence  }
0xb7: {  	s30 =	sld [smem:$0x0];
	_ =	sdelay $0x2  }
0xb8: {  	s31 =	sshll.u32 s1, $0xD;
	s1 =	sshrl.u32 s1, $0x2  }
0xb9: {  	s3 =	sand.u32 $0x4000, s31;
	s1 =	sadd.s32 s1, s30  }
0xba: {  	s0 =	sor.u32 s3, s0;
	s1 =	sshll.u32 s1, $0x11  }
0xbb: {  	s0 =	sor.u32 s1, s0  }
0xbc: {  	s0 =	sadd.s32 $0x8F2B, s0  }
0xbd: {  	[sflag:s0] =	ssyncadd.remote.s32 $0x1  }
0xbe: {  	_ =	sfence.sel $0xFFFF  }
0xbf: {  	[dreg:$0x0] =	wrdreg $0xFFFFFFFF;
	(pc) =	sbr.abs _section_cstart, $3  }
0xc0: {  	[dreg:$0x1] =	wrdreg $0xFFFFFFFF  }
0xc1: {  	_ =	task.clear_ibuf [dreg:s7], $0x2FFFF;
	_ =	strace $0x9FFFFFFF  }
0xc2: {  	(tm) =	ssettm $0x7FFFFFFF  }
0xc3: {  	_ =	shalt  }
tec
execute0_lowered:
.L_overlay_start_1:
0x0: {  	(tag) =	ssettag $0x1  }
0x1: {  	s2 =	rddreg [dreg:$0x0]  }
0x2: {  	s0 =	rddreg [dreg:$0x1];
	s1 =	srdreg.scid  }
0x3: {  	s4 =	stileid.u32;
	s3 =	simm.s32 $0x0;
	s28 =	simm.s32 $0x3  }
0x4: {  	s29 =	simm.s32 $0xA600;
	s1 =	sand.u32 $0x1, s1;
	s4 =	sshll.u32 s4, $0x1  }
0x5: {  	s30 =	simm.s32 $0x4;
	s31 =	simm.s32 $0xF600;
	s9 =	sor.u32 s1, s4  }
0x6: {  	[smem:$0x7FF] =	sst s3;
	s19 =	ssub.s32 $0x2, s1;
	s4 =	smul.u32 $0x6400, s9  }
0x7: {  	s5 =	sadd.s32 $0xF42E00, s0;
	s1 =	sshrl.u32 s19, $0x1;
	s9 =	smul.u32 $0x64000, s9  }
0x8: {  	s6 =	sadd.s32 $0xA00, s0;
	_ =	strace $0x80000047;
	s0 =	ssub.s32 s19, s1  }
0x9: {  	s8 =	sshrl.u32 s4, $0x3;
	s7 =	sor.u32 $0xA0, s4;
	s23 =	sadd.s32 s6, s9  }
0xa: {  	s16 =	sor.u32 $0x280, s4;
	s0 =	smax.u32 s0, $0x1;
	[dreg:$0x7] =	wrdreg s23  }
0xb: {  	s8 =	sadd.s32 s2, s8;
	s10 =	sshrl.u32 s7, $0x3;
	[dreg:$0xb] =	wrdreg s0  }
0xc: {  	s17 =	sor.u32 $0x320, s4;
	s20 =	sadd.s32 s2, s10;
	[dreg:$0x3] =	wrdreg s8  }
0xd: {  	s9 =	simm.s32 $0x0;
	s21 =	sadd.s32 $0x28, s8;
	[dreg:$0x4] =	wrdreg s20  }
0xe: {  	s24 =	sshll.u32 s7, $0x4;
	s22 =	sadd.s32 $0x3C, s8;
	[dreg:$0x5] =	wrdreg s21  }
.Ltmp0:
0xf: {  	s25 =	sadd.s32 $0x50, s8;
	[dreg:$0x6] =	wrdreg s22;
	(pc) =	sbr.rel .LBB2_1-.Ltmp0, $4  }
0x10: {  	s0 =	simm.s32 $0x5;
	s1 =	sadd.s32 s6, s24;
	[dreg:$0x8] =	wrdreg s25  }
0x11: {  	s26 =	sadd.s32 $0x64, s8;
	s24 =	simm.s32 $0x2;
	[dreg:$0x9] =	wrdreg s1  }
0x12: {  	[dreg:$0xa] =	wrdreg s26;
	s20 =	simm.s32 $0x1;
	s21 =	simm.s32 $0xA0  }
0x13: {  	s25 =	simm.s32 $0x300;
	s26 =	simm.s32 $0x5600;
	s1 =	simm.s32 $0x6  }
.LBB2_27:
0x14: {  	_ =	swait.ge [sflag:s0], $0x5000  }
0x15: {  	[sflag:s0] =	ssyncset.done $0x0  }
0x16: {  	[sflag:s0] =	ssyncadd.s32 $0xFFFFB000  }
0x17: {  	_ =	swait.ge [sflag:s1], $0x5000  }
0x18: {  	s9 =	rddreg [dreg:$0xc]  }
0x19: {  	s8 =	rddreg [dreg:$0xb];
	s9 =	sadd.s32 $0x1, s9  }
0x1a: {  	p0 =	sne.s32 s9, s8  }
.Ltmp1:
0x1b: {  	_ = 	snop;
	(pc) =	sbr.rel @!p0 .LBB2_28-.Ltmp1, $3  }
0x1c: {  	_ =	sdelay $0x1  }
0x1d: {  	[sflag:s1] =	ssyncset.done $0x0  }
0x1e: {  	[sflag:s1] =	ssyncadd.s32 $0xFFFFB000  }
.LBB2_1:
0x1f: {  	[dreg:$0xc] =	wrdreg s9  }
0x20: {  	s8 =	rddreg [dreg:$0x3]  }
0x21: {  	[tilespmem:s3], [sflag:$0x1] =	stream.linear.gather [hbm4b:s8+s3], $0xA0, $0x38;
	[tilespmem:$0x14600] =	vst v63  }
0x22: {  	s22 =	rddreg [dreg:$0x4];
	s23 =	simm.s32 $0x100  }
0x23: {  	[tilespmem:s23], [sflag:$0x2] =	stream.linear.gather [hbm4b:s22+s3], $0xA0, $0x38;
	[tilespmem:$0x14600] =	vst v63  }
0x24: {  	_ =	swait.ge [sflag:s20], $0xA0  }
0x25: {  	[sflag:s20] =	ssyncset.done $0x0  }
0x26: {  	p0 =	por $0x1, $0x1;
	s10 =	simm.s32 $0x0;
	[sflag:s20] =	ssyncadd.s32 $0xFFFFFF60  }
.LBB2_2:
0x27: {  	v0 =	vld [tilespmem:s10+$0x0];
	_ =	sdelay $0x4  }
0x28: {  	v1 =	vshrl.u32 v0, $0x1F  }
0x29: {  	v1 =	vadd.s32 v1, v0  }
0x2a: {  	v2 =	vshrl.u32 v0, $0x1;
	v1 =	vand.u32 $0xFFFFFFFE, v1  }
0x2b: {  	[tilespmem:s10+$0x200] =	vst v2;
	v0 =	vsub.s32 v0, v1  }
0x2c: {  	s11 =	sor.u32 $0x10, s10;
	[tilespmem:s10+$0x400] =	vst v0  }
0x2d: {  	v0 =	vld [tilespmem:s11+$0x0];
	_ =	sdelay $0x4  }
0x2e: {  	v58 =	vshrl.u32 v0, $0x1F  }
0x2f: {  	v1 =	vadd.s32 v58, v0  }
0x30: {  	v59 =	vshrl.u32 v0, $0x1;
	v1 =	vand.u32 $0xFFFFFFFE, v1  }
0x31: {  	[tilespmem:s10+$0x210] =	vst v59;
	v0 =	vsub.s32 v0, v1  }
0x32: {  	s22 =	sor.u32 $0x20, s10;
	[tilespmem:s10+$0x410] =	vst v0  }
0x33: {  	v0 =	vld [tilespmem:s22+$0x0];
	_ =	sdelay $0x4  }
0x34: {  	v60 =	vshrl.u32 v0, $0x1F  }
0x35: {  	v1 =	vadd.s32 v60, v0  }
0x36: {  	v61 =	vshrl.u32 v0, $0x1;
	v1 =	vand.u32 $0xFFFFFFFE, v1  }
0x37: {  	[tilespmem:s10+$0x220] =	vst v61;
	v0 =	vsub.s32 v0, v1  }
0x38: {  	s23 =	sor.u32 $0x30, s10;
	[tilespmem:s10+$0x420] =	vst v0  }
0x39: {  	v0 =	vld [tilespmem:s23+$0x0];
	_ =	sdelay $0x3  }
0x3a: {  	p1 =	por p0, p0  }
.Ltmp2:
0x3b: {  	v62 =	vshrl.u32 v0, $0x1F;
	(pc) =	sbr.rel @p1 .LBB2_2-.Ltmp2, $4  }
0x3c: {  	v1 =	vadd.s32 v62, v0  }
0x3d: {  	v63 =	vshrl.u32 v0, $0x1;
	v1 =	vand.u32 $0xFFFFFFFE, v1  }
0x3e: {  	[tilespmem:s10+$0x230] =	vst v63;
	v0 =	vsub.s32 v0, v1  }
0x3f: {  	p0 =	por $0x0, $0x0;
	[tilespmem:s10+$0x430] =	vst v0;
	s10 =	simm.s32 $0x40  }
0x40: {  	v0 =	vld [tilespmem:$0x80]  }
0x41: {  	v1 =	vld [tilespmem:$0x90];
	_ =	sdelay $0x3  }
0x42: {  	v2 =	vshrl.u32 v0, $0x1F  }
0x43: {  	v3 =	vshrl.u32 v0, $0x1;
	v4 =	vshrl.u32 v1, $0x1F;
	v2 =	vadd.s32 v2, v0  }
0x44: {  	v62 =	vshrl.u32 v1, $0x1;
	[tilespmem:$0x280] =	vst v3;
	v61 =	vadd.s32 v4, v1;
	v2 =	vand.u32 $0xFFFFFFFE, v2  }
0x45: {  	[tilespmem:$0x290] =	vst v62;
	v0 =	vsub.s32 v0, v2;
	v2 =	vand.u32 $0xFFFFFFFE, v61  }
0x46: {  	[tilespmem:$0x480] =	vst v0;
	v63 =	vsub.s32 v1, v2  }
0x47: {  	s8 =	simm.s32 $0x200;
	s9 =	simm.s32 $0x600;
	[tilespmem:$0x490] =	vst v63  }
0x48: {  	[tilespmem:s9], [sflag:$0x3] =	stream.indirect.gather [hbm4b:s5+s21], $0x80, s8, s21, $0xb8;
	[tilespmem:$0x14600] =	vst v63  }
0x49: {  	s10 =	simm.s32 $0x0;
	s23 =	rddreg [dreg:$0x5]  }
0x4a: {  	[tilespmem:s10], [sflag:$0x1] =	stream.linear.gather [hbm4b:s23+s10], $0xA0, $0x38;
	[tilespmem:$0x14600] =	vst v63  }
0x4b: {  	_ =	swait.ge [sflag:s24], $0xA0  }
0x4c: {  	[sflag:s24] =	ssyncset.done $0x0  }
0x4d: {  	p0 =	por $0x1, $0x1;
	[sflag:s24] =	ssyncadd.s32 $0xFFFFFF60  }
.LBB2_4:
0x4e: {  	v0 =	vld [tilespmem:s10+$0x100];
	_ =	sdelay $0x1  }
0x4f: {  	v55 =	vld [tilespmem:s10+$0x110];
	_ =	sdelay $0x1  }
0x50: {  	v58 =	vld [tilespmem:s10+$0x120]  }
0x51: {  	v1 =	vshrl.u32 v0, $0x1F  }
0x52: {  	v61 =	vld [tilespmem:s10+$0x130];
	v1 =	vadd.s32 v1, v0  }
0x53: {  	v2 =	vshrl.u32 v0, $0x1;
	v56 =	vshrl.u32 v55, $0x1F;
	v1 =	vand.u32 $0xFFFFFFFE, v1  }
0x54: {  	v57 =	vshrl.u32 v55, $0x1;
	[tilespmem:s10+$0x300] =	vst v2;
	v0 =	vsub.s32 v0, v1;
	v1 =	vadd.s32 v56, v55  }
0x55: {  	v59 =	vshrl.u32 v58, $0x1F;
	[tilespmem:s10+$0x310] =	vst v57;
	v1 =	vand.u32 $0xFFFFFFFE, v1  }
0x56: {  	p1 =	por p0, p0;
	v60 =	vshrl.u32 v58, $0x1;
	[tilespmem:s10+$0x500] =	vst v0;
	v0 =	vsub.s32 v55, v1;
	v1 =	vadd.s32 v59, v58  }
.Ltmp3:
0x57: {  	v62 =	vshrl.u32 v61, $0x1F;
	[tilespmem:s10+$0x320] =	vst v60;
	v1 =	vand.u32 $0xFFFFFFFE, v1;
	(pc) =	sbr.rel @p1 .LBB2_4-.Ltmp3, $4  }
0x58: {  	v63 =	vshrl.u32 v61, $0x1;
	[tilespmem:s10+$0x510] =	vst v0;
	v0 =	vsub.s32 v58, v1;
	v1 =	vadd.s32 v62, v61  }
0x59: {  	[tilespmem:s10+$0x330] =	vst v63;
	v1 =	vand.u32 $0xFFFFFFFE, v1  }
0x5a: {  	[tilespmem:s10+$0x520] =	vst v0;
	v0 =	vsub.s32 v61, v1  }
0x5b: {  	p0 =	por $0x0, $0x0;
	[tilespmem:s10+$0x530] =	vst v0;
	s10 =	simm.s32 $0x40  }
0x5c: {  	v0 =	vld [tilespmem:$0x180];
	_ =	sdelay $0x1  }
0x5d: {  	v1 =	vld [tilespmem:$0x190];
	_ =	sdelay $0x2  }
0x5e: {  	v2 =	vshrl.u32 v0, $0x1F  }
0x5f: {  	v2 =	vadd.s32 v2, v0  }
0x60: {  	v3 =	vshrl.u32 v0, $0x1;
	v4 =	vshrl.u32 v1, $0x1F;
	v2 =	vand.u32 $0xFFFFFFFE, v2  }
0x61: {  	[tilespmem:$0x380] =	vst v3;
	v0 =	vsub.s32 v0, v2;
	v2 =	vadd.s32 v4, v1  }
0x62: {  	[tilespmem:$0x580] =	vst v0;
	v0 =	vshrl.u32 v1, $0x1;
	v2 =	vand.u32 $0xFFFFFFFE, v2  }
0x63: {  	[tilespmem:$0x390] =	vst v0;
	v0 =	vsub.s32 v1, v2  }
0x64: {  	[tilespmem:$0x590] =	vst v0  }
0x65: {  	[tilespmem:s26], [sflag:$0x4] =	stream.indirect.gather [hbm4b:s5+s21], $0x80, s25, s21, $0xb8;
	[tilespmem:$0x14600] =	vst v63  }
0x66: {  	s10 =	simm.s32 $0x0;
	s8 =	rddreg [dreg:$0x6];
	s9 =	simm.s32 $0x100  }
0x67: {  	[tilespmem:s9], [sflag:$0x2] =	stream.linear.gather [hbm4b:s8+s10], $0xA0, $0x38;
	[tilespmem:$0x14600] =	vst v63  }
0x68: {  	_ =	swait.ge [sflag:s28], $0x5000  }
0x69: {  	s10 =	sand.u32 $0x3C0, s10;
	[sflag:s28] =	ssyncset.done $0x0  }
0x6a: {  	s10 =	sshrl.u32 s10, $0x2;
	[sflag:s28] =	ssyncadd.s32 $0xFFFFB000  }
0x6b: {  	v0 =	vld [tilespmem:s10+$0x400];
	s10 =	simm.s32 $0x800  }
0x6c: {  	v1 =	vld [tilespmem:s10+$0x180]  }
0x6d: {  	v2 =	vld [tilespmem:s10+$0x1C0]  }
0x6e: {  	v3 =	vld [tilespmem:s10+$0xFFFFFE00]  }
0x6f: {  	v5 =	vld [tilespmem:s10+$0xFFFFFE40]  }
0x70: {  	v6 =	vld [tilespmem:s10+$0xFFFFFE80]  }
0x71: {  	v7 =	vld [tilespmem:s10+$0xFFFFFEC0]  }
0x72: {  	s11 =	simm.s32 $0x7;
	s12 =	simm.s32 $0x0;
	v9 =	vld [tilespmem:s10+$0xFFFFFF80]  }
0x73: {  	s23 =	simm.s32 $0x3;
	s13 =	sand.u32 $0x8, s12;
	v4 =	vmov s11;
	v10 =	vld [tilespmem:s10+$0xFFFFFFC0]  }
0x74: {  	v13 =	vmov s13;
	s8 =	sand.u32 $0xB, s23;
	v11 =	vld [tilespmem:s10+$0x0];
	v4 =	vperm.xlane v0, v4  }
0x75: {  	v16 =	vmov s8;
	v12 =	vld [tilespmem:s10+$0x40];
	v39 =	vperm.xlane v0, v13  }
0x76: {  	v14 =	vld [tilespmem:s10+$0x80];
	v16 =	vperm.xlane v0, v16;
	vm4 =	veq.s32 v4, $0x1  }
0x77: {  	s22 =	simm.s32 $0x2;
	s11 =	simm.s32 $0xA800;
	v4 =	vld [tilespmem:s10+$0xFFFFFF00];
	vm5 =	veq.s32 v39, $0x1;
	v1 =	vsel vm4, v2, v1  }
0x78: {  	s13 =	sand.u32 $0xA, s22;
	vm3 =	veq.s32 v16, $0x1;
	v2 =	vld [tilespmem:s10+$0xFFFFFF40];
	v3 =	vsel vm5, v5, v3;
	[tilespmem:s11+$0x180] =	vst v1  }
0x79: {  	v9 =	vsel vm3, v10, v9;
	[tilespmem:s11+$0xFFFFFE00] =	vst v3;
	v3 =	vmov s13;
	v1 =	vld [tilespmem:s10+$0x190]  }
0x7a: {  	[tilespmem:s11+$0xFFFFFF80] =	vst v9;
	v8 =	vld [tilespmem:s10+$0x1D0];
	v3 =	vperm.xlane v0, v3  }
0x7b: {  	v48 =	vld [tilespmem:s10+$0xFFFFFF90]  }
0x7c: {  	v49 =	vld [tilespmem:s10+$0xFFFFFFD0];
	vm7 =	veq.s32 v3, $0x1  }
0x7d: {  	v40 =	vld [tilespmem:s10+$0xC0];
	v2 =	vsel vm7, v2, v4  }
0x7e: {  	v5 =	vld [tilespmem:s10+$0x100];
	[tilespmem:s11+$0xFFFFFF00] =	vst v2  }
0x7f: {  	s14 =	simm.s32 $0x1;
	v1 =	vsel vm4, v8, v1;
	v45 =	vld [tilespmem:s10+$0xFFFFFF10]  }
0x80: {  	s19 =	sand.u32 $0x9, s14;
	v46 =	vld [tilespmem:s10+$0xFFFFFF50];
	[tilespmem:s11+$0x190] =	vst v1  }
0x81: {  	v9 =	vsel vm3, v49, v48;
	v1 =	vmov s19;
	v15 =	vld [tilespmem:s10+$0x1A0]  }
0x82: {  	[tilespmem:s11+$0xFFFFFF90] =	vst v9;
	v1 =	vperm.xlane v0, v1;
	v41 =	vld [tilespmem:s10+$0x1E0]  }
0x83: {  	s18 =	simm.s32 $0x5;
	v57 =	vld [tilespmem:s10+$0xFFFFFFA0]  }
0x84: {  	s19 =	sand.u32 $0xD, s18;
	vm6 =	veq.s32 v1, $0x1;
	v1 =	vld [tilespmem:s10+$0x140]  }
0x85: {  	s22 =	simm.s32 $0x6;
	s9 =	simm.s32 $0x4;
	v44 =	vmov s19;
	v6 =	vsel vm6, v7, v6;
	v7 =	vld [tilespmem:s10+$0xFFFFFE10]  }
0x86: {  	s23 =	sand.u32 $0xE, s22;
	s15 =	sand.u32 $0xC, s9;
	v16 =	vperm.xlane v0, v44;
	[tilespmem:s11+$0xFFFFFE80] =	vst v6;
	v6 =	vld [tilespmem:s10+$0xFFFFFE50]  }
0x87: {  	v47 =	vmov s23;
	v43 =	vmov s15;
	v8 =	vsel vm4, v41, v15;
	v42 =	vld [tilespmem:s10+$0xFFFFFE90]  }
0x88: {  	vm1 =	veq.s32 v16, $0x1;
	v3 =	vld [tilespmem:s10+$0xFFFFFED0];
	[tilespmem:s11+$0x1A0] =	vst v8;
	v8 =	vperm.xlane v0, v43;
	v0 =	vperm.xlane v0, v47  }
0x89: {  	v50 =	vsel vm1, v40, v14;
	v4 =	vld [tilespmem:s10+$0x1B0]  }
0x8a: {  	[tilespmem:s11+$0x80] =	vst v50;
	v2 =	vld [tilespmem:s10+$0x1F0];
	vm2 =	veq.s32 v8, $0x1;
	vm0 =	veq.s32 v0, $0x1;
	v8 =	vsel vm7, v46, v45  }
0x8b: {  	v1 =	vsel vm0, v1, v5;
	v5 =	vld [tilespmem:s10+$0x90];
	[tilespmem:s11+$0xFFFFFF10] =	vst v8  }
0x8c: {  	[tilespmem:s11+$0x100] =	vst v1;
	v1 =	vld [tilespmem:s10+$0xD0]  }
0x8d: {  	v11 =	vsel vm2, v12, v11;
	v55 =	vld [tilespmem:s10+$0xFFFFFF20]  }
0x8e: {  	[tilespmem:s11+$0x0] =	vst v11;
	v56 =	vld [tilespmem:s10+$0xFFFFFF60]  }
0x8f: {  	v51 =	vld [tilespmem:s10+$0x10]  }
0x90: {  	v0 =	vld [tilespmem:s10+$0x50]  }
0x91: {  	v6 =	vsel vm5, v6, v7;
	v7 =	vld [tilespmem:s10+$0x110]  }
0x92: {  	[tilespmem:s11+$0xFFFFFE10] =	vst v6;
	v6 =	vld [tilespmem:s10+$0x150]  }
0x93: {  	v3 =	vsel vm6, v3, v42;
	v52 =	vld [tilespmem:s10+$0xFFFFFE20]  }
0x94: {  	[tilespmem:s11+$0xFFFFFE90] =	vst v3;
	v3 =	vld [tilespmem:s10+$0xFFFFFE60]  }
0x95: {  	v53 =	vld [tilespmem:s10+$0xFFFFFEA0];
	v1 =	vsel vm1, v1, v5  }
0x96: {  	v54 =	vld [tilespmem:s10+$0xFFFFFEE0];
	v0 =	vsel vm2, v0, v51;
	[tilespmem:s11+$0x90] =	vst v1  }
0x97: {  	v9 =	vsel vm7, v56, v55;
	[tilespmem:s11+$0x10] =	vst v0;
	v0 =	vld [tilespmem:s10+$0xFFFFFFE0]  }
0x98: {  	v6 =	vsel vm0, v6, v7;
	[tilespmem:s11+$0xFFFFFF20] =	vst v9;
	v7 =	vld [tilespmem:s10+$0xA0]  }
0x99: {  	[tilespmem:s11+$0x110] =	vst v6;
	v6 =	vld [tilespmem:s10+$0xE0]  }
0x9a: {  	v63 =	vld [tilespmem:s10+$0xFFFFFF30]  }
0x9b: {  	v5 =	vld [tilespmem:s10+$0x20]  }
0x9c: {  	v1 =	vld [tilespmem:s10+$0x60]  }
0x9d: {  	v3 =	vsel vm5, v3, v52;
	v58 =	vld [tilespmem:s10+$0x120]  }
0x9e: {  	[tilespmem:s11+$0xFFFFFE20] =	vst v3;
	v3 =	vld [tilespmem:s10+$0x160]  }
0x9f: {  	v8 =	vsel vm6, v54, v53;
	v59 =	vld [tilespmem:s10+$0xFFFFFE30]  }
0xa0: {  	[tilespmem:s11+$0xFFFFFEA0] =	vst v8;
	v60 =	vld [tilespmem:s10+$0xFFFFFE70]  }
0xa1: {  	v2 =	vsel vm4, v2, v4;
	v61 =	vld [tilespmem:s10+$0xFFFFFEB0]  }
0xa2: {  	[tilespmem:s11+$0x1B0] =	vst v2;
	v62 =	vld [tilespmem:s10+$0xFFFFFEF0];
	v0 =	vsel vm3, v0, v57  }
0xa3: {  	[tilespmem:s11+$0xFFFFFFA0] =	vst v0;
	v0 =	vsel vm2, v1, v5;
	v5 =	vld [tilespmem:s10+$0xFFFFFF70]  }
0xa4: {  	[tilespmem:s11+$0x20] =	vst v0;
	v0 =	vsel vm1, v6, v7;
	v2 =	vld [tilespmem:s10+$0xFFFFFFB0]  }
0xa5: {  	v4 =	vld [tilespmem:s10+$0xFFFFFFF0];
	[tilespmem:s11+$0xA0] =	vst v0;
	v0 =	vsel vm0, v3, v58  }
0xa6: {  	v1 =	vld [tilespmem:s10+$0x30];
	[tilespmem:s11+$0x120] =	vst v0;
	v0 =	vsel vm5, v60, v59  }
0xa7: {  	v3 =	vld [tilespmem:s10+$0x70];
	[tilespmem:s11+$0xFFFFFE30] =	vst v0;
	v0 =	vsel vm6, v62, v61  }
0xa8: {  	s13 =	simm.s32 $0x20;
	[tilespmem:s11+$0xFFFFFEB0] =	vst v0;
	v5 =	vsel vm7, v5, v63;
	v0 =	vld [tilespmem:s10+$0xB0]  }
.LBB2_6:
0xa9: {  	s14 =	sand.u32 $0x3C0, s13;
	[tilespmem:s11+$0xFFFFFF30] =	vst v5;
	v5 =	vld [tilespmem:s10+$0xF0];
	s15 =	smov.u32 s12;
	s12 =	sadd.s32 $0x8, s12  }
0xaa: {  	s14 =	sshrl.u32 s14, $0x2;
	s18 =	sadd.s32 $0x9, s15;
	s8 =	sadd.s32 $0xA, s15;
	v2 =	vsel vm3, v4, v2;
	v4 =	vld [tilespmem:s10+$0x130]  }
0xab: {  	s19 =	sand.u32 $0x8, s12;
	s9 =	sadd.s32 $0xC, s15;
	v6 =	vld [tilespmem:s14+$0x400];
	s14 =	sadd.s32 $0xB, s15;
	[tilespmem:s11+$0xFFFFFFB0] =	vst v2  }
0xac: {  	v2 =	vmov s19;
	s18 =	sand.u32 $0x9, s18;
	s8 =	sand.u32 $0xA, s8;
	v1 =	vsel vm2, v3, v1;
	v3 =	vld [tilespmem:s10+$0x170];
	s10 =	sadd.s32 $0x400, s10  }
0xad: {  	s9 =	sand.u32 $0xC, s9;
	v7 =	vmov s18;
	v8 =	vmov s8;
	s8 =	sand.u32 $0xB, s14;
	s14 =	sadd.s32 $0xD, s15;
	v9 =	vld [tilespmem:s10+$0x180];
	[tilespmem:s11+$0x30] =	vst v1  }
0xae: {  	v10 =	vmov s9;
	s9 =	sadd.s32 $0xE, s15;
	v1 =	vmov s8;
	s8 =	sand.u32 $0xD, s14;
	s14 =	sadd.s32 $0xF, s15;
	v11 =	vld [tilespmem:s10+$0x1C0];
	v0 =	vsel vm1, v5, v0  }
0xaf: {  	p0 =	slt.u32 s12, $0x98;
	v12 =	vmov s8;
	s8 =	sand.u32 $0xE, s9;
	v13 =	vmov s14;
	v5 =	vld [tilespmem:s10+$0xFFFFFE00];
	[tilespmem:s11+$0xB0] =	vst v0  }
0xb0: {  	v14 =	vmov s8;
	v0 =	vperm.xlane v6, v2;
	v2 =	vld [tilespmem:s10+$0xFFFFFE40];
	v13 =	vperm.xlane v6, v13  }
0xb1: {  	v7 =	vperm.xlane v6, v7;
	v8 =	vperm.xlane v6, v8;
	v15 =	vld [tilespmem:s10+$0xFFFFFE80];
	v3 =	vsel vm0, v3, v4  }
0xb2: {  	v1 =	vperm.xlane v6, v1;
	v10 =	vperm.xlane v6, v10;
	v4 =	vld [tilespmem:s10+$0xFFFFFEC0];
	vm7 =	veq.s32 v13, $0x1;
	[tilespmem:s11+$0x130] =	vst v3  }
0xb3: {  	v12 =	vperm.xlane v6, v12;
	v6 =	vperm.xlane v6, v14;
	s11 =	sadd.s32 $0x400, s11;
	v3 =	vld [tilespmem:s10+$0xFFFFFF00];
	v9 =	vsel vm7, v11, v9  }
0xb4: {  	vm6 =	veq.s32 v0, $0x1;
	vm5 =	veq.s32 v7, $0x1;
	vm4 =	veq.s32 v8, $0x1;
	v0 =	vld [tilespmem:s10+$0xFFFFFF40];
	[tilespmem:s11+$0x180] =	vst v9  }
0xb5: {  	vm3 =	veq.s32 v1, $0x1;
	vm2 =	veq.s32 v10, $0x1;
	vm1 =	veq.s32 v12, $0x1;
	v1 =	vld [tilespmem:s10+$0x190]  }
0xb6: {  	vm0 =	veq.s32 v6, $0x1;
	v2 =	vsel vm6, v2, v5;
	v5 =	vld [tilespmem:s10+$0x1D0]  }
0xb7: {  	[tilespmem:s11+$0xFFFFFE00] =	vst v2;
	v2 =	vsel vm5, v4, v15;
	v4 =	vld [tilespmem:s10+$0xFFFFFF80]  }
0xb8: {  	[tilespmem:s11+$0xFFFFFE80] =	vst v2;
	v2 =	vld [tilespmem:s10+$0xFFFFFFC0]  }
0xb9: {  	v0 =	vsel vm4, v0, v3;
	v3 =	vld [tilespmem:s10+$0x0]  }
0xba: {  	[tilespmem:s11+$0xFFFFFF00] =	vst v0;
	v0 =	vld [tilespmem:s10+$0x40]  }
0xbb: {  	v6 =	vld [tilespmem:s10+$0x80];
	v1 =	vsel vm7, v5, v1  }
0xbc: {  	v5 =	vld [tilespmem:s10+$0xC0];
	[tilespmem:s11+$0x190] =	vst v1  }
0xbd: {  	v1 =	vsel vm3, v2, v4;
	v2 =	vld [tilespmem:s10+$0x1A0]  }
0xbe: {  	[tilespmem:s11+$0xFFFFFF80] =	vst v1;
	v1 =	vld [tilespmem:s10+$0x1E0]  }
0xbf: {  	v0 =	vsel vm2, v0, v3;
	v3 =	vld [tilespmem:s10+$0x100]  }
0xc0: {  	[tilespmem:s11+$0x0] =	vst v0;
	v0 =	vld [tilespmem:s10+$0x140]  }
0xc1: {  	v4 =	vld [tilespmem:s10+$0xFFFFFE10];
	v5 =	vsel vm1, v5, v6  }
0xc2: {  	v6 =	vld [tilespmem:s10+$0xFFFFFE50];
	[tilespmem:s11+$0x80] =	vst v5  }
0xc3: {  	v5 =	vld [tilespmem:s10+$0xFFFFFE90];
	v1 =	vsel vm7, v1, v2  }
0xc4: {  	v2 =	vld [tilespmem:s10+$0xFFFFFED0];
	[tilespmem:s11+$0x1A0] =	vst v1  }
0xc5: {  	v0 =	vsel vm0, v0, v3;
	v1 =	vld [tilespmem:s10+$0x1B0]  }
0xc6: {  	[tilespmem:s11+$0x100] =	vst v0;
	v0 =	vld [tilespmem:s10+$0x1F0]  }
0xc7: {  	v3 =	vsel vm6, v6, v4;
	v4 =	vld [tilespmem:s10+$0xFFFFFF10]  }
0xc8: {  	[tilespmem:s11+$0xFFFFFE10] =	vst v3;
	v3 =	vld [tilespmem:s10+$0xFFFFFF50]  }
0xc9: {  	v2 =	vsel vm5, v2, v5;
	v5 =	vld [tilespmem:s10+$0xFFFFFF90]  }
0xca: {  	[tilespmem:s11+$0xFFFFFE90] =	vst v2;
	v2 =	vld [tilespmem:s10+$0xFFFFFFD0]  }
0xcb: {  	v6 =	vld [tilespmem:s10+$0x10];
	v0 =	vsel vm7, v0, v1  }
0xcc: {  	v1 =	vld [tilespmem:s10+$0x50];
	[tilespmem:s11+$0x1B0] =	vst v0  }
0xcd: {  	v0 =	vsel vm4, v3, v4;
	v3 =	vld [tilespmem:s10+$0x90]  }
0xce: {  	[tilespmem:s11+$0xFFFFFF10] =	vst v0;
	v0 =	vld [tilespmem:s10+$0xD0]  }
0xcf: {  	v2 =	vsel vm3, v2, v5;
	v4 =	vld [tilespmem:s10+$0x110]  }
0xd0: {  	[tilespmem:s11+$0xFFFFFF90] =	vst v2;
	v2 =	vld [tilespmem:s10+$0x150]  }
0xd1: {  	v5 =	vld [tilespmem:s10+$0xFFFFFE20];
	v1 =	vsel vm2, v1, v6  }
0xd2: {  	v6 =	vld [tilespmem:s10+$0xFFFFFE60];
	[tilespmem:s11+$0x10] =	vst v1  }
0xd3: {  	v1 =	vld [tilespmem:s10+$0xFFFFFEA0];
	v0 =	vsel vm1, v0, v3  }
0xd4: {  	v3 =	vld [tilespmem:s10+$0xFFFFFEE0];
	[tilespmem:s11+$0x90] =	vst v0  }
0xd5: {  	v0 =	vld [tilespmem:s10+$0xFFFFFF20];
	v2 =	vsel vm0, v2, v4  }
0xd6: {  	v4 =	vld [tilespmem:s10+$0xFFFFFF60];
	[tilespmem:s11+$0x110] =	vst v2  }
0xd7: {  	v2 =	vsel vm6, v6, v5;
	v5 =	vld [tilespmem:s10+$0xFFFFFFA0]  }
0xd8: {  	[tilespmem:s11+$0xFFFFFE20] =	vst v2;
	v2 =	vld [tilespmem:s10+$0xFFFFFFE0]  }
0xd9: {  	v1 =	vsel vm5, v3, v1;
	v3 =	vld [tilespmem:s10+$0x20]  }
0xda: {  	[tilespmem:s11+$0xFFFFFEA0] =	vst v1;
	v1 =	vld [tilespmem:s10+$0x60]  }
0xdb: {  	v0 =	vsel vm4, v4, v0;
	v4 =	vld [tilespmem:s10+$0xA0]  }
0xdc: {  	[tilespmem:s11+$0xFFFFFF20] =	vst v0;
	v0 =	vld [tilespmem:s10+$0xE0]  }
0xdd: {  	v2 =	vsel vm3, v2, v5;
	v5 =	vld [tilespmem:s10+$0x120]  }
0xde: {  	[tilespmem:s11+$0xFFFFFFA0] =	vst v2;
	v2 =	vld [tilespmem:s10+$0x160]  }
0xdf: {  	v6 =	vld [tilespmem:s10+$0xFFFFFE30];
	v1 =	vsel vm2, v1, v3  }
0xe0: {  	v3 =	vld [tilespmem:s10+$0xFFFFFE70];
	[tilespmem:s11+$0x20] =	vst v1  }
0xe1: {  	v1 =	vld [tilespmem:s10+$0xFFFFFEB0];
	v0 =	vsel vm1, v0, v4  }
0xe2: {  	v7 =	vld [tilespmem:s10+$0xFFFFFEF0];
	[tilespmem:s11+$0xA0] =	vst v0  }
0xe3: {  	v0 =	vld [tilespmem:s10+$0xFFFFFF30];
	v2 =	vsel vm0, v2, v5  }
0xe4: {  	v5 =	vld [tilespmem:s10+$0xFFFFFF70];
	[tilespmem:s11+$0x120] =	vst v2  }
.Ltmp4:
0xe5: {  	v3 =	vsel vm6, v3, v6;
	v2 =	vld [tilespmem:s10+$0xFFFFFFB0];
	(pc) =	sbr.rel @p0 .LBB2_6-.Ltmp4, $4  }
0xe6: {  	[tilespmem:s11+$0xFFFFFE30] =	vst v3;
	v4 =	vld [tilespmem:s10+$0xFFFFFFF0]  }
0xe7: {  	v3 =	vsel vm5, v7, v1;
	v1 =	vld [tilespmem:s10+$0x30]  }
0xe8: {  	[tilespmem:s11+$0xFFFFFEB0] =	vst v3;
	v3 =	vld [tilespmem:s10+$0x70]  }
0xe9: {  	s13 =	sadd.s32 $0x20, s13;
	v5 =	vsel vm4, v5, v0;
	v0 =	vld [tilespmem:s10+$0xB0]  }
0xea: {  	v6 =	vld [tilespmem:s10+$0xF0]  }
0xeb: {  	v7 =	vld [tilespmem:s10+$0x130]  }
0xec: {  	v8 =	vld [tilespmem:s10+$0x170];
	_ =	sdelay $0x1  }
0xed: {  	[tilespmem:s11+$0xFFFFFF30] =	vst v5;
	v2 =	vsel vm3, v4, v2  }
0xee: {  	[tilespmem:s11+$0xFFFFFFB0] =	vst v2;
	v1 =	vsel vm2, v3, v1  }
0xef: {  	[tilespmem:s11+$0x30] =	vst v1;
	v0 =	vsel vm1, v6, v0  }
0xf0: {  	v63 =	vsel vm0, v8, v7;
	[tilespmem:s11+$0xB0] =	vst v0  }
0xf1: {  	[tilespmem:s11+$0x130] =	vst v63  }
0xf2: {  	s10 =	simm.s32 $0x0;
	s8 =	rddreg [dreg:$0x7]  }
0xf3: {  	[hbm4b:s8+s10] =	stream.linear.scatter [tilespmem:s29], [sflag:$0x5], $0x5000, $0x38;
	[tilespmem:$0x14600] =	vst v63  }
0xf4: {  	_ =	swait.ge [sflag:s20], $0xA0  }
0xf5: {  	[sflag:s20] =	ssyncset.done $0x0  }
0xf6: {  	p0 =	por $0x1, $0x1;
	[sflag:s20] =	ssyncadd.s32 $0xFFFFFF60  }
.LBB2_8:
0xf7: {  	v0 =	vld [tilespmem:s10+$0x0];
	_ =	sdelay $0x4  }
0xf8: {  	v1 =	vshrl.u32 v0, $0x1F  }
0xf9: {  	v1 =	vadd.s32 v1, v0  }
0xfa: {  	v2 =	vshrl.u32 v0, $0x1;
	v1 =	vand.u32 $0xFFFFFFFE, v1  }
0xfb: {  	[tilespmem:s10+$0x200] =	vst v2;
	v0 =	vsub.s32 v0, v1  }
0xfc: {  	s8 =	sor.u32 $0x10, s10;
	[tilespmem:s10+$0x400] =	vst v0  }
0xfd: {  	v0 =	vld [tilespmem:s8+$0x0];
	_ =	sdelay $0x4  }
0xfe: {  	v58 =	vshrl.u32 v0, $0x1F  }
0xff: {  	v1 =	vadd.s32 v58, v0  }
0x100: {  	v59 =	vshrl.u32 v0, $0x1;
	v1 =	vand.u32 $0xFFFFFFFE, v1  }
0x101: {  	[tilespmem:s10+$0x210] =	vst v59;
	v0 =	vsub.s32 v0, v1  }
0x102: {  	s22 =	sor.u32 $0x20, s10;
	[tilespmem:s10+$0x410] =	vst v0  }
0x103: {  	v0 =	vld [tilespmem:s22+$0x0];
	_ =	sdelay $0x4  }
0x104: {  	v60 =	vshrl.u32 v0, $0x1F  }
0x105: {  	v1 =	vadd.s32 v60, v0  }
0x106: {  	v61 =	vshrl.u32 v0, $0x1;
	v1 =	vand.u32 $0xFFFFFFFE, v1  }
0x107: {  	[tilespmem:s10+$0x220] =	vst v61;
	v0 =	vsub.s32 v0, v1  }
0x108: {  	s23 =	sor.u32 $0x30, s10;
	[tilespmem:s10+$0x420] =	vst v0  }
0x109: {  	v0 =	vld [tilespmem:s23+$0x0];
	_ =	sdelay $0x3  }
0x10a: {  	p1 =	por p0, p0  }
.Ltmp5:
0x10b: {  	v62 =	vshrl.u32 v0, $0x1F;
	(pc) =	sbr.rel @p1 .LBB2_8-.Ltmp5, $4  }
0x10c: {  	v1 =	vadd.s32 v62, v0  }
0x10d: {  	v63 =	vshrl.u32 v0, $0x1;
	v1 =	vand.u32 $0xFFFFFFFE, v1  }
0x10e: {  	[tilespmem:s10+$0x230] =	vst v63;
	v0 =	vsub.s32 v0, v1  }
0x10f: {  	p0 =	por $0x0, $0x0;
	[tilespmem:s10+$0x430] =	vst v0;
	s10 =	simm.s32 $0x40  }
0x110: {  	v0 =	vld [tilespmem:$0x80];
	_ =	sdelay $0x1  }
0x111: {  	v1 =	vld [tilespmem:$0x90];
	_ =	sdelay $0x2  }
0x112: {  	v2 =	vshrl.u32 v0, $0x1F  }
0x113: {  	v2 =	vadd.s32 v2, v0  }
0x114: {  	v3 =	vshrl.u32 v0, $0x1;
	v4 =	vshrl.u32 v1, $0x1F;
	v2 =	vand.u32 $0xFFFFFFFE, v2  }
0x115: {  	[tilespmem:$0x280] =	vst v3;
	v0 =	vsub.s32 v0, v2;
	v2 =	vadd.s32 v4, v1  }
0x116: {  	[tilespmem:$0x480] =	vst v0;
	v0 =	vshrl.u32 v1, $0x1;
	v2 =	vand.u32 $0xFFFFFFFE, v2  }
0x117: {  	[tilespmem:$0x290] =	vst v0;
	v0 =	vsub.s32 v1, v2  }
0x118: {  	s8 =	simm.s32 $0x200;
	s9 =	simm.s32 $0x600;
	[tilespmem:$0x490] =	vst v0  }
0x119: {  	[tilespmem:s9], [sflag:$0x3] =	stream.indirect.gather [hbm4b:s5+s21], $0x80, s8, s21, $0xb8;
	[tilespmem:$0x14600] =	vst v63  }
0x11a: {  	s12 =	simm.s32 $0x0;
	s13 =	rddreg [dreg:$0x8]  }
0x11b: {  	[tilespmem:s12], [sflag:$0x1] =	stream.linear.gather [hbm4b:s13+s12], $0xA0, $0x38;
	[tilespmem:$0x14600] =	vst v63  }
0x11c: {  	_ =	swait.ge [sflag:s30], $0x5000  }
0x11d: {  	s8 =	sand.u32 $0x3C0, s12;
	[sflag:s30] =	ssyncset.done $0x0  }
0x11e: {  	s8 =	sshrl.u32 s8, $0x2;
	[sflag:s30] =	ssyncadd.s32 $0xFFFFB000  }
0x11f: {  	s10 =	simm.s32 $0x5800;
	v0 =	vld [tilespmem:s8+$0x500]  }
0x120: {  	v1 =	vld [tilespmem:s10+$0x180]  }
0x121: {  	v2 =	vld [tilespmem:s10+$0x1C0]  }
0x122: {  	v3 =	vld [tilespmem:s10+$0xFFFFFE00]  }
0x123: {  	v5 =	vld [tilespmem:s10+$0xFFFFFE40]  }
0x124: {  	v6 =	vld [tilespmem:s10+$0xFFFFFE80]  }
0x125: {  	v7 =	vld [tilespmem:s10+$0xFFFFFEC0]  }
0x126: {  	s14 =	simm.s32 $0x7;
	s12 =	simm.s32 $0x0;
	v9 =	vld [tilespmem:s10+$0xFFFFFF80]  }
0x127: {  	s23 =	simm.s32 $0x3;
	v4 =	vmov s14;
	s15 =	sand.u32 $0x8, s12;
	v10 =	vld [tilespmem:s10+$0xFFFFFFC0]  }
0x128: {  	s13 =	sand.u32 $0xB, s23;
	v13 =	vmov s15;
	v11 =	vld [tilespmem:s10+$0x0];
	v4 =	vperm.xlane v0, v4  }
0x129: {  	v16 =	vmov s13;
	v12 =	vld [tilespmem:s10+$0x40];
	v39 =	vperm.xlane v0, v13  }
0x12a: {  	v14 =	vld [tilespmem:s10+$0x80];
	v16 =	vperm.xlane v0, v16;
	vm4 =	veq.s32 v4, $0x1  }
0x12b: {  	s11 =	simm.s32 $0xF800;
	s22 =	simm.s32 $0x2;
	v4 =	vld [tilespmem:s10+$0xFFFFFF00];
	vm5 =	veq.s32 v39, $0x1;
	v1 =	vsel vm4, v2, v1  }
0x12c: {  	s8 =	sand.u32 $0xA, s22;
	vm3 =	veq.s32 v16, $0x1;
	v2 =	vld [tilespmem:s10+$0xFFFFFF40];
	v3 =	vsel vm5, v5, v3;
	[tilespmem:s11+$0x180] =	vst v1  }
0x12d: {  	v9 =	vsel vm3, v10, v9;
	[tilespmem:s11+$0xFFFFFE00] =	vst v3;
	v3 =	vmov s8;
	v1 =	vld [tilespmem:s10+$0x190]  }
0x12e: {  	[tilespmem:s11+$0xFFFFFF80] =	vst v9;
	v8 =	vld [tilespmem:s10+$0x1D0];
	v3 =	vperm.xlane v0, v3  }
0x12f: {  	v48 =	vld [tilespmem:s10+$0xFFFFFF90]  }
0x130: {  	v49 =	vld [tilespmem:s10+$0xFFFFFFD0];
	vm7 =	veq.s32 v3, $0x1  }
0x131: {  	v40 =	vld [tilespmem:s10+$0xC0];
	v2 =	vsel vm7, v2, v4  }
0x132: {  	v5 =	vld [tilespmem:s10+$0x100];
	[tilespmem:s11+$0xFFFFFF00] =	vst v2  }
0x133: {  	s18 =	simm.s32 $0x1;
	v1 =	vsel vm4, v8, v1;
	v45 =	vld [tilespmem:s10+$0xFFFFFF10]  }
0x134: {  	s19 =	sand.u32 $0x9, s18;
	v46 =	vld [tilespmem:s10+$0xFFFFFF50];
	[tilespmem:s11+$0x190] =	vst v1  }
0x135: {  	v9 =	vsel vm3, v49, v48;
	v1 =	vmov s19;
	v15 =	vld [tilespmem:s10+$0x1A0]  }
0x136: {  	[tilespmem:s11+$0xFFFFFF90] =	vst v9;
	v1 =	vperm.xlane v0, v1;
	v41 =	vld [tilespmem:s10+$0x1E0]  }
0x137: {  	s18 =	simm.s32 $0x5;
	v57 =	vld [tilespmem:s10+$0xFFFFFFA0]  }
0x138: {  	s19 =	sand.u32 $0xD, s18;
	vm6 =	veq.s32 v1, $0x1;
	v1 =	vld [tilespmem:s10+$0x140]  }
0x139: {  	s14 =	simm.s32 $0x4;
	s22 =	simm.s32 $0x6;
	v44 =	vmov s19;
	v6 =	vsel vm6, v7, v6;
	v7 =	vld [tilespmem:s10+$0xFFFFFE10]  }
0x13a: {  	s15 =	sand.u32 $0xC, s14;
	s23 =	sand.u32 $0xE, s22;
	v16 =	vperm.xlane v0, v44;
	[tilespmem:s11+$0xFFFFFE80] =	vst v6;
	v6 =	vld [tilespmem:s10+$0xFFFFFE50]  }
0x13b: {  	v43 =	vmov s15;
	v47 =	vmov s23;
	v8 =	vsel vm4, v41, v15;
	v42 =	vld [tilespmem:s10+$0xFFFFFE90]  }
0x13c: {  	vm1 =	veq.s32 v16, $0x1;
	v3 =	vld [tilespmem:s10+$0xFFFFFED0];
	[tilespmem:s11+$0x1A0] =	vst v8;
	v8 =	vperm.xlane v0, v43;
	v0 =	vperm.xlane v0, v47  }
0x13d: {  	v50 =	vsel vm1, v40, v14;
	v4 =	vld [tilespmem:s10+$0x1B0]  }
0x13e: {  	[tilespmem:s11+$0x80] =	vst v50;
	v2 =	vld [tilespmem:s10+$0x1F0];
	vm2 =	veq.s32 v8, $0x1;
	vm0 =	veq.s32 v0, $0x1;
	v8 =	vsel vm7, v46, v45  }
0x13f: {  	v1 =	vsel vm0, v1, v5;
	v5 =	vld [tilespmem:s10+$0x90];
	[tilespmem:s11+$0xFFFFFF10] =	vst v8  }
0x140: {  	[tilespmem:s11+$0x100] =	vst v1;
	v1 =	vld [tilespmem:s10+$0xD0]  }
0x141: {  	v11 =	vsel vm2, v12, v11;
	v55 =	vld [tilespmem:s10+$0xFFFFFF20]  }
0x142: {  	[tilespmem:s11+$0x0] =	vst v11;
	v56 =	vld [tilespmem:s10+$0xFFFFFF60]  }
0x143: {  	v51 =	vld [tilespmem:s10+$0x10]  }
0x144: {  	v0 =	vld [tilespmem:s10+$0x50]  }
0x145: {  	v6 =	vsel vm5, v6, v7;
	v7 =	vld [tilespmem:s10+$0x110]  }
0x146: {  	[tilespmem:s11+$0xFFFFFE10] =	vst v6;
	v6 =	vld [tilespmem:s10+$0x150]  }
0x147: {  	v3 =	vsel vm6, v3, v42;
	v52 =	vld [tilespmem:s10+$0xFFFFFE20]  }
0x148: {  	[tilespmem:s11+$0xFFFFFE90] =	vst v3;
	v3 =	vld [tilespmem:s10+$0xFFFFFE60]  }
0x149: {  	v53 =	vld [tilespmem:s10+$0xFFFFFEA0];
	v1 =	vsel vm1, v1, v5  }
0x14a: {  	v54 =	vld [tilespmem:s10+$0xFFFFFEE0];
	v0 =	vsel vm2, v0, v51;
	[tilespmem:s11+$0x90] =	vst v1  }
0x14b: {  	v9 =	vsel vm7, v56, v55;
	[tilespmem:s11+$0x10] =	vst v0;
	v0 =	vld [tilespmem:s10+$0xFFFFFFE0]  }
0x14c: {  	v6 =	vsel vm0, v6, v7;
	[tilespmem:s11+$0xFFFFFF20] =	vst v9;
	v7 =	vld [tilespmem:s10+$0xA0]  }
0x14d: {  	[tilespmem:s11+$0x110] =	vst v6;
	v6 =	vld [tilespmem:s10+$0xE0]  }
0x14e: {  	v63 =	vld [tilespmem:s10+$0xFFFFFF30]  }
0x14f: {  	v5 =	vld [tilespmem:s10+$0x20]  }
0x150: {  	v1 =	vld [tilespmem:s10+$0x60]  }
0x151: {  	v3 =	vsel vm5, v3, v52;
	v58 =	vld [tilespmem:s10+$0x120]  }
0x152: {  	[tilespmem:s11+$0xFFFFFE20] =	vst v3;
	v3 =	vld [tilespmem:s10+$0x160]  }
0x153: {  	v8 =	vsel vm6, v54, v53;
	v59 =	vld [tilespmem:s10+$0xFFFFFE30]  }
0x154: {  	[tilespmem:s11+$0xFFFFFEA0] =	vst v8;
	v60 =	vld [tilespmem:s10+$0xFFFFFE70]  }
0x155: {  	v2 =	vsel vm4, v2, v4;
	v61 =	vld [tilespmem:s10+$0xFFFFFEB0]  }
0x156: {  	[tilespmem:s11+$0x1B0] =	vst v2;
	v62 =	vld [tilespmem:s10+$0xFFFFFEF0];
	v0 =	vsel vm3, v0, v57  }
0x157: {  	[tilespmem:s11+$0xFFFFFFA0] =	vst v0;
	v0 =	vsel vm2, v1, v5;
	v5 =	vld [tilespmem:s10+$0xFFFFFF70]  }
0x158: {  	[tilespmem:s11+$0x20] =	vst v0;
	v0 =	vsel vm1, v6, v7;
	v2 =	vld [tilespmem:s10+$0xFFFFFFB0]  }
0x159: {  	v4 =	vld [tilespmem:s10+$0xFFFFFFF0];
	[tilespmem:s11+$0xA0] =	vst v0;
	v0 =	vsel vm0, v3, v58  }
0x15a: {  	v1 =	vld [tilespmem:s10+$0x30];
	[tilespmem:s11+$0x120] =	vst v0;
	v0 =	vsel vm5, v60, v59  }
0x15b: {  	v3 =	vld [tilespmem:s10+$0x70];
	[tilespmem:s11+$0xFFFFFE30] =	vst v0;
	v0 =	vsel vm6, v62, v61  }
0x15c: {  	s13 =	simm.s32 $0x20;
	[tilespmem:s11+$0xFFFFFEB0] =	vst v0;
	v5 =	vsel vm7, v5, v63;
	v0 =	vld [tilespmem:s10+$0xB0]  }
.LBB2_10:
0x15d: {  	s8 =	sand.u32 $0x3C0, s13;
	[tilespmem:s11+$0xFFFFFF30] =	vst v5;
	v5 =	vld [tilespmem:s10+$0xF0];
	s9 =	smov.u32 s12;
	s12 =	sadd.s32 $0x8, s12  }
0x15e: {  	s8 =	sshrl.u32 s8, $0x2;
	s14 =	sadd.s32 $0x9, s9;
	s15 =	sadd.s32 $0xA, s9;
	v2 =	vsel vm3, v4, v2;
	v4 =	vld [tilespmem:s10+$0x130]  }
0x15f: {  	s18 =	sand.u32 $0x8, s12;
	s19 =	sadd.s32 $0xC, s9;
	v6 =	vld [tilespmem:s8+$0x500];
	s8 =	sadd.s32 $0xB, s9;
	[tilespmem:s11+$0xFFFFFFB0] =	vst v2  }
0x160: {  	v2 =	vmov s18;
	s14 =	sand.u32 $0x9, s14;
	s15 =	sand.u32 $0xA, s15;
	v1 =	vsel vm2, v3, v1;
	v3 =	vld [tilespmem:s10+$0x170];
	s10 =	sadd.s32 $0x400, s10  }
0x161: {  	v7 =	vmov s14;
	v8 =	vmov s15;
	s8 =	sand.u32 $0xB, s8;
	s14 =	sand.u32 $0xC, s19;
	s15 =	sadd.s32 $0xD, s9;
	v9 =	vld [tilespmem:s10+$0x180];
	[tilespmem:s11+$0x30] =	vst v1  }
0x162: {  	v1 =	vmov s8;
	v10 =	vmov s14;
	s8 =	sand.u32 $0xD, s15;
	s14 =	sadd.s32 $0xE, s9;
	s9 =	sadd.s32 $0xF, s9;
	v11 =	vld [tilespmem:s10+$0x1C0];
	v0 =	vsel vm1, v5, v0  }
0x163: {  	p0 =	slt.u32 s12, $0x98;
	v12 =	vmov s8;
	s8 =	sand.u32 $0xE, s14;
	v13 =	vmov s9;
	v5 =	vld [tilespmem:s10+$0xFFFFFE00];
	[tilespmem:s11+$0xB0] =	vst v0  }
0x164: {  	v14 =	vmov s8;
	v0 =	vperm.xlane v6, v2;
	v2 =	vld [tilespmem:s10+$0xFFFFFE40];
	v13 =	vperm.xlane v6, v13  }
0x165: {  	v7 =	vperm.xlane v6, v7;
	v8 =	vperm.xlane v6, v8;
	v15 =	vld [tilespmem:s10+$0xFFFFFE80];
	v3 =	vsel vm0, v3, v4  }
0x166: {  	v1 =	vperm.xlane v6, v1;
	v10 =	vperm.xlane v6, v10;
	v4 =	vld [tilespmem:s10+$0xFFFFFEC0];
	vm7 =	veq.s32 v13, $0x1;
	[tilespmem:s11+$0x130] =	vst v3  }
0x167: {  	v12 =	vperm.xlane v6, v12;
	v6 =	vperm.xlane v6, v14;
	s11 =	sadd.s32 $0x400, s11;
	v3 =	vld [tilespmem:s10+$0xFFFFFF00];
	v9 =	vsel vm7, v11, v9  }
0x168: {  	vm6 =	veq.s32 v0, $0x1;
	vm5 =	veq.s32 v7, $0x1;
	vm4 =	veq.s32 v8, $0x1;
	v0 =	vld [tilespmem:s10+$0xFFFFFF40];
	[tilespmem:s11+$0x180] =	vst v9  }
0x169: {  	vm3 =	veq.s32 v1, $0x1;
	vm2 =	veq.s32 v10, $0x1;
	vm1 =	veq.s32 v12, $0x1;
	v1 =	vld [tilespmem:s10+$0x190]  }
0x16a: {  	vm0 =	veq.s32 v6, $0x1;
	v2 =	vsel vm6, v2, v5;
	v5 =	vld [tilespmem:s10+$0x1D0]  }
0x16b: {  	[tilespmem:s11+$0xFFFFFE00] =	vst v2;
	v2 =	vsel vm5, v4, v15;
	v4 =	vld [tilespmem:s10+$0xFFFFFF80]  }
0x16c: {  	[tilespmem:s11+$0xFFFFFE80] =	vst v2;
	v2 =	vld [tilespmem:s10+$0xFFFFFFC0]  }
0x16d: {  	v0 =	vsel vm4, v0, v3;
	v3 =	vld [tilespmem:s10+$0x0]  }
0x16e: {  	[tilespmem:s11+$0xFFFFFF00] =	vst v0;
	v0 =	vld [tilespmem:s10+$0x40]  }
0x16f: {  	v6 =	vld [tilespmem:s10+$0x80];
	v1 =	vsel vm7, v5, v1  }
0x170: {  	v5 =	vld [tilespmem:s10+$0xC0];
	[tilespmem:s11+$0x190] =	vst v1  }
0x171: {  	v1 =	vsel vm3, v2, v4;
	v2 =	vld [tilespmem:s10+$0x1A0]  }
0x172: {  	[tilespmem:s11+$0xFFFFFF80] =	vst v1;
	v1 =	vld [tilespmem:s10+$0x1E0]  }
0x173: {  	v0 =	vsel vm2, v0, v3;
	v3 =	vld [tilespmem:s10+$0x100]  }
0x174: {  	[tilespmem:s11+$0x0] =	vst v0;
	v0 =	vld [tilespmem:s10+$0x140]  }
0x175: {  	v4 =	vld [tilespmem:s10+$0xFFFFFE10];
	v5 =	vsel vm1, v5, v6  }
0x176: {  	v6 =	vld [tilespmem:s10+$0xFFFFFE50];
	[tilespmem:s11+$0x80] =	vst v5  }
0x177: {  	v5 =	vld [tilespmem:s10+$0xFFFFFE90];
	v1 =	vsel vm7, v1, v2  }
0x178: {  	v2 =	vld [tilespmem:s10+$0xFFFFFED0];
	[tilespmem:s11+$0x1A0] =	vst v1  }
0x179: {  	v0 =	vsel vm0, v0, v3;
	v1 =	vld [tilespmem:s10+$0x1B0]  }
0x17a: {  	[tilespmem:s11+$0x100] =	vst v0;
	v0 =	vld [tilespmem:s10+$0x1F0]  }
0x17b: {  	v3 =	vsel vm6, v6, v4;
	v4 =	vld [tilespmem:s10+$0xFFFFFF10]  }
0x17c: {  	[tilespmem:s11+$0xFFFFFE10] =	vst v3;
	v3 =	vld [tilespmem:s10+$0xFFFFFF50]  }
0x17d: {  	v2 =	vsel vm5, v2, v5;
	v5 =	vld [tilespmem:s10+$0xFFFFFF90]  }
0x17e: {  	[tilespmem:s11+$0xFFFFFE90] =	vst v2;
	v2 =	vld [tilespmem:s10+$0xFFFFFFD0]  }
0x17f: {  	v6 =	vld [tilespmem:s10+$0x10];
	v0 =	vsel vm7, v0, v1  }
0x180: {  	v1 =	vld [tilespmem:s10+$0x50];
	[tilespmem:s11+$0x1B0] =	vst v0  }
0x181: {  	v0 =	vsel vm4, v3, v4;
	v3 =	vld [tilespmem:s10+$0x90]  }
0x182: {  	[tilespmem:s11+$0xFFFFFF10] =	vst v0;
	v0 =	vld [tilespmem:s10+$0xD0]  }
0x183: {  	v2 =	vsel vm3, v2, v5;
	v4 =	vld [tilespmem:s10+$0x110]  }
0x184: {  	[tilespmem:s11+$0xFFFFFF90] =	vst v2;
	v2 =	vld [tilespmem:s10+$0x150]  }
0x185: {  	v5 =	vld [tilespmem:s10+$0xFFFFFE20];
	v1 =	vsel vm2, v1, v6  }
0x186: {  	v6 =	vld [tilespmem:s10+$0xFFFFFE60];
	[tilespmem:s11+$0x10] =	vst v1  }
0x187: {  	v1 =	vld [tilespmem:s10+$0xFFFFFEA0];
	v0 =	vsel vm1, v0, v3  }
0x188: {  	v3 =	vld [tilespmem:s10+$0xFFFFFEE0];
	[tilespmem:s11+$0x90] =	vst v0  }
0x189: {  	v0 =	vld [tilespmem:s10+$0xFFFFFF20];
	v2 =	vsel vm0, v2, v4  }
0x18a: {  	v4 =	vld [tilespmem:s10+$0xFFFFFF60];
	[tilespmem:s11+$0x110] =	vst v2  }
0x18b: {  	v2 =	vsel vm6, v6, v5;
	v5 =	vld [tilespmem:s10+$0xFFFFFFA0]  }
0x18c: {  	[tilespmem:s11+$0xFFFFFE20] =	vst v2;
	v2 =	vld [tilespmem:s10+$0xFFFFFFE0]  }
0x18d: {  	v1 =	vsel vm5, v3, v1;
	v3 =	vld [tilespmem:s10+$0x20]  }
0x18e: {  	[tilespmem:s11+$0xFFFFFEA0] =	vst v1;
	v1 =	vld [tilespmem:s10+$0x60]  }
0x18f: {  	v0 =	vsel vm4, v4, v0;
	v4 =	vld [tilespmem:s10+$0xA0]  }
0x190: {  	[tilespmem:s11+$0xFFFFFF20] =	vst v0;
	v0 =	vld [tilespmem:s10+$0xE0]  }
0x191: {  	v2 =	vsel vm3, v2, v5;
	v5 =	vld [tilespmem:s10+$0x120]  }
0x192: {  	[tilespmem:s11+$0xFFFFFFA0] =	vst v2;
	v2 =	vld [tilespmem:s10+$0x160]  }
0x193: {  	v6 =	vld [tilespmem:s10+$0xFFFFFE30];
	v1 =	vsel vm2, v1, v3  }
0x194: {  	v3 =	vld [tilespmem:s10+$0xFFFFFE70];
	[tilespmem:s11+$0x20] =	vst v1  }
0x195: {  	v1 =	vld [tilespmem:s10+$0xFFFFFEB0];
	v0 =	vsel vm1, v0, v4  }
0x196: {  	v7 =	vld [tilespmem:s10+$0xFFFFFEF0];
	[tilespmem:s11+$0xA0] =	vst v0  }
0x197: {  	v0 =	vld [tilespmem:s10+$0xFFFFFF30];
	v2 =	vsel vm0, v2, v5  }
0x198: {  	v5 =	vld [tilespmem:s10+$0xFFFFFF70];
	[tilespmem:s11+$0x120] =	vst v2  }
.Ltmp6:
0x199: {  	v3 =	vsel vm6, v3, v6;
	v2 =	vld [tilespmem:s10+$0xFFFFFFB0];
	(pc) =	sbr.rel @p0 .LBB2_10-.Ltmp6, $4  }
0x19a: {  	[tilespmem:s11+$0xFFFFFE30] =	vst v3;
	v4 =	vld [tilespmem:s10+$0xFFFFFFF0]  }
0x19b: {  	v3 =	vsel vm5, v7, v1;
	v1 =	vld [tilespmem:s10+$0x30]  }
0x19c: {  	[tilespmem:s11+$0xFFFFFEB0] =	vst v3;
	v3 =	vld [tilespmem:s10+$0x70]  }
0x19d: {  	s13 =	sadd.s32 $0x20, s13;
	v5 =	vsel vm4, v5, v0;
	v0 =	vld [tilespmem:s10+$0xB0]  }
0x19e: {  	v6 =	vld [tilespmem:s10+$0xF0]  }
0x19f: {  	v7 =	vld [tilespmem:s10+$0x130]  }
0x1a0: {  	v8 =	vld [tilespmem:s10+$0x170];
	_ =	sdelay $0x1  }
0x1a1: {  	[tilespmem:s11+$0xFFFFFF30] =	vst v5;
	v2 =	vsel vm3, v4, v2  }
0x1a2: {  	[tilespmem:s11+$0xFFFFFFB0] =	vst v2;
	v1 =	vsel vm2, v3, v1  }
0x1a3: {  	[tilespmem:s11+$0x30] =	vst v1;
	v0 =	vsel vm1, v6, v0  }
0x1a4: {  	v63 =	vsel vm0, v8, v7;
	[tilespmem:s11+$0xB0] =	vst v0  }
0x1a5: {  	[tilespmem:s11+$0x130] =	vst v63  }
0x1a6: {  	s10 =	simm.s32 $0x0;
	s8 =	rddreg [dreg:$0x9]  }
0x1a7: {  	[hbm4b:s8+s10] =	stream.linear.scatter [tilespmem:s31], [sflag:$0x6], $0x5000, $0x38;
	[tilespmem:$0x14600] =	vst v63  }
0x1a8: {  	_ =	swait.ge [sflag:s24], $0xA0  }
0x1a9: {  	[sflag:s24] =	ssyncset.done $0x0  }
0x1aa: {  	p0 =	por $0x1, $0x1;
	[sflag:s24] =	ssyncadd.s32 $0xFFFFFF60  }
.LBB2_12:
0x1ab: {  	v0 =	vld [tilespmem:s10+$0x100];
	_ =	sdelay $0x1  }
0x1ac: {  	v55 =	vld [tilespmem:s10+$0x110];
	_ =	sdelay $0x1  }
0x1ad: {  	v58 =	vld [tilespmem:s10+$0x120]  }
0x1ae: {  	v1 =	vshrl.u32 v0, $0x1F  }
0x1af: {  	v61 =	vld [tilespmem:s10+$0x130];
	v1 =	vadd.s32 v1, v0  }
0x1b0: {  	v2 =	vshrl.u32 v0, $0x1;
	v56 =	vshrl.u32 v55, $0x1F;
	v1 =	vand.u32 $0xFFFFFFFE, v1  }
0x1b1: {  	v57 =	vshrl.u32 v55, $0x1;
	[tilespmem:s10+$0x300] =	vst v2;
	v0 =	vsub.s32 v0, v1;
	v1 =	vadd.s32 v56, v55  }
0x1b2: {  	v59 =	vshrl.u32 v58, $0x1F;
	[tilespmem:s10+$0x310] =	vst v57;
	v1 =	vand.u32 $0xFFFFFFFE, v1  }
0x1b3: {  	p1 =	por p0, p0;
	v60 =	vshrl.u32 v58, $0x1;
	[tilespmem:s10+$0x500] =	vst v0;
	v0 =	vsub.s32 v55, v1;
	v1 =	vadd.s32 v59, v58  }
.Ltmp7:
0x1b4: {  	v62 =	vshrl.u32 v61, $0x1F;
	[tilespmem:s10+$0x320] =	vst v60;
	v1 =	vand.u32 $0xFFFFFFFE, v1;
	(pc) =	sbr.rel @p1 .LBB2_12-.Ltmp7, $4  }
0x1b5: {  	v63 =	vshrl.u32 v61, $0x1;
	[tilespmem:s10+$0x510] =	vst v0;
	v0 =	vsub.s32 v58, v1;
	v1 =	vadd.s32 v62, v61  }
0x1b6: {  	[tilespmem:s10+$0x330] =	vst v63;
	v1 =	vand.u32 $0xFFFFFFFE, v1  }
0x1b7: {  	[tilespmem:s10+$0x520] =	vst v0;
	v0 =	vsub.s32 v61, v1  }
0x1b8: {  	p0 =	por $0x0, $0x0;
	[tilespmem:s10+$0x530] =	vst v0;
	s10 =	simm.s32 $0x40  }
0x1b9: {  	v0 =	vld [tilespmem:$0x180]  }
0x1ba: {  	v1 =	vld [tilespmem:$0x190];
	_ =	sdelay $0x3  }
0x1bb: {  	v2 =	vshrl.u32 v0, $0x1F  }
0x1bc: {  	v3 =	vshrl.u32 v0, $0x1;
	v4 =	vshrl.u32 v1, $0x1F;
	v2 =	vadd.s32 v2, v0  }
0x1bd: {  	v62 =	vshrl.u32 v1, $0x1;
	[tilespmem:$0x380] =	vst v3;
	v61 =	vadd.s32 v4, v1;
	v2 =	vand.u32 $0xFFFFFFFE, v2  }
0x1be: {  	[tilespmem:$0x390] =	vst v62;
	v0 =	vsub.s32 v0, v2;
	v2 =	vand.u32 $0xFFFFFFFE, v61  }
.Ltmp8:
0x1bf: {  	[tilespmem:$0x580] =	vst v0;
	v63 =	vsub.s32 v1, v2;
	(pc) =	sbr.rel .LBB2_14-.Ltmp8, $4  }
0x1c0: {  	[tilespmem:$0x590] =	vst v63  }
0x1c1: {  	[tilespmem:s26], [sflag:$0x4] =	stream.indirect.gather [hbm4b:s5+s21], $0x80, s25, s21, $0xb8;
	[tilespmem:$0x14600] =	vst v63  }
0x1c2: {  	s8 =	rddreg [dreg:$0xa];
	s9 =	simm.s32 $0x100;
	s10 =	simm.s32 $0x1  }
0x1c3: {  	[tilespmem:s9], [sflag:$0x2] =	stream.linear.gather [hbm4b:s8+s3], $0xA0, $0x38;
	[tilespmem:$0x14600] =	vst v63  }
.LBB2_26:
0x1c4: {  	s10 =	sadd.s32 $0x1, s10  }
0x1c5: {  	p0 =	sne.s32 s10, $0x50  }
.Ltmp9:
0x1c6: {  	_ = 	snop;
	(pc) =	sbr.rel @!p0 .LBB2_27-.Ltmp9, $4  }
0x1c7: {  	s8 =	sadd.s32 @p1 s11, s17  }
0x1c8: {  	s8 =	sshrl.u32 @p1 s8, $0x3  }
0x1c9: {  	s9 =	simm.s32 @p1 $0x0;
	s11 =	simm.s32 @p1 $0x100;
	s8 =	sadd.s32 @p1 s2, s8  }
0x1ca: {  	[tilespmem:s11], [sflag:$0x2] =	stream.linear.gather @p1 [hbm4b:s8+s9], $0xA0, $0x38;
	[tilespmem:$0x14600] =	vst v63  }
.LBB2_14:
0x1cb: {  	_ =	swait.ge [sflag:s28], $0x5000  }
0x1cc: {  	[sflag:s28] =	ssyncset.done $0x0  }
0x1cd: {  	[sflag:s28] =	ssyncadd.s32 $0xFFFFB000  }
0x1ce: {  	s8 =	simm.s32 $0x0;
	_ =	swait.ge [sflag:s0], $0x5000  }
0x1cf: {  	s8 =	sand.u32 $0x3C0, s8;
	[sflag:s0] =	ssyncset.done $0x0  }
0x1d0: {  	s8 =	sshrl.u32 s8, $0x2;
	[sflag:s0] =	ssyncadd.s32 $0xFFFFB000  }
0x1d1: {  	s11 =	simm.s32 $0x800;
	v0 =	vld [tilespmem:s8+$0x400]  }
0x1d2: {  	v1 =	vld [tilespmem:s11+$0x180]  }
0x1d3: {  	v2 =	vld [tilespmem:s11+$0x1C0]  }
0x1d4: {  	v3 =	vld [tilespmem:s11+$0xFFFFFE00]  }
0x1d5: {  	v5 =	vld [tilespmem:s11+$0xFFFFFE40]  }
0x1d6: {  	v6 =	vld [tilespmem:s11+$0xFFFFFE80]  }
0x1d7: {  	v7 =	vld [tilespmem:s11+$0xFFFFFEC0]  }
0x1d8: {  	s15 =	simm.s32 $0x7;
	s13 =	simm.s32 $0x0;
	v9 =	vld [tilespmem:s11+$0xFFFFFF80]  }
0x1d9: {  	s9 =	simm.s32 $0x1;
	s23 =	simm.s32 $0x3;
	v4 =	vmov s15;
	s18 =	sand.u32 $0x8, s13;
	v10 =	vld [tilespmem:s11+$0xFFFFFFC0]  }
0x1da: {  	s19 =	sand.u32 $0x9, s9;
	s9 =	sand.u32 $0xB, s23;
	v13 =	vmov s18;
	v11 =	vld [tilespmem:s11+$0x0];
	v4 =	vperm.xlane v0, v4  }
0x1db: {  	v16 =	vmov s9;
	v12 =	vld [tilespmem:s11+$0x40];
	v39 =	vperm.xlane v0, v13  }
0x1dc: {  	v14 =	vld [tilespmem:s11+$0x80];
	v16 =	vperm.xlane v0, v16;
	vm4 =	veq.s32 v4, $0x1  }
0x1dd: {  	s12 =	simm.s32 $0xA800;
	s22 =	simm.s32 $0x2;
	v4 =	vld [tilespmem:s11+$0xFFFFFF00];
	vm5 =	veq.s32 v39, $0x1;
	v1 =	vsel vm4, v2, v1  }
0x1de: {  	s8 =	sand.u32 $0xA, s22;
	vm3 =	veq.s32 v16, $0x1;
	v2 =	vld [tilespmem:s11+$0xFFFFFF40];
	v3 =	vsel vm5, v5, v3;
	[tilespmem:s12+$0x180] =	vst v1  }
0x1df: {  	v9 =	vsel vm3, v10, v9;
	[tilespmem:s12+$0xFFFFFE00] =	vst v3;
	v3 =	vmov s8;
	v1 =	vld [tilespmem:s11+$0x190]  }
0x1e0: {  	[tilespmem:s12+$0xFFFFFF80] =	vst v9;
	v8 =	vld [tilespmem:s11+$0x1D0];
	v3 =	vperm.xlane v0, v3  }
0x1e1: {  	v48 =	vld [tilespmem:s11+$0xFFFFFF90]  }
0x1e2: {  	v49 =	vld [tilespmem:s11+$0xFFFFFFD0];
	vm7 =	veq.s32 v3, $0x1  }
0x1e3: {  	v40 =	vld [tilespmem:s11+$0xC0];
	v2 =	vsel vm7, v2, v4  }
0x1e4: {  	v5 =	vld [tilespmem:s11+$0x100];
	[tilespmem:s12+$0xFFFFFF00] =	vst v2  }
0x1e5: {  	v1 =	vsel vm4, v8, v1;
	v45 =	vld [tilespmem:s11+$0xFFFFFF10]  }
0x1e6: {  	v46 =	vld [tilespmem:s11+$0xFFFFFF50];
	[tilespmem:s12+$0x190] =	vst v1  }
0x1e7: {  	v9 =	vsel vm3, v49, v48;
	v1 =	vmov s19;
	v15 =	vld [tilespmem:s11+$0x1A0]  }
0x1e8: {  	[tilespmem:s12+$0xFFFFFF90] =	vst v9;
	v1 =	vperm.xlane v0, v1;
	v41 =	vld [tilespmem:s11+$0x1E0]  }
0x1e9: {  	s18 =	simm.s32 $0x5;
	v57 =	vld [tilespmem:s11+$0xFFFFFFA0]  }
0x1ea: {  	s19 =	sand.u32 $0xD, s18;
	vm6 =	veq.s32 v1, $0x1;
	v1 =	vld [tilespmem:s11+$0x140]  }
0x1eb: {  	s14 =	simm.s32 $0x4;
	s22 =	simm.s32 $0x6;
	v44 =	vmov s19;
	v6 =	vsel vm6, v7, v6;
	v7 =	vld [tilespmem:s11+$0xFFFFFE10]  }
0x1ec: {  	s15 =	sand.u32 $0xC, s14;
	s23 =	sand.u32 $0xE, s22;
	v16 =	vperm.xlane v0, v44;
	[tilespmem:s12+$0xFFFFFE80] =	vst v6;
	v6 =	vld [tilespmem:s11+$0xFFFFFE50]  }
0x1ed: {  	v43 =	vmov s15;
	v47 =	vmov s23;
	v8 =	vsel vm4, v41, v15;
	v42 =	vld [tilespmem:s11+$0xFFFFFE90]  }
0x1ee: {  	vm1 =	veq.s32 v16, $0x1;
	v3 =	vld [tilespmem:s11+$0xFFFFFED0];
	[tilespmem:s12+$0x1A0] =	vst v8;
	v8 =	vperm.xlane v0, v43;
	v0 =	vperm.xlane v0, v47  }
0x1ef: {  	v50 =	vsel vm1, v40, v14;
	v4 =	vld [tilespmem:s11+$0x1B0]  }
0x1f0: {  	[tilespmem:s12+$0x80] =	vst v50;
	v2 =	vld [tilespmem:s11+$0x1F0];
	vm2 =	veq.s32 v8, $0x1;
	vm0 =	veq.s32 v0, $0x1;
	v8 =	vsel vm7, v46, v45  }
0x1f1: {  	v1 =	vsel vm0, v1, v5;
	v5 =	vld [tilespmem:s11+$0x90];
	[tilespmem:s12+$0xFFFFFF10] =	vst v8  }
0x1f2: {  	[tilespmem:s12+$0x100] =	vst v1;
	v1 =	vld [tilespmem:s11+$0xD0]  }
0x1f3: {  	v11 =	vsel vm2, v12, v11;
	v55 =	vld [tilespmem:s11+$0xFFFFFF20]  }
0x1f4: {  	[tilespmem:s12+$0x0] =	vst v11;
	v56 =	vld [tilespmem:s11+$0xFFFFFF60]  }
0x1f5: {  	v51 =	vld [tilespmem:s11+$0x10]  }
0x1f6: {  	v0 =	vld [tilespmem:s11+$0x50]  }
0x1f7: {  	v6 =	vsel vm5, v6, v7;
	v7 =	vld [tilespmem:s11+$0x110]  }
0x1f8: {  	[tilespmem:s12+$0xFFFFFE10] =	vst v6;
	v6 =	vld [tilespmem:s11+$0x150]  }
0x1f9: {  	v3 =	vsel vm6, v3, v42;
	v52 =	vld [tilespmem:s11+$0xFFFFFE20]  }
0x1fa: {  	[tilespmem:s12+$0xFFFFFE90] =	vst v3;
	v3 =	vld [tilespmem:s11+$0xFFFFFE60]  }
0x1fb: {  	v53 =	vld [tilespmem:s11+$0xFFFFFEA0];
	v1 =	vsel vm1, v1, v5  }
0x1fc: {  	v54 =	vld [tilespmem:s11+$0xFFFFFEE0];
	v0 =	vsel vm2, v0, v51;
	[tilespmem:s12+$0x90] =	vst v1  }
0x1fd: {  	v9 =	vsel vm7, v56, v55;
	[tilespmem:s12+$0x10] =	vst v0;
	v0 =	vld [tilespmem:s11+$0xFFFFFFE0]  }
0x1fe: {  	v6 =	vsel vm0, v6, v7;
	[tilespmem:s12+$0xFFFFFF20] =	vst v9;
	v7 =	vld [tilespmem:s11+$0xA0]  }
0x1ff: {  	[tilespmem:s12+$0x110] =	vst v6;
	v6 =	vld [tilespmem:s11+$0xE0]  }
0x200: {  	v63 =	vld [tilespmem:s11+$0xFFFFFF30]  }
0x201: {  	v5 =	vld [tilespmem:s11+$0x20]  }
0x202: {  	v1 =	vld [tilespmem:s11+$0x60]  }
0x203: {  	v3 =	vsel vm5, v3, v52;
	v58 =	vld [tilespmem:s11+$0x120]  }
0x204: {  	[tilespmem:s12+$0xFFFFFE20] =	vst v3;
	v3 =	vld [tilespmem:s11+$0x160]  }
0x205: {  	v8 =	vsel vm6, v54, v53;
	v59 =	vld [tilespmem:s11+$0xFFFFFE30]  }
0x206: {  	[tilespmem:s12+$0xFFFFFEA0] =	vst v8;
	v60 =	vld [tilespmem:s11+$0xFFFFFE70]  }
0x207: {  	v2 =	vsel vm4, v2, v4;
	v61 =	vld [tilespmem:s11+$0xFFFFFEB0]  }
0x208: {  	[tilespmem:s12+$0x1B0] =	vst v2;
	v62 =	vld [tilespmem:s11+$0xFFFFFEF0];
	v0 =	vsel vm3, v0, v57  }
0x209: {  	[tilespmem:s12+$0xFFFFFFA0] =	vst v0;
	v0 =	vsel vm2, v1, v5;
	v5 =	vld [tilespmem:s11+$0xFFFFFF70]  }
0x20a: {  	[tilespmem:s12+$0x20] =	vst v0;
	v0 =	vsel vm1, v6, v7;
	v2 =	vld [tilespmem:s11+$0xFFFFFFB0]  }
0x20b: {  	v4 =	vld [tilespmem:s11+$0xFFFFFFF0];
	[tilespmem:s12+$0xA0] =	vst v0;
	v0 =	vsel vm0, v3, v58  }
0x20c: {  	v1 =	vld [tilespmem:s11+$0x30];
	[tilespmem:s12+$0x120] =	vst v0;
	v0 =	vsel vm5, v60, v59  }
0x20d: {  	v3 =	vld [tilespmem:s11+$0x70];
	[tilespmem:s12+$0xFFFFFE30] =	vst v0;
	v0 =	vsel vm6, v62, v61  }
0x20e: {  	s14 =	simm.s32 $0x20;
	[tilespmem:s12+$0xFFFFFEB0] =	vst v0;
	v5 =	vsel vm7, v5, v63;
	v0 =	vld [tilespmem:s11+$0xB0]  }
.LBB2_15:
0x20f: {  	s8 =	sand.u32 $0x3C0, s14;
	[tilespmem:s12+$0xFFFFFF30] =	vst v5;
	v5 =	vld [tilespmem:s11+$0xF0];
	s9 =	smov.u32 s13;
	s13 =	sadd.s32 $0x8, s13  }
0x210: {  	s8 =	sshrl.u32 s8, $0x2;
	s15 =	sadd.s32 $0x9, s9;
	s18 =	sadd.s32 $0xA, s9;
	v2 =	vsel vm3, v4, v2;
	v4 =	vld [tilespmem:s11+$0x130]  }
0x211: {  	s19 =	sand.u32 $0x8, s13;
	s22 =	sadd.s32 $0xC, s9;
	v6 =	vld [tilespmem:s8+$0x400];
	s8 =	sadd.s32 $0xB, s9;
	[tilespmem:s12+$0xFFFFFFB0] =	vst v2  }
0x212: {  	v2 =	vmov s19;
	s15 =	sand.u32 $0x9, s15;
	s18 =	sand.u32 $0xA, s18;
	v1 =	vsel vm2, v3, v1;
	v3 =	vld [tilespmem:s11+$0x170];
	s11 =	sadd.s32 $0x400, s11  }
0x213: {  	v7 =	vmov s15;
	v8 =	vmov s18;
	s8 =	sand.u32 $0xB, s8;
	s15 =	sand.u32 $0xC, s22;
	s18 =	sadd.s32 $0xD, s9;
	v9 =	vld [tilespmem:s11+$0x180];
	[tilespmem:s12+$0x30] =	vst v1  }
0x214: {  	v1 =	vmov s8;
	v10 =	vmov s15;
	s8 =	sand.u32 $0xD, s18;
	s15 =	sadd.s32 $0xE, s9;
	s9 =	sadd.s32 $0xF, s9;
	v11 =	vld [tilespmem:s11+$0x1C0];
	v0 =	vsel vm1, v5, v0  }
0x215: {  	p0 =	slt.u32 s13, $0x98;
	v12 =	vmov s8;
	s8 =	sand.u32 $0xE, s15;
	v13 =	vmov s9;
	v5 =	vld [tilespmem:s11+$0xFFFFFE00];
	[tilespmem:s12+$0xB0] =	vst v0  }
0x216: {  	v14 =	vmov s8;
	v0 =	vperm.xlane v6, v2;
	v2 =	vld [tilespmem:s11+$0xFFFFFE40];
	v13 =	vperm.xlane v6, v13  }
0x217: {  	v7 =	vperm.xlane v6, v7;
	v8 =	vperm.xlane v6, v8;
	v15 =	vld [tilespmem:s11+$0xFFFFFE80];
	v3 =	vsel vm0, v3, v4  }
0x218: {  	v1 =	vperm.xlane v6, v1;
	v10 =	vperm.xlane v6, v10;
	v4 =	vld [tilespmem:s11+$0xFFFFFEC0];
	vm7 =	veq.s32 v13, $0x1;
	[tilespmem:s12+$0x130] =	vst v3  }
0x219: {  	v12 =	vperm.xlane v6, v12;
	v6 =	vperm.xlane v6, v14;
	s12 =	sadd.s32 $0x400, s12;
	v3 =	vld [tilespmem:s11+$0xFFFFFF00];
	v9 =	vsel vm7, v11, v9  }
0x21a: {  	vm6 =	veq.s32 v0, $0x1;
	vm5 =	veq.s32 v7, $0x1;
	vm4 =	veq.s32 v8, $0x1;
	v0 =	vld [tilespmem:s11+$0xFFFFFF40];
	[tilespmem:s12+$0x180] =	vst v9  }
0x21b: {  	vm3 =	veq.s32 v1, $0x1;
	vm2 =	veq.s32 v10, $0x1;
	vm1 =	veq.s32 v12, $0x1;
	v1 =	vld [tilespmem:s11+$0x190]  }
0x21c: {  	vm0 =	veq.s32 v6, $0x1;
	v2 =	vsel vm6, v2, v5;
	v5 =	vld [tilespmem:s11+$0x1D0]  }
0x21d: {  	[tilespmem:s12+$0xFFFFFE00] =	vst v2;
	v2 =	vsel vm5, v4, v15;
	v4 =	vld [tilespmem:s11+$0xFFFFFF80]  }
0x21e: {  	[tilespmem:s12+$0xFFFFFE80] =	vst v2;
	v2 =	vld [tilespmem:s11+$0xFFFFFFC0]  }
0x21f: {  	v0 =	vsel vm4, v0, v3;
	v3 =	vld [tilespmem:s11+$0x0]  }
0x220: {  	[tilespmem:s12+$0xFFFFFF00] =	vst v0;
	v0 =	vld [tilespmem:s11+$0x40]  }
0x221: {  	v6 =	vld [tilespmem:s11+$0x80];
	v1 =	vsel vm7, v5, v1  }
0x222: {  	v5 =	vld [tilespmem:s11+$0xC0];
	[tilespmem:s12+$0x190] =	vst v1  }
0x223: {  	v1 =	vsel vm3, v2, v4;
	v2 =	vld [tilespmem:s11+$0x1A0]  }
0x224: {  	[tilespmem:s12+$0xFFFFFF80] =	vst v1;
	v1 =	vld [tilespmem:s11+$0x1E0]  }
0x225: {  	v0 =	vsel vm2, v0, v3;
	v3 =	vld [tilespmem:s11+$0x100]  }
0x226: {  	[tilespmem:s12+$0x0] =	vst v0;
	v0 =	vld [tilespmem:s11+$0x140]  }
0x227: {  	v4 =	vld [tilespmem:s11+$0xFFFFFE10];
	v5 =	vsel vm1, v5, v6  }
0x228: {  	v6 =	vld [tilespmem:s11+$0xFFFFFE50];
	[tilespmem:s12+$0x80] =	vst v5  }
0x229: {  	v5 =	vld [tilespmem:s11+$0xFFFFFE90];
	v1 =	vsel vm7, v1, v2  }
0x22a: {  	v2 =	vld [tilespmem:s11+$0xFFFFFED0];
	[tilespmem:s12+$0x1A0] =	vst v1  }
0x22b: {  	v0 =	vsel vm0, v0, v3;
	v1 =	vld [tilespmem:s11+$0x1B0]  }
0x22c: {  	[tilespmem:s12+$0x100] =	vst v0;
	v0 =	vld [tilespmem:s11+$0x1F0]  }
0x22d: {  	v3 =	vsel vm6, v6, v4;
	v4 =	vld [tilespmem:s11+$0xFFFFFF10]  }
0x22e: {  	[tilespmem:s12+$0xFFFFFE10] =	vst v3;
	v3 =	vld [tilespmem:s11+$0xFFFFFF50]  }
0x22f: {  	v2 =	vsel vm5, v2, v5;
	v5 =	vld [tilespmem:s11+$0xFFFFFF90]  }
0x230: {  	[tilespmem:s12+$0xFFFFFE90] =	vst v2;
	v2 =	vld [tilespmem:s11+$0xFFFFFFD0]  }
0x231: {  	v6 =	vld [tilespmem:s11+$0x10];
	v0 =	vsel vm7, v0, v1  }
0x232: {  	v1 =	vld [tilespmem:s11+$0x50];
	[tilespmem:s12+$0x1B0] =	vst v0  }
0x233: {  	v0 =	vsel vm4, v3, v4;
	v3 =	vld [tilespmem:s11+$0x90]  }
0x234: {  	[tilespmem:s12+$0xFFFFFF10] =	vst v0;
	v0 =	vld [tilespmem:s11+$0xD0]  }
0x235: {  	v2 =	vsel vm3, v2, v5;
	v4 =	vld [tilespmem:s11+$0x110]  }
0x236: {  	[tilespmem:s12+$0xFFFFFF90] =	vst v2;
	v2 =	vld [tilespmem:s11+$0x150]  }
0x237: {  	v5 =	vld [tilespmem:s11+$0xFFFFFE20];
	v1 =	vsel vm2, v1, v6  }
0x238: {  	v6 =	vld [tilespmem:s11+$0xFFFFFE60];
	[tilespmem:s12+$0x10] =	vst v1  }
0x239: {  	v1 =	vld [tilespmem:s11+$0xFFFFFEA0];
	v0 =	vsel vm1, v0, v3  }
0x23a: {  	v3 =	vld [tilespmem:s11+$0xFFFFFEE0];
	[tilespmem:s12+$0x90] =	vst v0  }
0x23b: {  	v0 =	vld [tilespmem:s11+$0xFFFFFF20];
	v2 =	vsel vm0, v2, v4  }
0x23c: {  	v4 =	vld [tilespmem:s11+$0xFFFFFF60];
	[tilespmem:s12+$0x110] =	vst v2  }
0x23d: {  	v2 =	vsel vm6, v6, v5;
	v5 =	vld [tilespmem:s11+$0xFFFFFFA0]  }
0x23e: {  	[tilespmem:s12+$0xFFFFFE20] =	vst v2;
	v2 =	vld [tilespmem:s11+$0xFFFFFFE0]  }
0x23f: {  	v1 =	vsel vm5, v3, v1;
	v3 =	vld [tilespmem:s11+$0x20]  }
0x240: {  	[tilespmem:s12+$0xFFFFFEA0] =	vst v1;
	v1 =	vld [tilespmem:s11+$0x60]  }
0x241: {  	v0 =	vsel vm4, v4, v0;
	v4 =	vld [tilespmem:s11+$0xA0]  }
0x242: {  	[tilespmem:s12+$0xFFFFFF20] =	vst v0;
	v0 =	vld [tilespmem:s11+$0xE0]  }
0x243: {  	v2 =	vsel vm3, v2, v5;
	v5 =	vld [tilespmem:s11+$0x120]  }
0x244: {  	[tilespmem:s12+$0xFFFFFFA0] =	vst v2;
	v2 =	vld [tilespmem:s11+$0x160]  }
0x245: {  	v6 =	vld [tilespmem:s11+$0xFFFFFE30];
	v1 =	vsel vm2, v1, v3  }
0x246: {  	v3 =	vld [tilespmem:s11+$0xFFFFFE70];
	[tilespmem:s12+$0x20] =	vst v1  }
0x247: {  	v1 =	vld [tilespmem:s11+$0xFFFFFEB0];
	v0 =	vsel vm1, v0, v4  }
0x248: {  	v7 =	vld [tilespmem:s11+$0xFFFFFEF0];
	[tilespmem:s12+$0xA0] =	vst v0  }
0x249: {  	v0 =	vld [tilespmem:s11+$0xFFFFFF30];
	v2 =	vsel vm0, v2, v5  }
0x24a: {  	v5 =	vld [tilespmem:s11+$0xFFFFFF70];
	[tilespmem:s12+$0x120] =	vst v2  }
.Ltmp10:
0x24b: {  	v3 =	vsel vm6, v3, v6;
	v2 =	vld [tilespmem:s11+$0xFFFFFFB0];
	(pc) =	sbr.rel @p0 .LBB2_15-.Ltmp10, $4  }
0x24c: {  	[tilespmem:s12+$0xFFFFFE30] =	vst v3;
	v4 =	vld [tilespmem:s11+$0xFFFFFFF0]  }
0x24d: {  	v3 =	vsel vm5, v7, v1;
	v1 =	vld [tilespmem:s11+$0x30]  }
0x24e: {  	[tilespmem:s12+$0xFFFFFEB0] =	vst v3;
	v3 =	vld [tilespmem:s11+$0x70]  }
0x24f: {  	s14 =	sadd.s32 $0x20, s14;
	v5 =	vsel vm4, v5, v0;
	v0 =	vld [tilespmem:s11+$0xB0]  }
0x250: {  	v6 =	vld [tilespmem:s11+$0xF0]  }
0x251: {  	v7 =	vld [tilespmem:s11+$0x130]  }
0x252: {  	v8 =	vld [tilespmem:s11+$0x170];
	_ =	sdelay $0x1  }
0x253: {  	[tilespmem:s12+$0xFFFFFF30] =	vst v5;
	s11 =	smul.u32 $0x140, s10;
	p0 =	seq.s32 s10, $0x4F;
	v2 =	vsel vm3, v4, v2  }
.Ltmp11:
0x254: {  	[tilespmem:s12+$0xFFFFFFB0] =	vst v2;
	v1 =	vsel vm2, v3, v1;
	(pc) =	sbr.rel @p0 .LBB2_20-.Ltmp11, $4  }
0x255: {  	s8 =	sadd.s32 s4, s11;
	[tilespmem:s12+$0x30] =	vst v1;
	v0 =	vsel vm1, v6, v0  }
0x256: {  	s8 =	sshll.u32 s8, $0x4;
	v63 =	vsel vm0, v8, v7;
	[tilespmem:s12+$0xB0] =	vst v0  }
0x257: {  	p1 =	por $0x0, $0x0;
	s8 =	sadd.s32 s6, s8;
	[tilespmem:s12+$0x130] =	vst v63  }
0x258: {  	[hbm4b:s8+s3] =	stream.linear.scatter [tilespmem:s29], [sflag:$0x5], $0x5000, $0x38;
	[tilespmem:$0x14600] =	vst v63  }
0x259: {  	_ =	swait.ge [sflag:s20], $0xA0  }
0x25a: {  	[sflag:s20] =	ssyncset.done $0x0  }
0x25b: {  	s12 =	simm.s32 $0x0;
	p1 =	por $0x1, $0x1;
	[sflag:s20] =	ssyncadd.s32 $0xFFFFFF60  }
.LBB2_18:
0x25c: {  	v0 =	vld [tilespmem:s12+$0x0];
	_ =	sdelay $0x4  }
0x25d: {  	v1 =	vshrl.u32 v0, $0x1F  }
0x25e: {  	v1 =	vadd.s32 v1, v0  }
0x25f: {  	v2 =	vshrl.u32 v0, $0x1;
	v1 =	vand.u32 $0xFFFFFFFE, v1  }
0x260: {  	[tilespmem:s12+$0x200] =	vst v2;
	v0 =	vsub.s32 v0, v1  }
0x261: {  	s8 =	sor.u32 $0x10, s12;
	[tilespmem:s12+$0x400] =	vst v0  }
0x262: {  	v0 =	vld [tilespmem:s8+$0x0];
	_ =	sdelay $0x4  }
0x263: {  	v58 =	vshrl.u32 v0, $0x1F  }
0x264: {  	v1 =	vadd.s32 v58, v0  }
0x265: {  	v59 =	vshrl.u32 v0, $0x1;
	v1 =	vand.u32 $0xFFFFFFFE, v1  }
0x266: {  	[tilespmem:s12+$0x210] =	vst v59;
	v0 =	vsub.s32 v0, v1  }
0x267: {  	s22 =	sor.u32 $0x20, s12;
	[tilespmem:s12+$0x410] =	vst v0  }
0x268: {  	v0 =	vld [tilespmem:s22+$0x0];
	_ =	sdelay $0x4  }
0x269: {  	v60 =	vshrl.u32 v0, $0x1F  }
0x26a: {  	v1 =	vadd.s32 v60, v0  }
0x26b: {  	v61 =	vshrl.u32 v0, $0x1;
	v1 =	vand.u32 $0xFFFFFFFE, v1  }
0x26c: {  	[tilespmem:s12+$0x220] =	vst v61;
	v0 =	vsub.s32 v0, v1  }
0x26d: {  	s23 =	sor.u32 $0x30, s12;
	[tilespmem:s12+$0x420] =	vst v0  }
0x26e: {  	v0 =	vld [tilespmem:s23+$0x0];
	_ =	sdelay $0x3  }
0x26f: {  	p2 =	por p1, p1  }
.Ltmp12:
0x270: {  	v62 =	vshrl.u32 v0, $0x1F;
	(pc) =	sbr.rel @p2 .LBB2_18-.Ltmp12, $4  }
0x271: {  	v1 =	vadd.s32 v62, v0  }
0x272: {  	v63 =	vshrl.u32 v0, $0x1;
	v1 =	vand.u32 $0xFFFFFFFE, v1  }
0x273: {  	[tilespmem:s12+$0x230] =	vst v63;
	v0 =	vsub.s32 v0, v1  }
0x274: {  	p1 =	por $0x0, $0x0;
	[tilespmem:s12+$0x430] =	vst v0;
	s12 =	simm.s32 $0x40  }
0x275: {  	v0 =	vld [tilespmem:$0x80]  }
0x276: {  	v1 =	vld [tilespmem:$0x90];
	_ =	sdelay $0x3  }
0x277: {  	v2 =	vshrl.u32 v0, $0x1F  }
0x278: {  	v3 =	vshrl.u32 v0, $0x1;
	v4 =	vshrl.u32 v1, $0x1F;
	v2 =	vadd.s32 v2, v0  }
0x279: {  	v62 =	vshrl.u32 v1, $0x1;
	[tilespmem:$0x280] =	vst v3;
	v61 =	vadd.s32 v4, v1;
	v2 =	vand.u32 $0xFFFFFFFE, v2  }
0x27a: {  	[tilespmem:$0x290] =	vst v62;
	v0 =	vsub.s32 v0, v2;
	v2 =	vand.u32 $0xFFFFFFFE, v61  }
0x27b: {  	[tilespmem:$0x480] =	vst v0;
	v63 =	vsub.s32 v1, v2  }
0x27c: {  	s8 =	simm.s32 $0x200;
	s9 =	simm.s32 $0x600;
	p2 =	sgt.u32 s10, $0x4D;
	[tilespmem:$0x490] =	vst v63  }
0x27d: {  	[tilespmem:s9], [sflag:$0x3] =	stream.indirect.gather [hbm4b:s5+s21], $0x80, s8, s21, $0xb8;
	[tilespmem:$0x14600] =	vst v63  }
0x27e: {  	s8 =	sadd.s32 @!p2 s11, s16  }
0x27f: {  	p1 =	por $0x0, $0x0;
	p3 =	por @!p2 $0x1, $0x1;
	s8 =	sshrl.u32 @!p2 s8, $0x3  }
0x280: {  	p1 =	por @!p2 p3, p3;
	s9 =	simm.s32 @!p2 $0x0;
	s8 =	sadd.s32 @!p2 s2, s8  }
0x281: {  	[tilespmem:s9], [sflag:$0x1] =	stream.linear.gather @!p2 [hbm4b:s8+s9], $0xA0, $0x38;
	[tilespmem:$0x14600] =	vst v63  }
.LBB2_20:
0x282: {  	_ =	swait.ge [sflag:s30], $0x5000  }
0x283: {  	[sflag:s30] =	ssyncset.done $0x0  }
0x284: {  	[sflag:s30] =	ssyncadd.s32 $0xFFFFB000  }
0x285: {  	s8 =	simm.s32 $0x0;
	_ =	swait.ge [sflag:s1], $0x5000  }
0x286: {  	s8 =	sand.u32 $0x3C0, s8;
	[sflag:s1] =	ssyncset.done $0x0  }
0x287: {  	s8 =	sshrl.u32 s8, $0x2;
	[sflag:s1] =	ssyncadd.s32 $0xFFFFB000  }
0x288: {  	s13 =	simm.s32 $0x5800;
	v0 =	vld [tilespmem:s8+$0x500]  }
0x289: {  	v1 =	vld [tilespmem:s13+$0x180]  }
0x28a: {  	v2 =	vld [tilespmem:s13+$0x1C0]  }
0x28b: {  	v3 =	vld [tilespmem:s13+$0xFFFFFE00]  }
0x28c: {  	v5 =	vld [tilespmem:s13+$0xFFFFFE40]  }
0x28d: {  	v6 =	vld [tilespmem:s13+$0xFFFFFE80]  }
0x28e: {  	v7 =	vld [tilespmem:s13+$0xFFFFFEC0]  }
0x28f: {  	s22 =	simm.s32 $0x7;
	s14 =	simm.s32 $0x0;
	v9 =	vld [tilespmem:s13+$0xFFFFFF80]  }
0x290: {  	s19 =	simm.s32 $0x3;
	v4 =	vmov s22;
	s23 =	sand.u32 $0x8, s14;
	v10 =	vld [tilespmem:s13+$0xFFFFFFC0]  }
0x291: {  	s22 =	sand.u32 $0xB, s19;
	v13 =	vmov s23;
	v11 =	vld [tilespmem:s13+$0x0];
	v4 =	vperm.xlane v0, v4  }
0x292: {  	v16 =	vmov s22;
	v12 =	vld [tilespmem:s13+$0x40];
	v39 =	vperm.xlane v0, v13  }
0x293: {  	v14 =	vld [tilespmem:s13+$0x80];
	v16 =	vperm.xlane v0, v16;
	vm4 =	veq.s32 v4, $0x1  }
0x294: {  	s12 =	simm.s32 $0xF800;
	s18 =	simm.s32 $0x2;
	v4 =	vld [tilespmem:s13+$0xFFFFFF00];
	vm5 =	veq.s32 v39, $0x1;
	v1 =	vsel vm4, v2, v1  }
0x295: {  	s8 =	sand.u32 $0xA, s18;
	vm3 =	veq.s32 v16, $0x1;
	v2 =	vld [tilespmem:s13+$0xFFFFFF40];
	v3 =	vsel vm5, v5, v3;
	[tilespmem:s12+$0x180] =	vst v1  }
0x296: {  	v9 =	vsel vm3, v10, v9;
	[tilespmem:s12+$0xFFFFFE00] =	vst v3;
	v3 =	vmov s8;
	v1 =	vld [tilespmem:s13+$0x190]  }
0x297: {  	[tilespmem:s12+$0xFFFFFF80] =	vst v9;
	v8 =	vld [tilespmem:s13+$0x1D0];
	v3 =	vperm.xlane v0, v3  }
0x298: {  	v48 =	vld [tilespmem:s13+$0xFFFFFF90]  }
0x299: {  	v49 =	vld [tilespmem:s13+$0xFFFFFFD0];
	vm7 =	veq.s32 v3, $0x1  }
0x29a: {  	v40 =	vld [tilespmem:s13+$0xC0];
	v2 =	vsel vm7, v2, v4  }
0x29b: {  	v5 =	vld [tilespmem:s13+$0x100];
	[tilespmem:s12+$0xFFFFFF00] =	vst v2  }
0x29c: {  	s9 =	simm.s32 $0x1;
	v1 =	vsel vm4, v8, v1;
	v45 =	vld [tilespmem:s13+$0xFFFFFF10]  }
0x29d: {  	s15 =	sand.u32 $0x9, s9;
	v46 =	vld [tilespmem:s13+$0xFFFFFF50];
	[tilespmem:s12+$0x190] =	vst v1  }
0x29e: {  	v9 =	vsel vm3, v49, v48;
	v1 =	vmov s15;
	v15 =	vld [tilespmem:s13+$0x1A0]  }
0x29f: {  	[tilespmem:s12+$0xFFFFFF90] =	vst v9;
	v1 =	vperm.xlane v0, v1;
	v41 =	vld [tilespmem:s13+$0x1E0]  }
0x2a0: {  	s18 =	simm.s32 $0x5;
	v57 =	vld [tilespmem:s13+$0xFFFFFFA0]  }
0x2a1: {  	s19 =	sand.u32 $0xD, s18;
	vm6 =	veq.s32 v1, $0x1;
	v1 =	vld [tilespmem:s13+$0x140]  }
0x2a2: {  	s23 =	simm.s32 $0x4;
	s22 =	simm.s32 $0x6;
	v44 =	vmov s19;
	v6 =	vsel vm6, v7, v6;
	v7 =	vld [tilespmem:s13+$0xFFFFFE10]  }
0x2a3: {  	v16 =	vperm.xlane v0, v44;
	s15 =	sand.u32 $0xC, s23;
	s23 =	sand.u32 $0xE, s22;
	[tilespmem:s12+$0xFFFFFE80] =	vst v6;
	v6 =	vld [tilespmem:s13+$0xFFFFFE50]  }
0x2a4: {  	v43 =	vmov s15;
	v47 =	vmov s23;
	v8 =	vsel vm4, v41, v15;
	v42 =	vld [tilespmem:s13+$0xFFFFFE90]  }
0x2a5: {  	vm1 =	veq.s32 v16, $0x1;
	v3 =	vld [tilespmem:s13+$0xFFFFFED0];
	[tilespmem:s12+$0x1A0] =	vst v8;
	v8 =	vperm.xlane v0, v43;
	v0 =	vperm.xlane v0, v47  }
0x2a6: {  	v50 =	vsel vm1, v40, v14;
	v4 =	vld [tilespmem:s13+$0x1B0]  }
0x2a7: {  	[tilespmem:s12+$0x80] =	vst v50;
	v2 =	vld [tilespmem:s13+$0x1F0];
	vm2 =	veq.s32 v8, $0x1;
	vm0 =	veq.s32 v0, $0x1;
	v8 =	vsel vm7, v46, v45  }
0x2a8: {  	v1 =	vsel vm0, v1, v5;
	v5 =	vld [tilespmem:s13+$0x90];
	[tilespmem:s12+$0xFFFFFF10] =	vst v8  }
0x2a9: {  	[tilespmem:s12+$0x100] =	vst v1;
	v1 =	vld [tilespmem:s13+$0xD0]  }
0x2aa: {  	v11 =	vsel vm2, v12, v11;
	v55 =	vld [tilespmem:s13+$0xFFFFFF20]  }
0x2ab: {  	[tilespmem:s12+$0x0] =	vst v11;
	v56 =	vld [tilespmem:s13+$0xFFFFFF60]  }
0x2ac: {  	v51 =	vld [tilespmem:s13+$0x10]  }
0x2ad: {  	v0 =	vld [tilespmem:s13+$0x50]  }
0x2ae: {  	v6 =	vsel vm5, v6, v7;
	v7 =	vld [tilespmem:s13+$0x110]  }
0x2af: {  	[tilespmem:s12+$0xFFFFFE10] =	vst v6;
	v6 =	vld [tilespmem:s13+$0x150]  }
0x2b0: {  	v3 =	vsel vm6, v3, v42;
	v52 =	vld [tilespmem:s13+$0xFFFFFE20]  }
0x2b1: {  	[tilespmem:s12+$0xFFFFFE90] =	vst v3;
	v3 =	vld [tilespmem:s13+$0xFFFFFE60]  }
0x2b2: {  	v53 =	vld [tilespmem:s13+$0xFFFFFEA0];
	v1 =	vsel vm1, v1, v5  }
0x2b3: {  	v54 =	vld [tilespmem:s13+$0xFFFFFEE0];
	v0 =	vsel vm2, v0, v51;
	[tilespmem:s12+$0x90] =	vst v1  }
0x2b4: {  	v9 =	vsel vm7, v56, v55;
	[tilespmem:s12+$0x10] =	vst v0;
	v0 =	vld [tilespmem:s13+$0xFFFFFFE0]  }
0x2b5: {  	v6 =	vsel vm0, v6, v7;
	[tilespmem:s12+$0xFFFFFF20] =	vst v9;
	v7 =	vld [tilespmem:s13+$0xA0]  }
0x2b6: {  	[tilespmem:s12+$0x110] =	vst v6;
	v6 =	vld [tilespmem:s13+$0xE0]  }
0x2b7: {  	v63 =	vld [tilespmem:s13+$0xFFFFFF30]  }
0x2b8: {  	v5 =	vld [tilespmem:s13+$0x20]  }
0x2b9: {  	v1 =	vld [tilespmem:s13+$0x60]  }
0x2ba: {  	v3 =	vsel vm5, v3, v52;
	v58 =	vld [tilespmem:s13+$0x120]  }
0x2bb: {  	[tilespmem:s12+$0xFFFFFE20] =	vst v3;
	v3 =	vld [tilespmem:s13+$0x160]  }
0x2bc: {  	v8 =	vsel vm6, v54, v53;
	v59 =	vld [tilespmem:s13+$0xFFFFFE30]  }
0x2bd: {  	[tilespmem:s12+$0xFFFFFEA0] =	vst v8;
	v60 =	vld [tilespmem:s13+$0xFFFFFE70]  }
0x2be: {  	v2 =	vsel vm4, v2, v4;
	v61 =	vld [tilespmem:s13+$0xFFFFFEB0]  }
0x2bf: {  	[tilespmem:s12+$0x1B0] =	vst v2;
	v62 =	vld [tilespmem:s13+$0xFFFFFEF0];
	v0 =	vsel vm3, v0, v57  }
0x2c0: {  	[tilespmem:s12+$0xFFFFFFA0] =	vst v0;
	v0 =	vsel vm2, v1, v5;
	v5 =	vld [tilespmem:s13+$0xFFFFFF70]  }
0x2c1: {  	[tilespmem:s12+$0x20] =	vst v0;
	v0 =	vsel vm1, v6, v7;
	v2 =	vld [tilespmem:s13+$0xFFFFFFB0]  }
0x2c2: {  	v4 =	vld [tilespmem:s13+$0xFFFFFFF0];
	[tilespmem:s12+$0xA0] =	vst v0;
	v0 =	vsel vm0, v3, v58  }
0x2c3: {  	v1 =	vld [tilespmem:s13+$0x30];
	[tilespmem:s12+$0x120] =	vst v0;
	v0 =	vsel vm5, v60, v59  }
0x2c4: {  	v3 =	vld [tilespmem:s13+$0x70];
	[tilespmem:s12+$0xFFFFFE30] =	vst v0;
	v0 =	vsel vm6, v62, v61  }
0x2c5: {  	s15 =	simm.s32 $0x20;
	[tilespmem:s12+$0xFFFFFEB0] =	vst v0;
	v5 =	vsel vm7, v5, v63;
	v0 =	vld [tilespmem:s13+$0xB0]  }
.LBB2_21:
0x2c6: {  	s8 =	sand.u32 $0x3C0, s15;
	[tilespmem:s12+$0xFFFFFF30] =	vst v5;
	v5 =	vld [tilespmem:s13+$0xF0];
	s9 =	smov.u32 s14;
	s14 =	sadd.s32 $0x8, s14  }
0x2c7: {  	s8 =	sshrl.u32 s8, $0x2;
	s18 =	sadd.s32 $0x9, s9;
	s19 =	sadd.s32 $0xA, s9;
	v2 =	vsel vm3, v4, v2;
	v4 =	vld [tilespmem:s13+$0x130]  }
0x2c8: {  	s22 =	sand.u32 $0x8, s14;
	s23 =	sadd.s32 $0xC, s9;
	v6 =	vld [tilespmem:s8+$0x500];
	s8 =	sadd.s32 $0xB, s9;
	[tilespmem:s12+$0xFFFFFFB0] =	vst v2  }
0x2c9: {  	v2 =	vmov s22;
	s18 =	sand.u32 $0x9, s18;
	s19 =	sand.u32 $0xA, s19;
	v1 =	vsel vm2, v3, v1;
	v3 =	vld [tilespmem:s13+$0x170];
	s13 =	sadd.s32 $0x400, s13  }
0x2ca: {  	v7 =	vmov s18;
	v8 =	vmov s19;
	s8 =	sand.u32 $0xB, s8;
	s18 =	sand.u32 $0xC, s23;
	s19 =	sadd.s32 $0xD, s9;
	v9 =	vld [tilespmem:s13+$0x180];
	[tilespmem:s12+$0x30] =	vst v1  }
0x2cb: {  	v1 =	vmov s8;
	v10 =	vmov s18;
	s8 =	sand.u32 $0xD, s19;
	s18 =	sadd.s32 $0xE, s9;
	s9 =	sadd.s32 $0xF, s9;
	v11 =	vld [tilespmem:s13+$0x1C0];
	v0 =	vsel vm1, v5, v0  }
0x2cc: {  	p2 =	slt.u32 s14, $0x98;
	v12 =	vmov s8;
	s8 =	sand.u32 $0xE, s18;
	v13 =	vmov s9;
	v5 =	vld [tilespmem:s13+$0xFFFFFE00];
	[tilespmem:s12+$0xB0] =	vst v0  }
0x2cd: {  	v14 =	vmov s8;
	v0 =	vperm.xlane v6, v2;
	v2 =	vld [tilespmem:s13+$0xFFFFFE40];
	v13 =	vperm.xlane v6, v13  }
0x2ce: {  	v7 =	vperm.xlane v6, v7;
	v8 =	vperm.xlane v6, v8;
	v15 =	vld [tilespmem:s13+$0xFFFFFE80];
	v3 =	vsel vm0, v3, v4  }
0x2cf: {  	v1 =	vperm.xlane v6, v1;
	v10 =	vperm.xlane v6, v10;
	v4 =	vld [tilespmem:s13+$0xFFFFFEC0];
	vm7 =	veq.s32 v13, $0x1;
	[tilespmem:s12+$0x130] =	vst v3  }
0x2d0: {  	v12 =	vperm.xlane v6, v12;
	v6 =	vperm.xlane v6, v14;
	s12 =	sadd.s32 $0x400, s12;
	v3 =	vld [tilespmem:s13+$0xFFFFFF00];
	v9 =	vsel vm7, v11, v9  }
0x2d1: {  	vm6 =	veq.s32 v0, $0x1;
	vm5 =	veq.s32 v7, $0x1;
	vm4 =	veq.s32 v8, $0x1;
	v0 =	vld [tilespmem:s13+$0xFFFFFF40];
	[tilespmem:s12+$0x180] =	vst v9  }
0x2d2: {  	vm3 =	veq.s32 v1, $0x1;
	vm2 =	veq.s32 v10, $0x1;
	vm1 =	veq.s32 v12, $0x1;
	v1 =	vld [tilespmem:s13+$0x190]  }
0x2d3: {  	vm0 =	veq.s32 v6, $0x1;
	v2 =	vsel vm6, v2, v5;
	v5 =	vld [tilespmem:s13+$0x1D0]  }
0x2d4: {  	[tilespmem:s12+$0xFFFFFE00] =	vst v2;
	v2 =	vsel vm5, v4, v15;
	v4 =	vld [tilespmem:s13+$0xFFFFFF80]  }
0x2d5: {  	[tilespmem:s12+$0xFFFFFE80] =	vst v2;
	v2 =	vld [tilespmem:s13+$0xFFFFFFC0]  }
0x2d6: {  	v0 =	vsel vm4, v0, v3;
	v3 =	vld [tilespmem:s13+$0x0]  }
0x2d7: {  	[tilespmem:s12+$0xFFFFFF00] =	vst v0;
	v0 =	vld [tilespmem:s13+$0x40]  }
0x2d8: {  	v6 =	vld [tilespmem:s13+$0x80];
	v1 =	vsel vm7, v5, v1  }
0x2d9: {  	v5 =	vld [tilespmem:s13+$0xC0];
	[tilespmem:s12+$0x190] =	vst v1  }
0x2da: {  	v1 =	vsel vm3, v2, v4;
	v2 =	vld [tilespmem:s13+$0x1A0]  }
0x2db: {  	[tilespmem:s12+$0xFFFFFF80] =	vst v1;
	v1 =	vld [tilespmem:s13+$0x1E0]  }
0x2dc: {  	v0 =	vsel vm2, v0, v3;
	v3 =	vld [tilespmem:s13+$0x100]  }
0x2dd: {  	[tilespmem:s12+$0x0] =	vst v0;
	v0 =	vld [tilespmem:s13+$0x140]  }
0x2de: {  	v4 =	vld [tilespmem:s13+$0xFFFFFE10];
	v5 =	vsel vm1, v5, v6  }
0x2df: {  	v6 =	vld [tilespmem:s13+$0xFFFFFE50];
	[tilespmem:s12+$0x80] =	vst v5  }
0x2e0: {  	v5 =	vld [tilespmem:s13+$0xFFFFFE90];
	v1 =	vsel vm7, v1, v2  }
0x2e1: {  	v2 =	vld [tilespmem:s13+$0xFFFFFED0];
	[tilespmem:s12+$0x1A0] =	vst v1  }
0x2e2: {  	v0 =	vsel vm0, v0, v3;
	v1 =	vld [tilespmem:s13+$0x1B0]  }
0x2e3: {  	[tilespmem:s12+$0x100] =	vst v0;
	v0 =	vld [tilespmem:s13+$0x1F0]  }
0x2e4: {  	v3 =	vsel vm6, v6, v4;
	v4 =	vld [tilespmem:s13+$0xFFFFFF10]  }
0x2e5: {  	[tilespmem:s12+$0xFFFFFE10] =	vst v3;
	v3 =	vld [tilespmem:s13+$0xFFFFFF50]  }
0x2e6: {  	v2 =	vsel vm5, v2, v5;
	v5 =	vld [tilespmem:s13+$0xFFFFFF90]  }
0x2e7: {  	[tilespmem:s12+$0xFFFFFE90] =	vst v2;
	v2 =	vld [tilespmem:s13+$0xFFFFFFD0]  }
0x2e8: {  	v6 =	vld [tilespmem:s13+$0x10];
	v0 =	vsel vm7, v0, v1  }
0x2e9: {  	v1 =	vld [tilespmem:s13+$0x50];
	[tilespmem:s12+$0x1B0] =	vst v0  }
0x2ea: {  	v0 =	vsel vm4, v3, v4;
	v3 =	vld [tilespmem:s13+$0x90]  }
0x2eb: {  	[tilespmem:s12+$0xFFFFFF10] =	vst v0;
	v0 =	vld [tilespmem:s13+$0xD0]  }
0x2ec: {  	v2 =	vsel vm3, v2, v5;
	v4 =	vld [tilespmem:s13+$0x110]  }
0x2ed: {  	[tilespmem:s12+$0xFFFFFF90] =	vst v2;
	v2 =	vld [tilespmem:s13+$0x150]  }
0x2ee: {  	v5 =	vld [tilespmem:s13+$0xFFFFFE20];
	v1 =	vsel vm2, v1, v6  }
0x2ef: {  	v6 =	vld [tilespmem:s13+$0xFFFFFE60];
	[tilespmem:s12+$0x10] =	vst v1  }
0x2f0: {  	v1 =	vld [tilespmem:s13+$0xFFFFFEA0];
	v0 =	vsel vm1, v0, v3  }
0x2f1: {  	v3 =	vld [tilespmem:s13+$0xFFFFFEE0];
	[tilespmem:s12+$0x90] =	vst v0  }
0x2f2: {  	v0 =	vld [tilespmem:s13+$0xFFFFFF20];
	v2 =	vsel vm0, v2, v4  }
0x2f3: {  	v4 =	vld [tilespmem:s13+$0xFFFFFF60];
	[tilespmem:s12+$0x110] =	vst v2  }
0x2f4: {  	v2 =	vsel vm6, v6, v5;
	v5 =	vld [tilespmem:s13+$0xFFFFFFA0]  }
0x2f5: {  	[tilespmem:s12+$0xFFFFFE20] =	vst v2;
	v2 =	vld [tilespmem:s13+$0xFFFFFFE0]  }
0x2f6: {  	v1 =	vsel vm5, v3, v1;
	v3 =	vld [tilespmem:s13+$0x20]  }
0x2f7: {  	[tilespmem:s12+$0xFFFFFEA0] =	vst v1;
	v1 =	vld [tilespmem:s13+$0x60]  }
0x2f8: {  	v0 =	vsel vm4, v4, v0;
	v4 =	vld [tilespmem:s13+$0xA0]  }
0x2f9: {  	[tilespmem:s12+$0xFFFFFF20] =	vst v0;
	v0 =	vld [tilespmem:s13+$0xE0]  }
0x2fa: {  	v2 =	vsel vm3, v2, v5;
	v5 =	vld [tilespmem:s13+$0x120]  }
0x2fb: {  	[tilespmem:s12+$0xFFFFFFA0] =	vst v2;
	v2 =	vld [tilespmem:s13+$0x160]  }
0x2fc: {  	v6 =	vld [tilespmem:s13+$0xFFFFFE30];
	v1 =	vsel vm2, v1, v3  }
0x2fd: {  	v3 =	vld [tilespmem:s13+$0xFFFFFE70];
	[tilespmem:s12+$0x20] =	vst v1  }
0x2fe: {  	v1 =	vld [tilespmem:s13+$0xFFFFFEB0];
	v0 =	vsel vm1, v0, v4  }
0x2ff: {  	v7 =	vld [tilespmem:s13+$0xFFFFFEF0];
	[tilespmem:s12+$0xA0] =	vst v0  }
0x300: {  	v0 =	vld [tilespmem:s13+$0xFFFFFF30];
	v2 =	vsel vm0, v2, v5  }
0x301: {  	v5 =	vld [tilespmem:s13+$0xFFFFFF70];
	[tilespmem:s12+$0x120] =	vst v2  }
.Ltmp13:
0x302: {  	v3 =	vsel vm6, v3, v6;
	v2 =	vld [tilespmem:s13+$0xFFFFFFB0];
	(pc) =	sbr.rel @p2 .LBB2_21-.Ltmp13, $4  }
0x303: {  	[tilespmem:s12+$0xFFFFFE30] =	vst v3;
	v4 =	vld [tilespmem:s13+$0xFFFFFFF0]  }
0x304: {  	v3 =	vsel vm5, v7, v1;
	v1 =	vld [tilespmem:s13+$0x30]  }
0x305: {  	[tilespmem:s12+$0xFFFFFEB0] =	vst v3;
	v3 =	vld [tilespmem:s13+$0x70]  }
0x306: {  	s15 =	sadd.s32 $0x20, s15;
	v5 =	vsel vm4, v5, v0;
	v0 =	vld [tilespmem:s13+$0xB0]  }
0x307: {  	v6 =	vld [tilespmem:s13+$0xF0]  }
0x308: {  	v7 =	vld [tilespmem:s13+$0x130]  }
0x309: {  	v8 =	vld [tilespmem:s13+$0x170];
	_ =	sdelay $0x1  }
0x30a: {  	[tilespmem:s12+$0xFFFFFF30] =	vst v5;
	v2 =	vsel vm3, v4, v2  }
.Ltmp14:
0x30b: {  	[tilespmem:s12+$0xFFFFFFB0] =	vst v2;
	v1 =	vsel vm2, v3, v1;
	(pc) =	sbr.rel @p0 .LBB2_26-.Ltmp14, $4  }
0x30c: {  	s8 =	sadd.s32 s11, s7;
	[tilespmem:s12+$0x30] =	vst v1;
	v0 =	vsel vm1, v6, v0  }
0x30d: {  	s8 =	sshll.u32 s8, $0x4;
	v63 =	vsel vm0, v8, v7;
	[tilespmem:s12+$0xB0] =	vst v0  }
0x30e: {  	s8 =	sadd.s32 s6, s8;
	[tilespmem:s12+$0x130] =	vst v63  }
0x30f: {  	[hbm4b:s8+s3] =	stream.linear.scatter [tilespmem:s31], [sflag:$0x6], $0x5000, $0x38;
	[tilespmem:$0x14600] =	vst v63  }
0x310: {  	_ =	swait.ge [sflag:s24], $0xA0  }
0x311: {  	[sflag:s24] =	ssyncset.done $0x0  }
0x312: {  	s12 =	simm.s32 $0x0;
	p0 =	por $0x1, $0x1;
	[sflag:s24] =	ssyncadd.s32 $0xFFFFFF60  }
.LBB2_24:
0x313: {  	v0 =	vld [tilespmem:s12+$0x100];
	_ =	sdelay $0x1  }
0x314: {  	v55 =	vld [tilespmem:s12+$0x110];
	_ =	sdelay $0x1  }
0x315: {  	v58 =	vld [tilespmem:s12+$0x120]  }
0x316: {  	v1 =	vshrl.u32 v0, $0x1F  }
0x317: {  	v61 =	vld [tilespmem:s12+$0x130];
	v1 =	vadd.s32 v1, v0  }
0x318: {  	v2 =	vshrl.u32 v0, $0x1;
	v56 =	vshrl.u32 v55, $0x1F;
	v1 =	vand.u32 $0xFFFFFFFE, v1  }
0x319: {  	v57 =	vshrl.u32 v55, $0x1;
	[tilespmem:s12+$0x300] =	vst v2;
	v0 =	vsub.s32 v0, v1;
	v1 =	vadd.s32 v56, v55  }
0x31a: {  	v59 =	vshrl.u32 v58, $0x1F;
	[tilespmem:s12+$0x310] =	vst v57;
	v1 =	vand.u32 $0xFFFFFFFE, v1  }
0x31b: {  	p2 =	por p0, p0;
	v60 =	vshrl.u32 v58, $0x1;
	[tilespmem:s12+$0x500] =	vst v0;
	v0 =	vsub.s32 v55, v1;
	v1 =	vadd.s32 v59, v58  }
.Ltmp15:
0x31c: {  	v62 =	vshrl.u32 v61, $0x1F;
	[tilespmem:s12+$0x320] =	vst v60;
	v1 =	vand.u32 $0xFFFFFFFE, v1;
	(pc) =	sbr.rel @p2 .LBB2_24-.Ltmp15, $4  }
0x31d: {  	v63 =	vshrl.u32 v61, $0x1;
	[tilespmem:s12+$0x510] =	vst v0;
	v0 =	vsub.s32 v58, v1;
	v1 =	vadd.s32 v62, v61  }
0x31e: {  	[tilespmem:s12+$0x330] =	vst v63;
	v1 =	vand.u32 $0xFFFFFFFE, v1  }
0x31f: {  	[tilespmem:s12+$0x520] =	vst v0;
	v0 =	vsub.s32 v61, v1  }
0x320: {  	p0 =	por $0x0, $0x0;
	[tilespmem:s12+$0x530] =	vst v0;
	s12 =	simm.s32 $0x40  }
0x321: {  	v0 =	vld [tilespmem:$0x180]  }
0x322: {  	v1 =	vld [tilespmem:$0x190];
	_ =	sdelay $0x3  }
0x323: {  	v2 =	vshrl.u32 v0, $0x1F  }
0x324: {  	v3 =	vshrl.u32 v0, $0x1;
	v4 =	vshrl.u32 v1, $0x1F;
	v2 =	vadd.s32 v2, v0  }
.Ltmp16:
0x325: {  	v62 =	vshrl.u32 v1, $0x1;
	[tilespmem:$0x380] =	vst v3;
	v61 =	vadd.s32 v4, v1;
	v2 =	vand.u32 $0xFFFFFFFE, v2;
	(pc) =	sbr.rel .LBB2_26-.Ltmp16, $4  }
0x326: {  	[tilespmem:$0x390] =	vst v62;
	v0 =	vsub.s32 v0, v2;
	v2 =	vand.u32 $0xFFFFFFFE, v61  }
0x327: {  	[tilespmem:$0x580] =	vst v0;
	v63 =	vsub.s32 v1, v2  }
0x328: {  	[tilespmem:$0x590] =	vst v63  }
0x329: {  	[tilespmem:s26], [sflag:$0x4] =	stream.indirect.gather [hbm4b:s5+s21], $0x80, s25, s21, $0xb8;
	[tilespmem:$0x14600] =	vst v63  }
.LBB2_28:
0x32a: {  	_ =	sfence.sel $0x180000  }
0x32b: {  	[bflag:$0x0] =	sbarrier.arrive $0xFFFF  }
0x32c: {  	_ =	strace $0x90000047  }
0x32d: {  	s0 =	stileid.u32;
	[bflag:$0x2] =	sbarrier.arrive $0xFFFF  }
0x32e: {  	p0 =	sne.s32 s0, $0x0;
	s0 =	rddreg [dreg:$0x2]  }
0x32f: {  	s0 =	sadd.s32 @!p0 $0x100000, s0  }
0x330: {  	[sflag:s0] =	ssyncadd.tile.s32 @!p0 $0x1;
	_ =	shalt  }
.Lfunc_end2:
_tile_overlayer_lowered:
.L_overlay_start_2:
0x331: {  	(tag) =	ssettag $0x2  }
0x332: {  	s0 =	rddreg [dreg:$0x0];
	s2 =	stileid.u32  }
0x333: {  	s1 =	rddreg [dreg:$0x1];
	p0 =	sne.s32 s2, $0x0  }
0x334: {  	s3 =	rddreg [dreg:$0x2];
	[bflag:$0x3] =	sbarrier.arrive $0xFFFF;
	s2 =	simm.s32 @!p0 $0x1C07  }
0x335: {  	[timem:s3], [sflag:s2] =	dma.local @!p0 [hbm:s0], s1  }
0x336: {  	s0 =	simm.s32 @!p0 $0x7  }
0x337: {  	_ =	swait.ge @!p0 [sflag:s0], s1  }
0x338: {  	s1 =	ssub.s32 @!p0 $0x0, s1;
	[sflag:s0] =	ssyncset.done @!p0 $0x0  }
0x339: {  	[sflag:s0] =	ssyncadd.s32 @!p0 s1  }
0x33a: {  	[bflag:$0x3] =	sbarrier.arrive $0xFFFF  }
0x33b: {  	_ =	shalt  }

// kernel: sparse-core-data-format-call.cloned.1.call-start
scs
called_computation_lowered:
.L_overlay_start_0:
0x0: {  	s2 =	sld [smem:$0x3FD9]  }
0x1: {  	s3 =	sld [smem:$0x3FFE];
	_ =	sdelay $0x1  }
0x2: {  	s1 =	srdreg.scid  }
0x3: {  	s0 =	sand.u32 $0x1, s1  }
0x4: {  	s18 =	sshll.u32 s0, $0xA;
	s2 =	sadd.s32 s3, s2  }
0x5: {  	s2 =	sadd.s32 s2, s18  }
0x6: {  	[smem:$0x3FC6] =	sst s2  }
0x7: {  	_ = 	snop  }
0x8: {  	s2 =	sld [smem:$0x3FD0];
	(tm) =	ssettm $0x1  }
0x9: {  	s19 =	sld [smem:$0x3FFB];
	_ =	sdelay $0x3  }
0xa: {  	_ =	strace s19  }
0xb: {  	s3 =	sld [smem:$0x3FFC];
	_ =	sdelay $0x3  }
0xc: {  	_ =	strace s3  }
0xd: {  	s3 =	sld [smem:$0x3FFD];
	_ =	sdelay $0x3  }
0xe: {  	_ =	strace s3  }
0xf: {  	_ =	strace $0x8FFFFFFF  }
0x10: {  	s20 =	sld [smem:$0x3FDB];
	_ =	sdelay $0x1  }
0x11: {  	s4 =	simm.s32 $_scs_section_size  }
0x12: {  	s5 =	simm.s32 $_size__tile_overlayer_lowered;
	s6 =	simm.s32 $_tile_overlayer_lowered  }
0x13: {  	s23 =	simm.s32 $0x1BFF;
	s22 =	sshll.u32 s6, $0x1;
	s3 =	sadd.s32 s4, s20  }
0x14: {  	s7 =	simm.s32 $0x0;
	s21 =	sshll.u32 s5, $0x1;
	s5 =	sadd.s32 s22, s3  }
0x15: {  	[timem:s7], [sflag:s23] =	dma.local [hbm:s5], s21  }
0x16: {  	_ =	swait.ge [sflag:s23], s21  }
0x17: {  	s4 =	ssub.s32 $0x0, s21;
	[sflag:s23] =	ssyncset.done $0x0  }
0x18: {  	[sflag:s23] =	ssyncadd.s32 s4;
	_ =	sdelay $0x1  }
0x19: {  	s24 =	simm.s32 $0x1B8B  }
0x1a: {  	_ =	swait.ge [sflag:s24], $0x1  }
0x1b: {  	[sflag:s24] =	ssyncset.done $0x0  }
0x1c: {  	s26 =	simm.s32 $0x1B8E;
	s25 =	sld [smem:$0x3FFE];
	[sflag:s24] =	ssyncadd.s32 $0xFFFFFFFF  }
0x1d: {  	s27 =	simm.s32 $execute0_lowered;
	[smem:$0x3FD2] =	sst s26  }
0x1e: {  	s5 =	sshll.u32 s27, $0x1;
	_ =	strace $0x80000049;
	[dreg:$0x1] =	wrdreg $0xFFFFFFFF  }
0x1f: {  	s28 =	simm.s32 $_size_execute0_lowered;
	s3 =	sadd.s32 s3, s5;
	[dreg:$0x0] =	wrdreg $0x0  }
0x20: {  	s5 =	sshll.u32 s28, $0x1;
	[dreg:$0x2] =	wrdreg s3  }
0x21: {  	[dreg:$0x3] =	wrdreg s5  }
0x22: {  	[dreg:$0x4] =	wrdreg $0xC0  }
0x23: {  	_ =	task [dreg:s7], $0x5FFFF  }
0x24: {  	[dreg:$0x1] =	wrdreg $0xFFFFFFFF  }
0x25: {  	[dreg:$0x0] =	wrdreg $0x60  }
0x26: {  	[dreg:$0x2] =	wrdreg s25  }
0x27: {  	[dreg:$0x3] =	wrdreg s2  }
0x28: {  	[dreg:$0x4] =	wrdreg $0x9  }
0x29: {  	_ =	task.clear_ibuf [dreg:s7], $0x5FFFF;
	_ =	strace $0x90000049  }
0x2a: {  	s29 =	simm.s32 $0x9;
	_ =	strace $0x8000004B  }
0x2b: {  	_ =	swait.ge [sflag:s29], $0x1  }
0x2c: {  	[sflag:s29] =	ssyncadd.s32 $0xFFFFFFFF  }
0x2d: {  	_ =	strace $0x9000004B  }
0x2e: {  	_ =	sfence  }
0x2f: {  	s30 =	sld [smem:$0x0];
	_ =	sdelay $0x2  }
0x30: {  	s31 =	sshll.u32 s1, $0xD;
	s1 =	sshrl.u32 s1, $0x2  }
0x31: {  	s3 =	sand.u32 $0x4000, s31;
	s1 =	sadd.s32 s1, s30  }
0x32: {  	s0 =	sor.u32 s3, s0;
	s1 =	sshll.u32 s1, $0x11  }
0x33: {  	s0 =	sor.u32 s1, s0  }
0x34: {  	s0 =	sadd.s32 $0x8F2B, s0  }
0x35: {  	[sflag:s0] =	ssyncadd.remote.s32 $0x1  }
0x36: {  	_ =	sfence.sel $0xFFFF  }
0x37: {  	[dreg:$0x0] =	wrdreg $0xFFFFFFFF;
	(pc) =	sbr.abs _section_cstart, $3  }
0x38: {  	[dreg:$0x1] =	wrdreg $0xFFFFFFFF  }
0x39: {  	_ =	task.clear_ibuf [dreg:s7], $0x2FFFF;
	_ =	strace $0x9FFFFFFF  }
0x3a: {  	(tm) =	ssettm $0x7FFFFFFF  }
0x3b: {  	_ =	shalt  }
tec
execute0_lowered:
.L_overlay_start_1:
0x0: {  	(tag) =	ssettag $0x1  }
0x1: {  	s0 =	srdreg.scid  }
0x2: {  	s1 =	sshll.u32 s0, $0x4  }
0x3: {  	s0 =	stileid.u32;
	s1 =	sand.u32 $0x10, s1  }
0x4: {  	s1 =	sor.u32 s0, s1  }
0x5: {  	s6 =	rddreg [dreg:$0x0];
	s4 =	simm.s32 $0x1;
	s2 =	sshll.u32 s1, $0x7  }
0x6: {  	s7 =	simm.s32 $0x2;
	s12 =	simm.s32 $0x0;
	s1 =	ssub.s32 $0x1000, s2  }
0x7: {  	s8 =	simm.s32 $0x8000;
	s13 =	simm.s32 $0x0;
	s3 =	sand.u32 $0xF80, s1  }
0x8: {  	s9 =	simm.s32 $0x0;
	s5 =	sshrl.u32 s1, $0xC;
	p0 =	sne.s32 s3, $0x0  }
.Ltmp0:
0x9: {  	s1 =	rddreg [dreg:$0x2];
	s4 =	simm.s32 @!p0 $0x0;
	(pc) =	sbr.rel .LBB1_1-.Ltmp0, $4  }
0xa: {  	s11 =	simm.s32 $0x0;
	s3 =	rddreg [dreg:$0x1];
	s5 =	sadd.s32 s4, s5  }
0xb: {  	_ =	strace $0x8000004A;
	s4 =	simm.s32 $0x1;
	s5 =	smul.u32 $0xC8, s5  }
0xc: {  	s6 =	sadd.s32 $0xA00, s6;
	s10 =	smov.u32 s2;
	[sflag:s4] =	ssyncpa.u1 $0x0  }
0xd: {  	p0 =	por $0x0, $0x0;
	[sflag:s7] =	ssyncpa.u1 $0x0;
	s7 =	sor.u32 $0x1, s5  }
.LBB1_4:
0xe: {  	s16 =	sshll.u32 s13, $0x3;
	s17 =	sand.u32 $0x78, s13  }
0xf: {  	s30 =	sand.u32 $0x7E00, s13;
	s12 =	sshll.u32 s12, $0xF;
	s16 =	sand.u32 $0xC00, s16  }
0x10: {  	[tilespmem:s15+$0x810 ss:$0x81] =	vst.msk $0xffff, v2;
	s31 =	sand.u32 $0x7, s13;
	s16 =	sor.u32 s17, s16;
	s17 =	sadd.s32 s3, s30  }
0x11: {  	[tilespmem:s15+$0x1020 ss:$0x81] =	vst.msk $0xffff, v0;
	s13 =	sshll.u32 s31, $0x12;
	s12 =	sadd.s32 s12, s17;
	s16 =	sshrl.u32 s16, $0x3  }
0x12: {  	[tilespmem:s15+$0x0 ss:$0x81] =	vst.msk $0xffff, v1;
	s13 =	sor.u32 $0x400, s13;
	s12 =	sadd.s32 s16, s12  }
0x13: {  	[hbm4b:s12+s13] =	stream.strided.scatter [tilespmem:s14], [sflag:$0x2], $0x2000, s8, s13, $0x20;
	[tilespmem:$0x8080] =	vst v63  }
.LBB1_5:
0x14: {  	s14 =	sadd.s32 $0x1, s9  }
0x15: {  	s12 =	sadd.s32 $0x1000, s10;
	s16 =	smov.u32 s10;
	p2 =	sgt.s32 s14, $0xC7  }
0x16: {  	s16 =	smov.u32 @p2 s12  }
0x17: {  	s14 =	simm.s32 @p2 $0x0;
	p2 =	sgt.s32 s16, $0xFFF  }
0x18: {  	s16 =	smov.u32 @p2 s2;
	p2 =	sne.s32 s11, s7  }
.Ltmp1:
0x19: {  	p1 =	slt.u32 s11, $0x2;
	(pc) =	sbr.rel @!p2 .LBB1_6-.Ltmp1, $4  }
0x1a: {  	s15 =	simm.s32 @!p1 $0x2  }
0x1b: {  	s13 =	smov.u32 s10;
	p0 =	por !p0, !p0;
	_ =	swait.ge @!p1 [sflag:s15], $0x2000  }
0x1c: {  	s12 =	smov.u32 s9;
	[sflag:s15] =	ssyncset.done @!p1 $0x0;
	s9 =	smov.u32 s14  }
0x1d: {  	s11 =	sadd.s32 $0x1, s11;
	[sflag:s15] =	ssyncadd.s32 @!p1 $0xFFFFE000;
	s10 =	smov.u32 s16  }
.LBB1_1:
0x1e: {  	p1 =	sge.u32 s11, s5  }
0x1f: {  	s14 =	sand.u32 @!p1 $0x1FFFFFF, s9  }
0x20: {  	s15 =	smulhi.u32 @!p1 $0x147AE15, s14;
	_ =	sdelay $0x1  }
0x21: {  	s15 =	smul.u32 @!p1 $0xC8, s15  }
0x22: {  	s16 =	sxor.u32 @!p1 $0xFFFFFFFF, s11;
	s17 =	smul.u32 @!p1 $0xC80, s10  }
0x23: {  	s31 =	sadd.s32 $0xFFFFFFFF, s11;
	s16 =	sshll.u32 @!p1 s16, $0xD;
	s14 =	ssub.s32 @!p1 s14, s15  }
0x24: {  	s15 =	sand.u32 @!p1 $0x2000, s16;
	s16 =	sadd.s32 @!p1 s6, s17;
	s14 =	sshll.u32 @!p1 s14, $0x4  }
0x25: {  	s17 =	simm.s32 @!p1 $0x6400;
	s14 =	sadd.s32 @!p1 s14, s16;
	s16 =	simm.s32 @!p1 $0x40  }
0x26: {  	[tilespmem:s15], [sflag:$0x1] =	stream.strided.gather @!p1 [hbm4b:s14+s16], $0x2000, s17, s16, $0x38;
	[tilespmem:$0x8080] =	vst v63  }
0x27: {  	p1 =	sge.u32 s31, s5  }
.Ltmp2:
0x28: {  	_ = 	snop;
	(pc) =	sbr.rel @p1 .LBB1_5-.Ltmp2, $1  }
0x29: {  	_ =	sdelay $0x3  }
0x2a: {  	s14 =	simm.s32 $0x1  }
0x2b: {  	_ =	swait.ge [sflag:s4], $0x2000;
	s14 =	simm.s32 @!p0 $0x0  }
0x2c: {  	[sflag:s4] =	ssyncset.done $0x0;
	s15 =	sshll.u32 s14, $0xD  }
0x2d: {  	[sflag:s4] =	ssyncadd.s32 $0xFFFFE000;
	s18 =	sor.u32 $0x20, s15  }
0x2e: {  	s14 =	smul.u32 $0x8100, s14;
	v3 =	vld [tilespmem:s18+$0x10]  }
0x2f: {  	s30 =	sand.u32 $0x1, s11;
	v2 =	vld [tilespmem:s18+$0xFFFFFFF0]  }
0x30: {  	s15 =	smul.u32 $0x8100, s30;
	s14 =	sshrl.u32 s14, $0x2;
	v0 =	vld [tilespmem:s18+$0x0]  }
0x31: {  	v1 =	vld [tilespmem:s18+$0xFFFFFFE0];
	s16 =	sor.u32 $0x4000, s14  }
0x32: {  	s31 =	sshrl.u32 s15, $0x2;
	s15 =	sadd.s32 $0x0, s16  }
0x33: {  	s17 =	simm.s32 $0x4;
	s18 =	sadd.s32 $0x40, s18;
	s14 =	sor.u32 $0x4000, s31;
	[tilespmem:s15+$0x1830 ss:$0x81] =	vst.msk $0xffff, v3  }
.LBB1_3:
0x34: {  	v3 =	vld [tilespmem:s18+$0x10];
	p1 =	sne.s32 s17, $0x1FC;
	[tilespmem:s15+$0x810 ss:$0x81] =	vst.msk $0xffff, v2;
	s19 =	smov.u32 s17;
	s17 =	sadd.s32 $0x4, s17  }
.Ltmp3:
0x35: {  	v2 =	vld [tilespmem:s18+$0xFFFFFFF0];
	[tilespmem:s15+$0x1020 ss:$0x81] =	vst.msk $0xffff, v0;
	(pc) =	sbr.rel @p1 .LBB1_3-.Ltmp3, $4  }
0x36: {  	v0 =	vld [tilespmem:s18+$0x0];
	[tilespmem:s15+$0x0 ss:$0x81] =	vst.msk $0xffff, v1  }
0x37: {  	s15 =	sshra.s32 s19, $0x2;
	v1 =	vld [tilespmem:s18+$0xFFFFFFE0]  }
0x38: {  	s15 =	sadd.s32 s15, s16  }
0x39: {  	s18 =	sadd.s32 $0x40, s18;
	[tilespmem:s15+$0x1830 ss:$0x81] =	vst.msk $0xffff, v3  }
.Ltmp4:
0x3a: {  	_ = 	snop;
	(pc) =	sbr.rel .LBB1_4-.Ltmp4, $1  }
0x3b: {  	_ =	sdelay $0x3  }
.LBB1_6:
0x3c: {  	_ =	sfence.sel $0x180000  }
0x3d: {  	s2 =	simm.s32 $0x1;
	[bflag:$0x0] =	sbarrier.arrive $0xFFFF  }
0x3e: {  	s31 =	simm.s32 $0x2;
	[sflag:s2] =	ssyncpa.u1 $0x1  }
0x3f: {  	[sflag:s31] =	ssyncpa.u1 $0x1  }
0x40: {  	p0 =	sne.s32 s0, $0x0;
	_ =	strace $0x9000004A  }
0x41: {  	s0 =	sadd.s32 @!p0 $0x100000, s1;
	[bflag:$0x2] =	sbarrier.arrive $0xFFFF  }
0x42: {  	[sflag:s0] =	ssyncadd.tile.s32 @!p0 $0x1;
	_ =	shalt  }
.Lfunc_end1:
_tile_overlayer_lowered:
.L_overlay_start_2:
0x43: {  	(tag) =	ssettag $0x2  }
0x44: {  	s0 =	rddreg [dreg:$0x0];
	s2 =	stileid.u32  }
0x45: {  	s1 =	rddreg [dreg:$0x1];
	p0 =	sne.s32 s2, $0x0  }
0x46: {  	s3 =	rddreg [dreg:$0x2];
	[bflag:$0x3] =	sbarrier.arrive $0xFFFF;
	s2 =	simm.s32 @!p0 $0x1C01  }
0x47: {  	[timem:s3], [sflag:s2] =	dma.local @!p0 [hbm:s0], s1  }
0x48: {  	s0 =	simm.s32 @!p0 $0x1  }
0x49: {  	_ =	swait.ge @!p0 [sflag:s0], s1  }
0x4a: {  	s1 =	ssub.s32 @!p0 $0x0, s1;
	[sflag:s0] =	ssyncset.done @!p0 $0x0  }
0x4b: {  	[sflag:s0] =	ssyncadd.s32 @!p0 s1  }
0x4c: {  	[bflag:$0x3] =	sbarrier.arrive $0xFFFF  }
0x4d: {  	_ =	shalt  }

</sc_bundles>
